<compile_context>
chip_gen: v7x
topology: tpu7x:2x2x1
jax: 0.10.2.dev20260603
libtpu: 0.0.44.dev20260713+nightly
codegen_flags: <defaults>
</compile_context>

<pallas_src>
import functools

import jax
import jax.numpy as jnp
from jax import lax
from jax.experimental import pallas as pl
from jax.experimental.pallas import tpu as pltpu
from jax.experimental.pallas import tpu_sc as plsc

N = 10000
NE = 5000
N_PAD = 10112
NE_PAD = 5120
M = 320000
NT = 32
PER_TILE = M // NT
CH = 125
NCH = PER_TILE // CH

_MESH = plsc.VectorSubcoreMesh(core_axis_name="c", subcore_axis_name="s")


def _make_phase(r_out, dbuf):
  rows_per_tile = r_out // 16

  @functools.partial(
      pl.kernel,
      out_type=jax.ShapeDtypeStruct((2, r_out, 128), jnp.float32),
      mesh=_MESH,
      scratch_types=[
          pltpu.VMEM((2, NCH, CH), jnp.int32),
          pltpu.VMEM((2 if dbuf else 1, CH, 128), jnp.float32),
          pltpu.VMEM_SHARED((r_out, 128), jnp.float32),
          pltpu.SemaphoreType.DMA,
      ],
  )
  def phase(table, gidx, sidx, zeros, out, idx, bufs, acc, sem):
    c = lax.axis_index("c")
    s = lax.axis_index("s")
    wid = c * 16 + s
    gv = idx.at[0]
    sv = idx.at[1]
    buf0 = bufs.at[0]
    buf1 = bufs.at[1] if dbuf else bufs.at[0]
    pltpu.sync_copy(gidx.at[wid], gv)
    pltpu.sync_copy(sidx.at[wid], sv)

    @pl.when(s == 0)
    def _():
      pltpu.sync_copy(zeros, acc)

    plsc.subcore_barrier()

    if dbuf:
      pltpu.async_copy(table.at[gv.at[0]], buf0, sem)

      def body(j2, carry):
        j = 2 * j2
        pltpu.async_copy(table.at[gv.at[j + 1]], buf1, sem)
        pltpu.make_async_copy(table.at[gv.at[j]], buf0, sem).wait()
        pltpu.sync_copy(buf0, acc.at[sv.at[j]], add=True)

        @pl.when(j + 2 < NCH)
        def _():
          pltpu.async_copy(table.at[gv.at[j + 2]], buf0, sem)

        pltpu.make_async_copy(table.at[gv.at[j + 1]], buf1, sem).wait()
        pltpu.sync_copy(buf1, acc.at[sv.at[j + 1]], add=True)
        return carry

      lax.fori_loop(0, NCH // 2, body, 0)
    else:
      def body(j, carry):
        pltpu.async_copy(table.at[gv.at[j]], buf0, sem).wait()
        pltpu.sync_copy(buf0, acc.at[sv.at[j]], add=True)
        return carry

      lax.fori_loop(0, NCH, body, 0)
    plsc.subcore_barrier()
    r0 = s * rows_per_tile
    pltpu.sync_copy(acc.at[pl.ds(r0, rows_per_tile)],
                    out.at[c, pl.ds(r0, rows_per_tile)])

  return phase


_phase_n = _make_phase(N_PAD, dbuf=False)
_phase_e = _make_phase(NE_PAD, dbuf=True)
N2_PAD = 5120
_phase_n2 = _make_phase(N2_PAD, dbuf=True)


def _make_deg(r_out):
  rows_per_tile = r_out // 16

  @functools.partial(
      pl.kernel,
      out_type=jax.ShapeDtypeStruct((2, r_out, 128), jnp.float32),
      mesh=_MESH,
      scratch_types=[
          pltpu.VMEM((NCH, CH), jnp.int32),
          pltpu.VMEM((CH, 128), jnp.float32),
          pltpu.VMEM_SHARED((r_out, 128), jnp.float32),
      ],
  )
  def deg(sidx, ones, zeros, out, sv, ones_v, acc):
    c = lax.axis_index("c")
    s = lax.axis_index("s")
    wid = c * 16 + s
    pltpu.sync_copy(sidx.at[wid], sv)
    pltpu.sync_copy(ones, ones_v)

    @pl.when(s == 0)
    def _():
      pltpu.sync_copy(zeros, acc)

    plsc.subcore_barrier()

    def body(j, carry):
      pltpu.sync_copy(ones_v, acc.at[sv.at[j]], add=True)
      return carry

    lax.fori_loop(0, NCH, body, 0)
    plsc.subcore_barrier()
    r0 = s * rows_per_tile
    pltpu.sync_copy(acc.at[pl.ds(r0, rows_per_tile)],
                    out.at[c, pl.ds(r0, rows_per_tile)])

  return deg


_deg_n = _make_deg(N_PAD)
_deg_e = _make_deg(NE_PAD)


def _mm1_body(x_ref, w_ref, b_ref, dv_ref, de_ref, t1s_ref, dvis_ref,
              dei_ref):
  deg_v = dv_ref[0, 0:N, 0:1] + dv_ref[1, 0:N, 0:1]
  dvis = jnp.where(deg_v > 0, lax.rsqrt(deg_v), 0.0)
  deg_e = de_ref[0, :, 0:1] + de_ref[1, :, 0:1]
  dei_ref[...] = jnp.where(deg_e > 0, 1.0 / deg_e, 0.0)
  t1 = jnp.dot(x_ref[...], w_ref[...],
               preferred_element_type=jnp.float32) + b_ref[...]
  t1s_ref[...] = t1 * dvis
  dvis_ref[...] = dvis


def _comb_body(pe_ref, dei_ref, ef_ref):
  ef_ref[...] = (pe_ref[0] + pe_ref[1]) * dei_ref[...]


def _comb2_body(pe_ref, dei_ref, ef2_ref):
  ef = (pe_ref[0] + pe_ref[1]) * dei_ref[...]
  lo = ef[:, 0:64]
  z = jnp.zeros_like(lo)
  ef2_ref[...] = jnp.concatenate([lo, z, z, lo], axis=1)


def _mm2_body(pv_ref, dvis_ref, w_ref, b_ref, t2s_ref):
  h = jax.nn.relu((pv_ref[0, 0:N, :] + pv_ref[1, 0:N, :]) * dvis_ref[...])
  t2 = (jnp.dot(h, w_ref[...], preferred_element_type=jnp.float32)
        + b_ref[...]) * dvis_ref[...]
  t2s_ref[...] = jnp.concatenate([t2, jnp.zeros_like(t2)], axis=1)


def _out_body(pv_ref, dvis_ref, out_ref):
  out_ref[...] = (pv_ref[0, 0:N, :] + pv_ref[1, 0:N, :]) * dvis_ref[...]


def kernel(X, vertex_ids, hyperedge_ids, W1, b1, W2, b2):
  vids3 = vertex_ids.reshape(NT, NCH, CH)
  eids3 = hyperedge_ids.reshape(NT, NCH, CH)
  ones = jnp.ones((CH, 128), jnp.float32)
  zn128 = jnp.zeros((N_PAD, 128), jnp.float32)
  ze128 = jnp.zeros((NE_PAD, 128), jnp.float32)

  pv_deg = _deg_n(vids3, ones, zn128)
  pe_deg = _deg_e(eids3, ones, ze128)

  t1s, dvis, dei = pl.pallas_call(
      _mm1_body,
      out_shape=(jax.ShapeDtypeStruct((N, 128), jnp.float32),
                 jax.ShapeDtypeStruct((N, 1), jnp.float32),
                 jax.ShapeDtypeStruct((NE_PAD, 1), jnp.float32)),
  )(X, W1, b1.reshape(1, 128), pv_deg, pe_deg)

  pe1 = _phase_e(t1s, vids3, eids3, ze128)
  ef1 = pl.pallas_call(
      _comb_body,
      out_shape=jax.ShapeDtypeStruct((NE_PAD, 128), jnp.float32),
  )(pe1, dei)

  pv1 = _phase_n(ef1, eids3, vids3, zn128)
  t2s = pl.pallas_call(
      _mm2_body,
      out_shape=jax.ShapeDtypeStruct((N, 128), jnp.float32),
  )(pv1, dvis, W2, b2.reshape(1, 64))

  pe2 = _phase_e(t2s, vids3, eids3, ze128)
  ef2 = pl.pallas_call(
      _comb2_body,
      out_shape=jax.ShapeDtypeStruct((NE_PAD, 256), jnp.float32),
  )(pe2, dei).reshape(2 * NE_PAD, 128)

  gidx2 = (2 * hyperedge_ids + (vertex_ids & 1)).reshape(NT, NCH, CH)
  sidx2 = (vertex_ids >> 1).reshape(NT, NCH, CH)
  zn2 = jnp.zeros((N2_PAD, 128), jnp.float32)
  pv2 = _phase_n2(ef2, gidx2, sidx2, zn2).reshape(2, 2 * N2_PAD, 64)
  out = pl.pallas_call(
      _out_body,
      out_shape=jax.ShapeDtypeStruct((N, 64), jnp.float32),
  )(pv2, dvis)
  return out

# --- scband reference (transcript-rebuilt; emitter-appended) ---
"""Pipeline reference for scband-hgnn-18348100288550 (READ-ONLY COPY).

The authoritative reference and input builder live on the scoring server;
editing this copy changes nothing except your own understanding.
"""

import jax, jax.numpy as jnp
import numpy as np

N = 10000
NE = 5000
M = 320000
D_IN = 128
D_HID = 128
D_OUT = 64


def _smoothing_with_hgnn(X, vids, eids):
    # L_HGNN = D_v^{-1/2} H W_e D_e^{-1} H^T D_v^{-1/2}, W_e = I (unit edge weights)
    ones = jnp.ones(vids.shape[0], dtype=X.dtype)
    deg_v = jax.ops.segment_sum(ones, vids, num_segments=N)
    deg_e = jax.ops.segment_sum(ones, eids, num_segments=NE)
    dv_inv_sqrt = jnp.where(deg_v > 0, deg_v ** -0.5, 0.0)
    de_inv = jnp.where(deg_e > 0, 1.0 / deg_e, 0.0)
    Xs = X * dv_inv_sqrt[:, None]
    # vertex -> hyperedge aggregation: H^T (D_v^{-1/2} X)
    ef = jax.ops.segment_sum(jnp.take(Xs, vids, axis=0), eids, num_segments=NE)
    ef = ef * de_inv[:, None]
    # hyperedge -> vertex aggregation: H (D_e^{-1} ...)
    out = jnp.zeros_like(X).at[vids].add(jnp.take(ef, eids, axis=0))
    return out * dv_inv_sqrt[:, None]


def setup_inputs(seed: int = 0):
    key = jax.random.key(seed)
    ks = jax.random.split(key, 6)
    X = jax.random.normal(ks[0], (N, D_IN), dtype=jnp.float32)
    vertex_ids = jax.random.randint(ks[1], (M,), 0, N, dtype=jnp.int32)
    hyperedge_ids = jax.random.randint(ks[2], (M,), 0, NE, dtype=jnp.int32)
    W1 = jax.random.normal(ks[3], (D_IN, D_HID), dtype=jnp.float32) * (1.0 / np.sqrt(D_IN))
    b1 = jnp.zeros((D_HID,), dtype=jnp.float32)
    W2 = jax.random.normal(ks[4], (D_HID, D_OUT), dtype=jnp.float32) * (1.0 / np.sqrt(D_HID))
    b2 = jnp.zeros((D_OUT,), dtype=jnp.float32)
    return {"X": X, "vertex_ids": vertex_ids, "hyperedge_ids": hyperedge_ids,
            "W1": W1, "b1": b1, "W2": W2, "b2": b2}


def reference(X, vertex_ids, hyperedge_ids, W1, b1, W2, b2):
    # HGNNConv layer 1: theta -> smoothing -> relu (dropout inactive at eval)
    h = X @ W1 + b1
    h = _smoothing_with_hgnn(h, vertex_ids, hyperedge_ids)
    h = jax.nn.relu(h)
    # HGNNConv layer 2 (is_last=True): theta -> smoothing
    h = h @ W2 + b2
    h = _smoothing_with_hgnn(h, vertex_ids, hyperedge_ids)
    return h

if __name__ == "__main__":
    import jax
    _d = setup_inputs()
    print(jax.jit(kernel)(*tuple(_d.values())))

</pallas_src>

<mosaic_0001>
#map = affine_map<(d0, d1) -> (0, 0)>
#map1 = affine_map<(d0, d1) -> (0, 0, 0)>
module attributes {stable_mosaic.version = 14 : i64} {
  func.func @phase(%arg0: i32, %arg1: i32, %arg2: memref<10000x128xf32, #tpu.memory_space<hbm>>, %arg3: memref<32x80x125xi32, #tpu.memory_space<hbm>>, %arg4: memref<32x80x125xi32, #tpu.memory_space<hbm>>, %arg5: memref<5120x128xf32, #tpu.memory_space<hbm>>, %arg6: memref<2x5120x128xf32, #tpu.memory_space<hbm>>, %arg7: memref<2x80x125xi32, #tpu.memory_space<vmem>>, %arg8: memref<2x125x128xf32, #tpu.memory_space<vmem>>, %arg9: memref<5120x128xf32, #tpu.memory_space<vmem_shared>>, %arg10: memref<!tpu.dma_semaphore, #tpu.memory_space<semaphore_mem>>) attributes {dimension_semantics = [#tpu.dimension_semantics<core_parallel>, #tpu.dimension_semantics<subcore_parallel>], iteration_bounds = array<i64: 2, 16>, scalar_prefetch = 0 : i64, scratch_operands = 4 : i64, tpu.core_type = #tpu.core_type<sc_vector_subcore>, window_params = [{transform_indices = #map}, {transform_indices = #map1}, {transform_indices = #map1}, {transform_indices = #map}, {transform_indices = #map1}]} {
    %mul3A = arith.constant 16 : i32
    %mul3A_0 = arith.muli %arg0, %mul3A : i32
    %add3A = arith.addi %mul3A_0, %arg1 : i32
    %run_scoped3A = arith.constant 0 : i32
    "tpu.region"() ({
      %run_scoped3A_32 = tpu.sem_alloc : memref<!tpu.dma_semaphore, #tpu.memory_space<semaphore_mem>>
      %dma_start3A_33 = arith.constant 0 : i32
      %dma_start3A_34 = arith.constant 0 : i32
      %dma_start3A_35 = tpu.memref_slice %arg7[%run_scoped3A, %dma_start3A_33, %dma_start3A_34] : memref<2x80x125xi32, #tpu.memory_space<vmem>> -> memref<1x80x125xi32, #tpu.memory_space<vmem>>
      %dma_start3A_36 = tpu.memref_squeeze %dma_start3A_35 : memref<1x80x125xi32, #tpu.memory_space<vmem>> -> memref<80x125xi32, #tpu.memory_space<vmem>>
      %dma_start3A_37 = arith.constant 0 : i32
      %dma_start3A_38 = arith.constant 0 : i32
      %dma_start3A_39 = tpu.memref_slice %arg3[%add3A, %dma_start3A_37, %dma_start3A_38] : memref<32x80x125xi32, #tpu.memory_space<hbm>> -> memref<1x80x125xi32, #tpu.memory_space<hbm>>
      %dma_start3A_40 = tpu.memref_squeeze %dma_start3A_39 : memref<1x80x125xi32, #tpu.memory_space<hbm>> -> memref<80x125xi32, #tpu.memory_space<hbm>>
      %dma_start3A_41 = arith.constant 0 : i32
      %dma_start3A_42 = arith.constant 0 : i32
      %dma_start3A_43 = tpu.memref_slice %arg7[%run_scoped3A, %dma_start3A_41, %dma_start3A_42] : memref<2x80x125xi32, #tpu.memory_space<vmem>> -> memref<1x80x125xi32, #tpu.memory_space<vmem>>
      %dma_start3A_44 = tpu.memref_squeeze %dma_start3A_43 : memref<1x80x125xi32, #tpu.memory_space<vmem>> -> memref<80x125xi32, #tpu.memory_space<vmem>>
      %dma_start3A_45 = arith.constant 0 : i32
      %dma_start3A_46 = arith.constant 0 : i32
      %dma_start3A_47 = tpu.memref_slice %arg3[%add3A, %dma_start3A_45, %dma_start3A_46] : memref<32x80x125xi32, #tpu.memory_space<hbm>> -> memref<1x80x125xi32, #tpu.memory_space<hbm>>
      %dma_start3A_48 = tpu.memref_squeeze %dma_start3A_47 : memref<1x80x125xi32, #tpu.memory_space<hbm>> -> memref<80x125xi32, #tpu.memory_space<hbm>>
      tpu.enqueue_dma source(%dma_start3A_48 : memref<80x125xi32, #tpu.memory_space<hbm>>) target(%dma_start3A_44 : memref<80x125xi32, #tpu.memory_space<vmem>>) target_semaphore(%run_scoped3A_32 : memref<!tpu.dma_semaphore, #tpu.memory_space<semaphore_mem>>)
      %dma_wait3A = arith.constant 0 : i32
      %dma_wait3A_49 = arith.constant 0 : i32
      %dma_wait3A_50 = tpu.memref_slice %arg7[%run_scoped3A, %dma_wait3A, %dma_wait3A_49] : memref<2x80x125xi32, #tpu.memory_space<vmem>> -> memref<1x80x125xi32, #tpu.memory_space<vmem>>
      %dma_wait3A_51 = tpu.memref_squeeze %dma_wait3A_50 : memref<1x80x125xi32, #tpu.memory_space<vmem>> -> memref<80x125xi32, #tpu.memory_space<vmem>>
      %dma_wait3A_52 = arith.constant 0 : i32
      %dma_wait3A_53 = arith.constant 0 : i32
      %dma_wait3A_54 = tpu.memref_slice %arg3[%add3A, %dma_wait3A_52, %dma_wait3A_53] : memref<32x80x125xi32, #tpu.memory_space<hbm>> -> memref<1x80x125xi32, #tpu.memory_space<hbm>>
      %dma_wait3A_55 = tpu.memref_squeeze %dma_wait3A_54 : memref<1x80x125xi32, #tpu.memory_space<hbm>> -> memref<80x125xi32, #tpu.memory_space<hbm>>
      %dma_wait3A_56 = arith.constant 0 : i32
      %dma_wait3A_57 = arith.constant 0 : i32
      %dma_wait3A_58 = tpu.memref_slice %arg7[%run_scoped3A, %dma_wait3A_56, %dma_wait3A_57] : memref<2x80x125xi32, #tpu.memory_space<vmem>> -> memref<1x80x125xi32, #tpu.memory_space<vmem>>
      %dma_wait3A_59 = tpu.memref_squeeze %dma_wait3A_58 : memref<1x80x125xi32, #tpu.memory_space<vmem>> -> memref<80x125xi32, #tpu.memory_space<vmem>>
      %dma_wait3A_60 = arith.constant 0 : i32
      %dma_wait3A_61 = arith.constant 0 : i32
      %dma_wait3A_62 = tpu.memref_slice %arg3[%add3A, %dma_wait3A_60, %dma_wait3A_61] : memref<32x80x125xi32, #tpu.memory_space<hbm>> -> memref<1x80x125xi32, #tpu.memory_space<hbm>>
      %dma_wait3A_63 = tpu.memref_squeeze %dma_wait3A_62 : memref<1x80x125xi32, #tpu.memory_space<hbm>> -> memref<80x125xi32, #tpu.memory_space<hbm>>
      tpu.wait_dma2 semaphore(%run_scoped3A_32 : memref<!tpu.dma_semaphore, #tpu.memory_space<semaphore_mem>>) src(%dma_wait3A_63 : memref<80x125xi32, #tpu.memory_space<hbm>>) dst(%dma_wait3A_59 : memref<80x125xi32, #tpu.memory_space<vmem>>)
      tpu.yield
    }) : () -> ()
    %run_scoped3A_1 = arith.constant 1 : i32
    "tpu.region"() ({
      %run_scoped3A_32 = tpu.sem_alloc : memref<!tpu.dma_semaphore, #tpu.memory_space<semaphore_mem>>
      %dma_start3A_33 = arith.constant 0 : i32
      %dma_start3A_34 = arith.constant 0 : i32
      %dma_start3A_35 = tpu.memref_slice %arg7[%run_scoped3A_1, %dma_start3A_33, %dma_start3A_34] : memref<2x80x125xi32, #tpu.memory_space<vmem>> -> memref<1x80x125xi32, #tpu.memory_space<vmem>>
      %dma_start3A_36 = tpu.memref_squeeze %dma_start3A_35 : memref<1x80x125xi32, #tpu.memory_space<vmem>> -> memref<80x125xi32, #tpu.memory_space<vmem>>
      %dma_start3A_37 = arith.constant 0 : i32
      %dma_start3A_38 = arith.constant 0 : i32
      %dma_start3A_39 = tpu.memref_slice %arg4[%add3A, %dma_start3A_37, %dma_start3A_38] : memref<32x80x125xi32, #tpu.memory_space<hbm>> -> memref<1x80x125xi32, #tpu.memory_space<hbm>>
      %dma_start3A_40 = tpu.memref_squeeze %dma_start3A_39 : memref<1x80x125xi32, #tpu.memory_space<hbm>> -> memref<80x125xi32, #tpu.memory_space<hbm>>
      %dma_start3A_41 = arith.constant 0 : i32
      %dma_start3A_42 = arith.constant 0 : i32
      %dma_start3A_43 = tpu.memref_slice %arg7[%run_scoped3A_1, %dma_start3A_41, %dma_start3A_42] : memref<2x80x125xi32, #tpu.memory_space<vmem>> -> memref<1x80x125xi32, #tpu.memory_space<vmem>>
      %dma_start3A_44 = tpu.memref_squeeze %dma_start3A_43 : memref<1x80x125xi32, #tpu.memory_space<vmem>> -> memref<80x125xi32, #tpu.memory_space<vmem>>
      %dma_start3A_45 = arith.constant 0 : i32
      %dma_start3A_46 = arith.constant 0 : i32
      %dma_start3A_47 = tpu.memref_slice %arg4[%add3A, %dma_start3A_45, %dma_start3A_46] : memref<32x80x125xi32, #tpu.memory_space<hbm>> -> memref<1x80x125xi32, #tpu.memory_space<hbm>>
      %dma_start3A_48 = tpu.memref_squeeze %dma_start3A_47 : memref<1x80x125xi32, #tpu.memory_space<hbm>> -> memref<80x125xi32, #tpu.memory_space<hbm>>
      tpu.enqueue_dma source(%dma_start3A_48 : memref<80x125xi32, #tpu.memory_space<hbm>>) target(%dma_start3A_44 : memref<80x125xi32, #tpu.memory_space<vmem>>) target_semaphore(%run_scoped3A_32 : memref<!tpu.dma_semaphore, #tpu.memory_space<semaphore_mem>>)
      %dma_wait3A = arith.constant 0 : i32
      %dma_wait3A_49 = arith.constant 0 : i32
      %dma_wait3A_50 = tpu.memref_slice %arg7[%run_scoped3A_1, %dma_wait3A, %dma_wait3A_49] : memref<2x80x125xi32, #tpu.memory_space<vmem>> -> memref<1x80x125xi32, #tpu.memory_space<vmem>>
      %dma_wait3A_51 = tpu.memref_squeeze %dma_wait3A_50 : memref<1x80x125xi32, #tpu.memory_space<vmem>> -> memref<80x125xi32, #tpu.memory_space<vmem>>
      %dma_wait3A_52 = arith.constant 0 : i32
      %dma_wait3A_53 = arith.constant 0 : i32
      %dma_wait3A_54 = tpu.memref_slice %arg4[%add3A, %dma_wait3A_52, %dma_wait3A_53] : memref<32x80x125xi32, #tpu.memory_space<hbm>> -> memref<1x80x125xi32, #tpu.memory_space<hbm>>
      %dma_wait3A_55 = tpu.memref_squeeze %dma_wait3A_54 : memref<1x80x125xi32, #tpu.memory_space<hbm>> -> memref<80x125xi32, #tpu.memory_space<hbm>>
      %dma_wait3A_56 = arith.constant 0 : i32
      %dma_wait3A_57 = arith.constant 0 : i32
      %dma_wait3A_58 = tpu.memref_slice %arg7[%run_scoped3A_1, %dma_wait3A_56, %dma_wait3A_57] : memref<2x80x125xi32, #tpu.memory_space<vmem>> -> memref<1x80x125xi32, #tpu.memory_space<vmem>>
      %dma_wait3A_59 = tpu.memref_squeeze %dma_wait3A_58 : memref<1x80x125xi32, #tpu.memory_space<vmem>> -> memref<80x125xi32, #tpu.memory_space<vmem>>
      %dma_wait3A_60 = arith.constant 0 : i32
      %dma_wait3A_61 = arith.constant 0 : i32
      %dma_wait3A_62 = tpu.memref_slice %arg4[%add3A, %dma_wait3A_60, %dma_wait3A_61] : memref<32x80x125xi32, #tpu.memory_space<hbm>> -> memref<1x80x125xi32, #tpu.memory_space<hbm>>
      %dma_wait3A_63 = tpu.memref_squeeze %dma_wait3A_62 : memref<1x80x125xi32, #tpu.memory_space<hbm>> -> memref<80x125xi32, #tpu.memory_space<hbm>>
      tpu.wait_dma2 semaphore(%run_scoped3A_32 : memref<!tpu.dma_semaphore, #tpu.memory_space<semaphore_mem>>) src(%dma_wait3A_63 : memref<80x125xi32, #tpu.memory_space<hbm>>) dst(%dma_wait3A_59 : memref<80x125xi32, #tpu.memory_space<vmem>>)
      tpu.yield
    }) : () -> ()
    %eq3A = arith.constant 0 : i32
    %eq3A_2 = arith.cmpi eq, %arg1, %eq3A : i32
    %convert_element_type3A = arith.extui %eq3A_2 : i1 to i32
    %cond3A = arith.constant 0 : i32
    %cond3A_3 = arith.cmpi ne, %convert_element_type3A, %cond3A : i32
    scf.if %cond3A_3 {
      "tpu.region"() ({
        %run_scoped3A_32 = tpu.sem_alloc : memref<!tpu.dma_semaphore, #tpu.memory_space<semaphore_mem>>
        tpu.enqueue_dma source(%arg5 : memref<5120x128xf32, #tpu.memory_space<hbm>>) target(%arg9 : memref<5120x128xf32, #tpu.memory_space<vmem_shared>>) target_semaphore(%run_scoped3A_32 : memref<!tpu.dma_semaphore, #tpu.memory_space<semaphore_mem>>)
        tpu.wait_dma2 semaphore(%run_scoped3A_32 : memref<!tpu.dma_semaphore, #tpu.memory_space<semaphore_mem>>) src(%arg5 : memref<5120x128xf32, #tpu.memory_space<hbm>>) dst(%arg9 : memref<5120x128xf32, #tpu.memory_space<vmem_shared>>)
        tpu.yield
      }) : () -> ()
    } else {
    }
    %barrier3A = arith.constant 0 : index
    tpu.barrier barrier_id(%barrier3A)
    %dma_start3A = arith.constant 0 : i32
    %dma_start3A_4 = arith.constant 0 : i32
    %dma_start3A_5 = arith.constant 0 : i32
    %dma_start3A_6 = arith.constant 0 : i32
    %dma_start3A_7 = arith.constant 0 : i32
    %dma_start3A_8 = tpu.memref_slice %arg8[%dma_start3A_5, %dma_start3A_6, %dma_start3A_7] : memref<2x125x128xf32, #tpu.memory_space<vmem>> -> memref<1x125x128xf32, #tpu.memory_space<vmem>>
    %dma_start3A_9 = tpu.memref_squeeze %dma_start3A_8 : memref<1x125x128xf32, #tpu.memory_space<vmem>> -> memref<125x128xf32, #tpu.memory_space<vmem>>
    %dma_start3A_10 = arith.constant 0 : i32
    %dma_start3A_11 = arith.constant 0 : i32
    %dma_start3A_12 = tpu.memref_slice %arg7[%dma_start3A, %dma_start3A_10, %dma_start3A_11] : memref<2x80x125xi32, #tpu.memory_space<vmem>> -> memref<1x80x125xi32, #tpu.memory_space<vmem>>
    %dma_start3A_13 = tpu.memref_squeeze %dma_start3A_12 : memref<1x80x125xi32, #tpu.memory_space<vmem>> -> memref<80x125xi32, #tpu.memory_space<vmem>>
    %dma_start3A_14 = arith.constant 0 : i32
    %dma_start3A_15 = tpu.memref_slice %dma_start3A_13[%dma_start3A_4, %dma_start3A_14] : memref<80x125xi32, #tpu.memory_space<vmem>> -> memref<1x125xi32, #tpu.memory_space<vmem>>
    %dma_start3A_16 = tpu.memref_squeeze %dma_start3A_15 : memref<1x125xi32, #tpu.memory_space<vmem>> -> memref<125xi32, #tpu.memory_space<vmem>>
    %dma_start3A_17 = arith.constant 0 : i32
    %dma_start3A_18 = arith.constant 0 : i32
    %dma_start3A_19 = tpu.memref_slice %arg2[%dma_start3A_17, %dma_start3A_18] : memref<10000x128xf32, #tpu.memory_space<hbm>> -> memref<10000x128xf32, #tpu.memory_space<hbm>>
    tpu.enqueue_indirect_dma source(%dma_start3A_19 : memref<10000x128xf32, #tpu.memory_space<hbm>>) target(%dma_start3A_9 : memref<125x128xf32, #tpu.memory_space<vmem>>) offsets(%dma_start3A_16 : memref<125xi32, #tpu.memory_space<vmem>>) semaphore(%arg10 : memref<!tpu.dma_semaphore, #tpu.memory_space<semaphore_mem>>)
    %scan3A = arith.constant 0 : i32
    %scan3A_20 = arith.constant 0 : i32
    %scan3A_21 = arith.constant 1 : i32
    %scan3A_22 = arith.constant 0 : i32
    %scan3A_23 = arith.constant 1 : i32
    %scan3A_24 = arith.constant 0 : i32
    %scan3A_25 = arith.constant 40 : i32
    %scan3A_26 = arith.addi %scan3A_24, %scan3A_25 : i32
    %scan3A_27 = arith.constant 1 : i32
    scf.for %scan3A_32 = %scan3A_24 to %scan3A_26 step %scan3A_27  : i32 {
      %mul3A_33 = arith.constant 2 : i32
      %mul3A_34 = arith.muli %mul3A_33, %scan3A_32 : i32
      %add3A_35 = arith.constant 1 : i32
      %add3A_36 = arith.addi %mul3A_34, %add3A_35 : i32
      %dma_start3A_37 = arith.constant 0 : i32
      %dma_start3A_38 = arith.constant 0 : i32
      %dma_start3A_39 = tpu.memref_slice %arg8[%scan3A_21, %dma_start3A_37, %dma_start3A_38] : memref<2x125x128xf32, #tpu.memory_space<vmem>> -> memref<1x125x128xf32, #tpu.memory_space<vmem>>
      %dma_start3A_40 = tpu.memref_squeeze %dma_start3A_39 : memref<1x125x128xf32, #tpu.memory_space<vmem>> -> memref<125x128xf32, #tpu.memory_space<vmem>>
      %dma_start3A_41 = arith.constant 0 : i32
      %dma_start3A_42 = arith.constant 0 : i32
      %dma_start3A_43 = tpu.memref_slice %arg7[%scan3A_20, %dma_start3A_41, %dma_start3A_42] : memref<2x80x125xi32, #tpu.memory_space<vmem>> -> memref<1x80x125xi32, #tpu.memory_space<vmem>>
      %dma_start3A_44 = tpu.memref_squeeze %dma_start3A_43 : memref<1x80x125xi32, #tpu.memory_space<vmem>> -> memref<80x125xi32, #tpu.memory_space<vmem>>
      %dma_start3A_45 = arith.constant 0 : i32
      %dma_start3A_46 = tpu.memref_slice %dma_start3A_44[%add3A_36, %dma_start3A_45] : memref<80x125xi32, #tpu.memory_space<vmem>> -> memref<1x125xi32, #tpu.memory_space<vmem>>
      %dma_start3A_47 = tpu.memref_squeeze %dma_start3A_46 : memref<1x125xi32, #tpu.memory_space<vmem>> -> memref<125xi32, #tpu.memory_space<vmem>>
      %dma_start3A_48 = arith.constant 0 : i32
      %dma_start3A_49 = arith.constant 0 : i32
      %dma_start3A_50 = tpu.memref_slice %arg2[%dma_start3A_48, %dma_start3A_49] : memref<10000x128xf32, #tpu.memory_space<hbm>> -> memref<10000x128xf32, #tpu.memory_space<hbm>>
      tpu.enqueue_indirect_dma source(%dma_start3A_50 : memref<10000x128xf32, #tpu.memory_space<hbm>>) target(%dma_start3A_40 : memref<125x128xf32, #tpu.memory_space<vmem>>) offsets(%dma_start3A_47 : memref<125xi32, #tpu.memory_space<vmem>>) semaphore(%arg10 : memref<!tpu.dma_semaphore, #tpu.memory_space<semaphore_mem>>)
      %dma_wait3A = arith.constant 0 : i32
      %dma_wait3A_51 = arith.constant 0 : i32
      %dma_wait3A_52 = tpu.memref_slice %arg8[%scan3A_22, %dma_wait3A, %dma_wait3A_51] : memref<2x125x128xf32, #tpu.memory_space<vmem>> -> memref<1x125x128xf32, #tpu.memory_space<vmem>>
      %dma_wait3A_53 = tpu.memref_squeeze %dma_wait3A_52 : memref<1x125x128xf32, #tpu.memory_space<vmem>> -> memref<125x128xf32, #tpu.memory_space<vmem>>
      %dma_wait3A_54 = arith.constant 0 : i32
      %dma_wait3A_55 = arith.constant 0 : i32
      %dma_wait3A_56 = tpu.memref_slice %arg7[%scan3A_20, %dma_wait3A_54, %dma_wait3A_55] : memref<2x80x125xi32, #tpu.memory_space<vmem>> -> memref<1x80x125xi32, #tpu.memory_space<vmem>>
      %dma_wait3A_57 = tpu.memref_squeeze %dma_wait3A_56 : memref<1x80x125xi32, #tpu.memory_space<vmem>> -> memref<80x125xi32, #tpu.memory_space<vmem>>
      %dma_wait3A_58 = arith.constant 0 : i32
      %dma_wait3A_59 = tpu.memref_slice %dma_wait3A_57[%mul3A_34, %dma_wait3A_58] : memref<80x125xi32, #tpu.memory_space<vmem>> -> memref<1x125xi32, #tpu.memory_space<vmem>>
      %dma_wait3A_60 = tpu.memref_squeeze %dma_wait3A_59 : memref<1x125xi32, #tpu.memory_space<vmem>> -> memref<125xi32, #tpu.memory_space<vmem>>
      %dma_wait3A_61 = arith.constant 0 : i32
      %dma_wait3A_62 = arith.constant 0 : i32
      %dma_wait3A_63 = tpu.memref_slice %arg2[%dma_wait3A_61, %dma_wait3A_62] : memref<10000x128xf32, #tpu.memory_space<hbm>> -> memref<10000x128xf32, #tpu.memory_space<hbm>>
      tpu.wait_indirect_dma semaphore(%arg10 : memref<!tpu.dma_semaphore, #tpu.memory_space<semaphore_mem>>) src(%dma_wait3A_63 : memref<10000x128xf32, #tpu.memory_space<hbm>>) dst(%dma_wait3A_53 : memref<125x128xf32, #tpu.memory_space<vmem>>)
      "tpu.region"() ({
        %run_scoped3A_88 = tpu.sem_alloc : memref<!tpu.dma_semaphore, #tpu.memory_space<semaphore_mem>>
        %dma_start3A_89 = arith.constant 0 : i32
        %dma_start3A_90 = arith.constant 0 : i32
        %dma_start3A_91 = tpu.memref_slice %arg8[%scan3A_22, %dma_start3A_89, %dma_start3A_90] : memref<2x125x128xf32, #tpu.memory_space<vmem>> -> memref<1x125x128xf32, #tpu.memory_space<vmem>>
        %dma_start3A_92 = tpu.memref_squeeze %dma_start3A_91 : memref<1x125x128xf32, #tpu.memory_space<vmem>> -> memref<125x128xf32, #tpu.memory_space<vmem>>
        %dma_start3A_93 = arith.constant 0 : i32
        %dma_start3A_94 = arith.constant 0 : i32
        %dma_start3A_95 = tpu.memref_slice %arg7[%scan3A_23, %dma_start3A_93, %dma_start3A_94] : memref<2x80x125xi32, #tpu.memory_space<vmem>> -> memref<1x80x125xi32, #tpu.memory_space<vmem>>
        %dma_start3A_96 = tpu.memref_squeeze %dma_start3A_95 : memref<1x80x125xi32, #tpu.memory_space<vmem>> -> memref<80x125xi32, #tpu.memory_space<vmem>>
        %dma_start3A_97 = arith.constant 0 : i32
        %dma_start3A_98 = tpu.memref_slice %dma_start3A_96[%mul3A_34, %dma_start3A_97] : memref<80x125xi32, #tpu.memory_space<vmem>> -> memref<1x125xi32, #tpu.memory_space<vmem>>
        %dma_start3A_99 = tpu.memref_squeeze %dma_start3A_98 : memref<1x125xi32, #tpu.memory_space<vmem>> -> memref<125xi32, #tpu.memory_space<vmem>>
        %dma_start3A_100 = arith.constant 0 : i32
        %dma_start3A_101 = arith.constant 0 : i32
        %dma_start3A_102 = tpu.memref_slice %arg9[%dma_start3A_100, %dma_start3A_101] : memref<5120x128xf32, #tpu.memory_space<vmem_shared>> -> memref<5120x128xf32, #tpu.memory_space<vmem_shared>>
        tpu.enqueue_indirect_dma source(%dma_start3A_92 : memref<125x128xf32, #tpu.memory_space<vmem>>) target(%dma_start3A_102 : memref<5120x128xf32, #tpu.memory_space<vmem_shared>>) offsets(%dma_start3A_99 : memref<125xi32, #tpu.memory_space<vmem>>) semaphore(%run_scoped3A_88 : memref<!tpu.dma_semaphore, #tpu.memory_space<semaphore_mem>>) {add = true}
        %dma_wait3A_103 = arith.constant 0 : i32
        %dma_wait3A_104 = arith.constant 0 : i32
        %dma_wait3A_105 = tpu.memref_slice %arg8[%scan3A_22, %dma_wait3A_103, %dma_wait3A_104] : memref<2x125x128xf32, #tpu.memory_space<vmem>> -> memref<1x125x128xf32, #tpu.memory_space<vmem>>
        %dma_wait3A_106 = tpu.memref_squeeze %dma_wait3A_105 : memref<1x125x128xf32, #tpu.memory_space<vmem>> -> memref<125x128xf32, #tpu.memory_space<vmem>>
        %dma_wait3A_107 = arith.constant 0 : i32
        %dma_wait3A_108 = arith.constant 0 : i32
        %dma_wait3A_109 = tpu.memref_slice %arg7[%scan3A_23, %dma_wait3A_107, %dma_wait3A_108] : memref<2x80x125xi32, #tpu.memory_space<vmem>> -> memref<1x80x125xi32, #tpu.memory_space<vmem>>
        %dma_wait3A_110 = tpu.memref_squeeze %dma_wait3A_109 : memref<1x80x125xi32, #tpu.memory_space<vmem>> -> memref<80x125xi32, #tpu.memory_space<vmem>>
        %dma_wait3A_111 = arith.constant 0 : i32
        %dma_wait3A_112 = tpu.memref_slice %dma_wait3A_110[%mul3A_34, %dma_wait3A_111] : memref<80x125xi32, #tpu.memory_space<vmem>> -> memref<1x125xi32, #tpu.memory_space<vmem>>
        %dma_wait3A_113 = tpu.memref_squeeze %dma_wait3A_112 : memref<1x125xi32, #tpu.memory_space<vmem>> -> memref<125xi32, #tpu.memory_space<vmem>>
        %dma_wait3A_114 = arith.constant 0 : i32
        %dma_wait3A_115 = arith.constant 0 : i32
        %dma_wait3A_116 = tpu.memref_slice %arg9[%dma_wait3A_114, %dma_wait3A_115] : memref<5120x128xf32, #tpu.memory_space<vmem_shared>> -> memref<5120x128xf32, #tpu.memory_space<vmem_shared>>
        tpu.wait_indirect_dma semaphore(%run_scoped3A_88 : memref<!tpu.dma_semaphore, #tpu.memory_space<semaphore_mem>>) src(%dma_wait3A_106 : memref<125x128xf32, #tpu.memory_space<vmem>>) dst(%dma_wait3A_116 : memref<5120x128xf32, #tpu.memory_space<vmem_shared>>)
        tpu.yield
      }) : () -> ()
      %add3A_64 = arith.constant 2 : i32
      %add3A_65 = arith.addi %mul3A_34, %add3A_64 : i32
      %lt3A = arith.constant 80 : i32
      %lt3A_66 = arith.cmpi slt, %add3A_65, %lt3A : i32
      %convert_element_type3A_67 = arith.extui %lt3A_66 : i1 to i32
      %cond3A_68 = arith.constant 0 : i32
      %cond3A_69 = arith.cmpi ne, %convert_element_type3A_67, %cond3A_68 : i32
      scf.if %cond3A_69 {
        %add3A_88 = arith.constant 2 : i32
        %add3A_89 = arith.addi %mul3A_34, %add3A_88 : i32
        %dma_start3A_90 = arith.constant 0 : i32
        %dma_start3A_91 = arith.constant 0 : i32
        %dma_start3A_92 = tpu.memref_slice %arg8[%scan3A_22, %dma_start3A_90, %dma_start3A_91] : memref<2x125x128xf32, #tpu.memory_space<vmem>> -> memref<1x125x128xf32, #tpu.memory_space<vmem>>
        %dma_start3A_93 = tpu.memref_squeeze %dma_start3A_92 : memref<1x125x128xf32, #tpu.memory_space<vmem>> -> memref<125x128xf32, #tpu.memory_space<vmem>>
        %dma_start3A_94 = arith.constant 0 : i32
        %dma_start3A_95 = arith.constant 0 : i32
        %dma_start3A_96 = tpu.memref_slice %arg7[%scan3A_20, %dma_start3A_94, %dma_start3A_95] : memref<2x80x125xi32, #tpu.memory_space<vmem>> -> memref<1x80x125xi32, #tpu.memory_space<vmem>>
        %dma_start3A_97 = tpu.memref_squeeze %dma_start3A_96 : memref<1x80x125xi32, #tpu.memory_space<vmem>> -> memref<80x125xi32, #tpu.memory_space<vmem>>
        %dma_start3A_98 = arith.constant 0 : i32
        %dma_start3A_99 = tpu.memref_slice %dma_start3A_97[%add3A_89, %dma_start3A_98] : memref<80x125xi32, #tpu.memory_space<vmem>> -> memref<1x125xi32, #tpu.memory_space<vmem>>
        %dma_start3A_100 = tpu.memref_squeeze %dma_start3A_99 : memref<1x125xi32, #tpu.memory_space<vmem>> -> memref<125xi32, #tpu.memory_space<vmem>>
        %dma_start3A_101 = arith.constant 0 : i32
        %dma_start3A_102 = arith.constant 0 : i32
        %dma_start3A_103 = tpu.memref_slice %arg2[%dma_start3A_101, %dma_start3A_102] : memref<10000x128xf32, #tpu.memory_space<hbm>> -> memref<10000x128xf32, #tpu.memory_space<hbm>>
        tpu.enqueue_indirect_dma source(%dma_start3A_103 : memref<10000x128xf32, #tpu.memory_space<hbm>>) target(%dma_start3A_93 : memref<125x128xf32, #tpu.memory_space<vmem>>) offsets(%dma_start3A_100 : memref<125xi32, #tpu.memory_space<vmem>>) semaphore(%arg10 : memref<!tpu.dma_semaphore, #tpu.memory_space<semaphore_mem>>)
      } else {
      }
      %add3A_70 = arith.constant 1 : i32
      %add3A_71 = arith.addi %mul3A_34, %add3A_70 : i32
      %dma_wait3A_72 = arith.constant 0 : i32
      %dma_wait3A_73 = arith.constant 0 : i32
      %dma_wait3A_74 = tpu.memref_slice %arg8[%scan3A_21, %dma_wait3A_72, %dma_wait3A_73] : memref<2x125x128xf32, #tpu.memory_space<vmem>> -> memref<1x125x128xf32, #tpu.memory_space<vmem>>
      %dma_wait3A_75 = tpu.memref_squeeze %dma_wait3A_74 : memref<1x125x128xf32, #tpu.memory_space<vmem>> -> memref<125x128xf32, #tpu.memory_space<vmem>>
      %dma_wait3A_76 = arith.constant 0 : i32
      %dma_wait3A_77 = arith.constant 0 : i32
      %dma_wait3A_78 = tpu.memref_slice %arg7[%scan3A_20, %dma_wait3A_76, %dma_wait3A_77] : memref<2x80x125xi32, #tpu.memory_space<vmem>> -> memref<1x80x125xi32, #tpu.memory_space<vmem>>
      %dma_wait3A_79 = tpu.memref_squeeze %dma_wait3A_78 : memref<1x80x125xi32, #tpu.memory_space<vmem>> -> memref<80x125xi32, #tpu.memory_space<vmem>>
      %dma_wait3A_80 = arith.constant 0 : i32
      %dma_wait3A_81 = tpu.memref_slice %dma_wait3A_79[%add3A_71, %dma_wait3A_80] : memref<80x125xi32, #tpu.memory_space<vmem>> -> memref<1x125xi32, #tpu.memory_space<vmem>>
      %dma_wait3A_82 = tpu.memref_squeeze %dma_wait3A_81 : memref<1x125xi32, #tpu.memory_space<vmem>> -> memref<125xi32, #tpu.memory_space<vmem>>
      %dma_wait3A_83 = arith.constant 0 : i32
      %dma_wait3A_84 = arith.constant 0 : i32
      %dma_wait3A_85 = tpu.memref_slice %arg2[%dma_wait3A_83, %dma_wait3A_84] : memref<10000x128xf32, #tpu.memory_space<hbm>> -> memref<10000x128xf32, #tpu.memory_space<hbm>>
      tpu.wait_indirect_dma semaphore(%arg10 : memref<!tpu.dma_semaphore, #tpu.memory_space<semaphore_mem>>) src(%dma_wait3A_85 : memref<10000x128xf32, #tpu.memory_space<hbm>>) dst(%dma_wait3A_75 : memref<125x128xf32, #tpu.memory_space<vmem>>)
      %add3A_86 = arith.constant 1 : i32
      %add3A_87 = arith.addi %mul3A_34, %add3A_86 : i32
      "tpu.region"() ({
        %run_scoped3A_88 = tpu.sem_alloc : memref<!tpu.dma_semaphore, #tpu.memory_space<semaphore_mem>>
        %dma_start3A_89 = arith.constant 0 : i32
        %dma_start3A_90 = arith.constant 0 : i32
        %dma_start3A_91 = tpu.memref_slice %arg8[%scan3A_21, %dma_start3A_89, %dma_start3A_90] : memref<2x125x128xf32, #tpu.memory_space<vmem>> -> memref<1x125x128xf32, #tpu.memory_space<vmem>>
        %dma_start3A_92 = tpu.memref_squeeze %dma_start3A_91 : memref<1x125x128xf32, #tpu.memory_space<vmem>> -> memref<125x128xf32, #tpu.memory_space<vmem>>
        %dma_start3A_93 = arith.constant 0 : i32
        %dma_start3A_94 = arith.constant 0 : i32
        %dma_start3A_95 = tpu.memref_slice %arg7[%scan3A_23, %dma_start3A_93, %dma_start3A_94] : memref<2x80x125xi32, #tpu.memory_space<vmem>> -> memref<1x80x125xi32, #tpu.memory_space<vmem>>
        %dma_start3A_96 = tpu.memref_squeeze %dma_start3A_95 : memref<1x80x125xi32, #tpu.memory_space<vmem>> -> memref<80x125xi32, #tpu.memory_space<vmem>>
        %dma_start3A_97 = arith.constant 0 : i32
        %dma_start3A_98 = tpu.memref_slice %dma_start3A_96[%add3A_87, %dma_start3A_97] : memref<80x125xi32, #tpu.memory_space<vmem>> -> memref<1x125xi32, #tpu.memory_space<vmem>>
        %dma_start3A_99 = tpu.memref_squeeze %dma_start3A_98 : memref<1x125xi32, #tpu.memory_space<vmem>> -> memref<125xi32, #tpu.memory_space<vmem>>
        %dma_start3A_100 = arith.constant 0 : i32
        %dma_start3A_101 = arith.constant 0 : i32
        %dma_start3A_102 = tpu.memref_slice %arg9[%dma_start3A_100, %dma_start3A_101] : memref<5120x128xf32, #tpu.memory_space<vmem_shared>> -> memref<5120x128xf32, #tpu.memory_space<vmem_shared>>
        tpu.enqueue_indirect_dma source(%dma_start3A_92 : memref<125x128xf32, #tpu.memory_space<vmem>>) target(%dma_start3A_102 : memref<5120x128xf32, #tpu.memory_space<vmem_shared>>) offsets(%dma_start3A_99 : memref<125xi32, #tpu.memory_space<vmem>>) semaphore(%run_scoped3A_88 : memref<!tpu.dma_semaphore, #tpu.memory_space<semaphore_mem>>) {add = true}
        %dma_wait3A_103 = arith.constant 0 : i32
        %dma_wait3A_104 = arith.constant 0 : i32
        %dma_wait3A_105 = tpu.memref_slice %arg8[%scan3A_21, %dma_wait3A_103, %dma_wait3A_104] : memref<2x125x128xf32, #tpu.memory_space<vmem>> -> memref<1x125x128xf32, #tpu.memory_space<vmem>>
        %dma_wait3A_106 = tpu.memref_squeeze %dma_wait3A_105 : memref<1x125x128xf32, #tpu.memory_space<vmem>> -> memref<125x128xf32, #tpu.memory_space<vmem>>
        %dma_wait3A_107 = arith.constant 0 : i32
        %dma_wait3A_108 = arith.constant 0 : i32
        %dma_wait3A_109 = tpu.memref_slice %arg7[%scan3A_23, %dma_wait3A_107, %dma_wait3A_108] : memref<2x80x125xi32, #tpu.memory_space<vmem>> -> memref<1x80x125xi32, #tpu.memory_space<vmem>>
        %dma_wait3A_110 = tpu.memref_squeeze %dma_wait3A_109 : memref<1x80x125xi32, #tpu.memory_space<vmem>> -> memref<80x125xi32, #tpu.memory_space<vmem>>
        %dma_wait3A_111 = arith.constant 0 : i32
        %dma_wait3A_112 = tpu.memref_slice %dma_wait3A_110[%add3A_87, %dma_wait3A_111] : memref<80x125xi32, #tpu.memory_space<vmem>> -> memref<1x125xi32, #tpu.memory_space<vmem>>
        %dma_wait3A_113 = tpu.memref_squeeze %dma_wait3A_112 : memref<1x125xi32, #tpu.memory_space<vmem>> -> memref<125xi32, #tpu.memory_space<vmem>>
        %dma_wait3A_114 = arith.constant 0 : i32
        %dma_wait3A_115 = arith.constant 0 : i32
        %dma_wait3A_116 = tpu.memref_slice %arg9[%dma_wait3A_114, %dma_wait3A_115] : memref<5120x128xf32, #tpu.memory_space<vmem_shared>> -> memref<5120x128xf32, #tpu.memory_space<vmem_shared>>
        tpu.wait_indirect_dma semaphore(%run_scoped3A_88 : memref<!tpu.dma_semaphore, #tpu.memory_space<semaphore_mem>>) src(%dma_wait3A_106 : memref<125x128xf32, #tpu.memory_space<vmem>>) dst(%dma_wait3A_116 : memref<5120x128xf32, #tpu.memory_space<vmem_shared>>)
        tpu.yield
      }) : () -> ()
    }
    %scan3A_28 = arith.constant 40 : i32
    %barrier3A_29 = arith.constant 0 : index
    tpu.barrier barrier_id(%barrier3A_29)
    %mul3A_30 = arith.constant 320 : i32
    %mul3A_31 = arith.muli %arg1, %mul3A_30 : i32
    "tpu.region"() ({
      %run_scoped3A_32 = tpu.sem_alloc : memref<!tpu.dma_semaphore, #tpu.memory_space<semaphore_mem>>
      %dma_start3A_33 = arith.constant 0 : i32
      %dma_start3A_34 = tpu.memref_slice %arg6[%arg0, %mul3A_31, %dma_start3A_33] : memref<2x5120x128xf32, #tpu.memory_space<hbm>> -> memref<1x320x128xf32, #tpu.memory_space<hbm>>
      %dma_start3A_35 = tpu.memref_squeeze %dma_start3A_34 : memref<1x320x128xf32, #tpu.memory_space<hbm>> -> memref<320x128xf32, #tpu.memory_space<hbm>>
      %dma_start3A_36 = arith.constant 0 : i32
      %dma_start3A_37 = tpu.memref_slice %arg9[%mul3A_31, %dma_start3A_36] : memref<5120x128xf32, #tpu.memory_space<vmem_shared>> -> memref<320x128xf32, #tpu.memory_space<vmem_shared>>
      tpu.enqueue_dma source(%dma_start3A_37 : memref<320x128xf32, #tpu.memory_space<vmem_shared>>) target(%dma_start3A_35 : memref<320x128xf32, #tpu.memory_space<hbm>>) target_semaphore(%run_scoped3A_32 : memref<!tpu.dma_semaphore, #tpu.memory_space<semaphore_mem>>)
      %dma_wait3A = arith.constant 0 : i32
      %dma_wait3A_38 = tpu.memref_slice %arg6[%arg0, %mul3A_31, %dma_wait3A] : memref<2x5120x128xf32, #tpu.memory_space<hbm>> -> memref<1x320x128xf32, #tpu.memory_space<hbm>>
      %dma_wait3A_39 = tpu.memref_squeeze %dma_wait3A_38 : memref<1x320x128xf32, #tpu.memory_space<hbm>> -> memref<320x128xf32, #tpu.memory_space<hbm>>
      %dma_wait3A_40 = arith.constant 0 : i32
      %dma_wait3A_41 = tpu.memref_slice %arg9[%mul3A_31, %dma_wait3A_40] : memref<5120x128xf32, #tpu.memory_space<vmem_shared>> -> memref<320x128xf32, #tpu.memory_space<vmem_shared>>
      tpu.wait_dma2 semaphore(%run_scoped3A_32 : memref<!tpu.dma_semaphore, #tpu.memory_space<semaphore_mem>>) src(%dma_wait3A_41 : memref<320x128xf32, #tpu.memory_space<vmem_shared>>) dst(%dma_wait3A_39 : memref<320x128xf32, #tpu.memory_space<hbm>>)
      tpu.yield
    }) : () -> ()
    return
  }
}

#map = affine_map<(d0, d1) -> (0, 0, 0)>
#map1 = affine_map<(d0, d1) -> (0, 0)>
module attributes {stable_mosaic.version = 14 : i64} {
  func.func @deg(%arg0: i32, %arg1: i32, %arg2: memref<32x80x125xi32, #tpu.memory_space<hbm>>, %arg3: memref<125x128xf32, #tpu.memory_space<hbm>>, %arg4: memref<5120x128xf32, #tpu.memory_space<hbm>>, %arg5: memref<2x5120x128xf32, #tpu.memory_space<hbm>>, %arg6: memref<80x125xi32, #tpu.memory_space<vmem>>, %arg7: memref<125x128xf32, #tpu.memory_space<vmem>>, %arg8: memref<5120x128xf32, #tpu.memory_space<vmem_shared>>) attributes {dimension_semantics = [#tpu.dimension_semantics<core_parallel>, #tpu.dimension_semantics<subcore_parallel>], iteration_bounds = array<i64: 2, 16>, scalar_prefetch = 0 : i64, scratch_operands = 3 : i64, tpu.core_type = #tpu.core_type<sc_vector_subcore>, window_params = [{transform_indices = #map}, {transform_indices = #map1}, {transform_indices = #map1}, {transform_indices = #map}]} {
    %mul3A = arith.constant 16 : i32
    %mul3A_0 = arith.muli %arg0, %mul3A : i32
    %add3A = arith.addi %mul3A_0, %arg1 : i32
    "tpu.region"() ({
      %run_scoped3A = tpu.sem_alloc : memref<!tpu.dma_semaphore, #tpu.memory_space<semaphore_mem>>
      %dma_start3A = arith.constant 0 : i32
      %dma_start3A_11 = arith.constant 0 : i32
      %dma_start3A_12 = tpu.memref_slice %arg2[%add3A, %dma_start3A, %dma_start3A_11] : memref<32x80x125xi32, #tpu.memory_space<hbm>> -> memref<1x80x125xi32, #tpu.memory_space<hbm>>
      %dma_start3A_13 = tpu.memref_squeeze %dma_start3A_12 : memref<1x80x125xi32, #tpu.memory_space<hbm>> -> memref<80x125xi32, #tpu.memory_space<hbm>>
      %dma_start3A_14 = arith.constant 0 : i32
      %dma_start3A_15 = arith.constant 0 : i32
      %dma_start3A_16 = tpu.memref_slice %arg2[%add3A, %dma_start3A_14, %dma_start3A_15] : memref<32x80x125xi32, #tpu.memory_space<hbm>> -> memref<1x80x125xi32, #tpu.memory_space<hbm>>
      %dma_start3A_17 = tpu.memref_squeeze %dma_start3A_16 : memref<1x80x125xi32, #tpu.memory_space<hbm>> -> memref<80x125xi32, #tpu.memory_space<hbm>>
      tpu.enqueue_dma source(%dma_start3A_17 : memref<80x125xi32, #tpu.memory_space<hbm>>) target(%arg6 : memref<80x125xi32, #tpu.memory_space<vmem>>) target_semaphore(%run_scoped3A : memref<!tpu.dma_semaphore, #tpu.memory_space<semaphore_mem>>)
      %dma_wait3A = arith.constant 0 : i32
      %dma_wait3A_18 = arith.constant 0 : i32
      %dma_wait3A_19 = tpu.memref_slice %arg2[%add3A, %dma_wait3A, %dma_wait3A_18] : memref<32x80x125xi32, #tpu.memory_space<hbm>> -> memref<1x80x125xi32, #tpu.memory_space<hbm>>
      %dma_wait3A_20 = tpu.memref_squeeze %dma_wait3A_19 : memref<1x80x125xi32, #tpu.memory_space<hbm>> -> memref<80x125xi32, #tpu.memory_space<hbm>>
      %dma_wait3A_21 = arith.constant 0 : i32
      %dma_wait3A_22 = arith.constant 0 : i32
      %dma_wait3A_23 = tpu.memref_slice %arg2[%add3A, %dma_wait3A_21, %dma_wait3A_22] : memref<32x80x125xi32, #tpu.memory_space<hbm>> -> memref<1x80x125xi32, #tpu.memory_space<hbm>>
      %dma_wait3A_24 = tpu.memref_squeeze %dma_wait3A_23 : memref<1x80x125xi32, #tpu.memory_space<hbm>> -> memref<80x125xi32, #tpu.memory_space<hbm>>
      tpu.wait_dma2 semaphore(%run_scoped3A : memref<!tpu.dma_semaphore, #tpu.memory_space<semaphore_mem>>) src(%dma_wait3A_24 : memref<80x125xi32, #tpu.memory_space<hbm>>) dst(%arg6 : memref<80x125xi32, #tpu.memory_space<vmem>>)
      tpu.yield
    }) : () -> ()
    "tpu.region"() ({
      %run_scoped3A = tpu.sem_alloc : memref<!tpu.dma_semaphore, #tpu.memory_space<semaphore_mem>>
      tpu.enqueue_dma source(%arg3 : memref<125x128xf32, #tpu.memory_space<hbm>>) target(%arg7 : memref<125x128xf32, #tpu.memory_space<vmem>>) target_semaphore(%run_scoped3A : memref<!tpu.dma_semaphore, #tpu.memory_space<semaphore_mem>>)
      tpu.wait_dma2 semaphore(%run_scoped3A : memref<!tpu.dma_semaphore, #tpu.memory_space<semaphore_mem>>) src(%arg3 : memref<125x128xf32, #tpu.memory_space<hbm>>) dst(%arg7 : memref<125x128xf32, #tpu.memory_space<vmem>>)
      tpu.yield
    }) : () -> ()
    %eq3A = arith.constant 0 : i32
    %eq3A_1 = arith.cmpi eq, %arg1, %eq3A : i32
    %convert_element_type3A = arith.extui %eq3A_1 : i1 to i32
    %cond3A = arith.constant 0 : i32
    %cond3A_2 = arith.cmpi ne, %convert_element_type3A, %cond3A : i32
    scf.if %cond3A_2 {
      "tpu.region"() ({
        %run_scoped3A = tpu.sem_alloc : memref<!tpu.dma_semaphore, #tpu.memory_space<semaphore_mem>>
        tpu.enqueue_dma source(%arg4 : memref<5120x128xf32, #tpu.memory_space<hbm>>) target(%arg8 : memref<5120x128xf32, #tpu.memory_space<vmem_shared>>) target_semaphore(%run_scoped3A : memref<!tpu.dma_semaphore, #tpu.memory_space<semaphore_mem>>)
        tpu.wait_dma2 semaphore(%run_scoped3A : memref<!tpu.dma_semaphore, #tpu.memory_space<semaphore_mem>>) src(%arg4 : memref<5120x128xf32, #tpu.memory_space<hbm>>) dst(%arg8 : memref<5120x128xf32, #tpu.memory_space<vmem_shared>>)
        tpu.yield
      }) : () -> ()
    } else {
    }
    %barrier3A = arith.constant 0 : index
    tpu.barrier barrier_id(%barrier3A)
    %scan3A = arith.constant 0 : i32
    %scan3A_3 = arith.constant 0 : i32
    %scan3A_4 = arith.constant 80 : i32
    %scan3A_5 = arith.addi %scan3A_3, %scan3A_4 : i32
    %scan3A_6 = arith.constant 1 : i32
    scf.for %scan3A_11 = %scan3A_3 to %scan3A_5 step %scan3A_6  : i32 {
      "tpu.region"() ({
        %run_scoped3A = tpu.sem_alloc : memref<!tpu.dma_semaphore, #tpu.memory_space<semaphore_mem>>
        %dma_start3A = arith.constant 0 : i32
        %dma_start3A_12 = tpu.memref_slice %arg6[%scan3A_11, %dma_start3A] : memref<80x125xi32, #tpu.memory_space<vmem>> -> memref<1x125xi32, #tpu.memory_space<vmem>>
        %dma_start3A_13 = tpu.memref_squeeze %dma_start3A_12 : memref<1x125xi32, #tpu.memory_space<vmem>> -> memref<125xi32, #tpu.memory_space<vmem>>
        %dma_start3A_14 = arith.constant 0 : i32
        %dma_start3A_15 = arith.constant 0 : i32
        %dma_start3A_16 = tpu.memref_slice %arg8[%dma_start3A_14, %dma_start3A_15] : memref<5120x128xf32, #tpu.memory_space<vmem_shared>> -> memref<5120x128xf32, #tpu.memory_space<vmem_shared>>
        tpu.enqueue_indirect_dma source(%arg7 : memref<125x128xf32, #tpu.memory_space<vmem>>) target(%dma_start3A_16 : memref<5120x128xf32, #tpu.memory_space<vmem_shared>>) offsets(%dma_start3A_13 : memref<125xi32, #tpu.memory_space<vmem>>) semaphore(%run_scoped3A : memref<!tpu.dma_semaphore, #tpu.memory_space<semaphore_mem>>) {add = true}
        %dma_wait3A = arith.constant 0 : i32
        %dma_wait3A_17 = tpu.memref_slice %arg6[%scan3A_11, %dma_wait3A] : memref<80x125xi32, #tpu.memory_space<vmem>> -> memref<1x125xi32, #tpu.memory_space<vmem>>
        %dma_wait3A_18 = tpu.memref_squeeze %dma_wait3A_17 : memref<1x125xi32, #tpu.memory_space<vmem>> -> memref<125xi32, #tpu.memory_space<vmem>>
        %dma_wait3A_19 = arith.constant 0 : i32
        %dma_wait3A_20 = arith.constant 0 : i32
        %dma_wait3A_21 = tpu.memref_slice %arg8[%dma_wait3A_19, %dma_wait3A_20] : memref<5120x128xf32, #tpu.memory_space<vmem_shared>> -> memref<5120x128xf32, #tpu.memory_space<vmem_shared>>
        tpu.wait_indirect_dma semaphore(%run_scoped3A : memref<!tpu.dma_semaphore, #tpu.memory_space<semaphore_mem>>) src(%arg7 : memref<125x128xf32, #tpu.memory_space<vmem>>) dst(%dma_wait3A_21 : memref<5120x128xf32, #tpu.memory_space<vmem_shared>>)
        tpu.yield
      }) : () -> ()
    }
    %scan3A_7 = arith.constant 80 : i32
    %barrier3A_8 = arith.constant 0 : index
    tpu.barrier barrier_id(%barrier3A_8)
    %mul3A_9 = arith.constant 320 : i32
    %mul3A_10 = arith.muli %arg1, %mul3A_9 : i32
    "tpu.region"() ({
      %run_scoped3A = tpu.sem_alloc : memref<!tpu.dma_semaphore, #tpu.memory_space<semaphore_mem>>
      %dma_start3A = arith.constant 0 : i32
      %dma_start3A_11 = tpu.memref_slice %arg5[%arg0, %mul3A_10, %dma_start3A] : memref<2x5120x128xf32, #tpu.memory_space<hbm>> -> memref<1x320x128xf32, #tpu.memory_space<hbm>>
      %dma_start3A_12 = tpu.memref_squeeze %dma_start3A_11 : memref<1x320x128xf32, #tpu.memory_space<hbm>> -> memref<320x128xf32, #tpu.memory_space<hbm>>
      %dma_start3A_13 = arith.constant 0 : i32
      %dma_start3A_14 = tpu.memref_slice %arg8[%mul3A_10, %dma_start3A_13] : memref<5120x128xf32, #tpu.memory_space<vmem_shared>> -> memref<320x128xf32, #tpu.memory_space<vmem_shared>>
      tpu.enqueue_dma source(%dma_start3A_14 : memref<320x128xf32, #tpu.memory_space<vmem_shared>>) target(%dma_start3A_12 : memref<320x128xf32, #tpu.memory_space<hbm>>) target_semaphore(%run_scoped3A : memref<!tpu.dma_semaphore, #tpu.memory_space<semaphore_mem>>)
      %dma_wait3A = arith.constant 0 : i32
      %dma_wait3A_15 = tpu.memref_slice %arg5[%arg0, %mul3A_10, %dma_wait3A] : memref<2x5120x128xf32, #tpu.memory_space<hbm>> -> memref<1x320x128xf32, #tpu.memory_space<hbm>>
      %dma_wait3A_16 = tpu.memref_squeeze %dma_wait3A_15 : memref<1x320x128xf32, #tpu.memory_space<hbm>> -> memref<320x128xf32, #tpu.memory_space<hbm>>
      %dma_wait3A_17 = arith.constant 0 : i32
      %dma_wait3A_18 = tpu.memref_slice %arg8[%mul3A_10, %dma_wait3A_17] : memref<5120x128xf32, #tpu.memory_space<vmem_shared>> -> memref<320x128xf32, #tpu.memory_space<vmem_shared>>
      tpu.wait_dma2 semaphore(%run_scoped3A : memref<!tpu.dma_semaphore, #tpu.memory_space<semaphore_mem>>) src(%dma_wait3A_18 : memref<320x128xf32, #tpu.memory_space<vmem_shared>>) dst(%dma_wait3A_16 : memref<320x128xf32, #tpu.memory_space<hbm>>)
      tpu.yield
    }) : () -> ()
    return
  }
}

#map = affine_map<(d0, d1) -> (0, 0, 0)>
#map1 = affine_map<(d0, d1) -> (0, 0)>
module attributes {stable_mosaic.version = 14 : i64} {
  func.func @deg(%arg0: i32, %arg1: i32, %arg2: memref<32x80x125xi32, #tpu.memory_space<hbm>>, %arg3: memref<125x128xf32, #tpu.memory_space<hbm>>, %arg4: memref<10112x128xf32, #tpu.memory_space<hbm>>, %arg5: memref<2x10112x128xf32, #tpu.memory_space<hbm>>, %arg6: memref<80x125xi32, #tpu.memory_space<vmem>>, %arg7: memref<125x128xf32, #tpu.memory_space<vmem>>, %arg8: memref<10112x128xf32, #tpu.memory_space<vmem_shared>>) attributes {dimension_semantics = [#tpu.dimension_semantics<core_parallel>, #tpu.dimension_semantics<subcore_parallel>], iteration_bounds = array<i64: 2, 16>, scalar_prefetch = 0 : i64, scratch_operands = 3 : i64, tpu.core_type = #tpu.core_type<sc_vector_subcore>, window_params = [{transform_indices = #map}, {transform_indices = #map1}, {transform_indices = #map1}, {transform_indices = #map}]} {
    %mul3A = arith.constant 16 : i32
    %mul3A_0 = arith.muli %arg0, %mul3A : i32
    %add3A = arith.addi %mul3A_0, %arg1 : i32
    "tpu.region"() ({
      %run_scoped3A = tpu.sem_alloc : memref<!tpu.dma_semaphore, #tpu.memory_space<semaphore_mem>>
      %dma_start3A = arith.constant 0 : i32
      %dma_start3A_11 = arith.constant 0 : i32
      %dma_start3A_12 = tpu.memref_slice %arg2[%add3A, %dma_start3A, %dma_start3A_11] : memref<32x80x125xi32, #tpu.memory_space<hbm>> -> memref<1x80x125xi32, #tpu.memory_space<hbm>>
      %dma_start3A_13 = tpu.memref_squeeze %dma_start3A_12 : memref<1x80x125xi32, #tpu.memory_space<hbm>> -> memref<80x125xi32, #tpu.memory_space<hbm>>
      %dma_start3A_14 = arith.constant 0 : i32
      %dma_start3A_15 = arith.constant 0 : i32
      %dma_start3A_16 = tpu.memref_slice %arg2[%add3A, %dma_start3A_14, %dma_start3A_15] : memref<32x80x125xi32, #tpu.memory_space<hbm>> -> memref<1x80x125xi32, #tpu.memory_space<hbm>>
      %dma_start3A_17 = tpu.memref_squeeze %dma_start3A_16 : memref<1x80x125xi32, #tpu.memory_space<hbm>> -> memref<80x125xi32, #tpu.memory_space<hbm>>
      tpu.enqueue_dma source(%dma_start3A_17 : memref<80x125xi32, #tpu.memory_space<hbm>>) target(%arg6 : memref<80x125xi32, #tpu.memory_space<vmem>>) target_semaphore(%run_scoped3A : memref<!tpu.dma_semaphore, #tpu.memory_space<semaphore_mem>>)
      %dma_wait3A = arith.constant 0 : i32
      %dma_wait3A_18 = arith.constant 0 : i32
      %dma_wait3A_19 = tpu.memref_slice %arg2[%add3A, %dma_wait3A, %dma_wait3A_18] : memref<32x80x125xi32, #tpu.memory_space<hbm>> -> memref<1x80x125xi32, #tpu.memory_space<hbm>>
      %dma_wait3A_20 = tpu.memref_squeeze %dma_wait3A_19 : memref<1x80x125xi32, #tpu.memory_space<hbm>> -> memref<80x125xi32, #tpu.memory_space<hbm>>
      %dma_wait3A_21 = arith.constant 0 : i32
      %dma_wait3A_22 = arith.constant 0 : i32
      %dma_wait3A_23 = tpu.memref_slice %arg2[%add3A, %dma_wait3A_21, %dma_wait3A_22] : memref<32x80x125xi32, #tpu.memory_space<hbm>> -> memref<1x80x125xi32, #tpu.memory_space<hbm>>
      %dma_wait3A_24 = tpu.memref_squeeze %dma_wait3A_23 : memref<1x80x125xi32, #tpu.memory_space<hbm>> -> memref<80x125xi32, #tpu.memory_space<hbm>>
      tpu.wait_dma2 semaphore(%run_scoped3A : memref<!tpu.dma_semaphore, #tpu.memory_space<semaphore_mem>>) src(%dma_wait3A_24 : memref<80x125xi32, #tpu.memory_space<hbm>>) dst(%arg6 : memref<80x125xi32, #tpu.memory_space<vmem>>)
      tpu.yield
    }) : () -> ()
    "tpu.region"() ({
      %run_scoped3A = tpu.sem_alloc : memref<!tpu.dma_semaphore, #tpu.memory_space<semaphore_mem>>
      tpu.enqueue_dma source(%arg3 : memref<125x128xf32, #tpu.memory_space<hbm>>) target(%arg7 : memref<125x128xf32, #tpu.memory_space<vmem>>) target_semaphore(%run_scoped3A : memref<!tpu.dma_semaphore, #tpu.memory_space<semaphore_mem>>)
      tpu.wait_dma2 semaphore(%run_scoped3A : memref<!tpu.dma_semaphore, #tpu.memory_space<semaphore_mem>>) src(%arg3 : memref<125x128xf32, #tpu.memory_space<hbm>>) dst(%arg7 : memref<125x128xf32, #tpu.memory_space<vmem>>)
      tpu.yield
    }) : () -> ()
    %eq3A = arith.constant 0 : i32
    %eq3A_1 = arith.cmpi eq, %arg1, %eq3A : i32
    %convert_element_type3A = arith.extui %eq3A_1 : i1 to i32
    %cond3A = arith.constant 0 : i32
    %cond3A_2 = arith.cmpi ne, %convert_element_type3A, %cond3A : i32
    scf.if %cond3A_2 {
      "tpu.region"() ({
        %run_scoped3A = tpu.sem_alloc : memref<!tpu.dma_semaphore, #tpu.memory_space<semaphore_mem>>
        tpu.enqueue_dma source(%arg4 : memref<10112x128xf32, #tpu.memory_space<hbm>>) target(%arg8 : memref<10112x128xf32, #tpu.memory_space<vmem_shared>>) target_semaphore(%run_scoped3A : memref<!tpu.dma_semaphore, #tpu.memory_space<semaphore_mem>>)
        tpu.wait_dma2 semaphore(%run_scoped3A : memref<!tpu.dma_semaphore, #tpu.memory_space<semaphore_mem>>) src(%arg4 : memref<10112x128xf32, #tpu.memory_space<hbm>>) dst(%arg8 : memref<10112x128xf32, #tpu.memory_space<vmem_shared>>)
        tpu.yield
      }) : () -> ()
    } else {
    }
    %barrier3A = arith.constant 0 : index
    tpu.barrier barrier_id(%barrier3A)
    %scan3A = arith.constant 0 : i32
    %scan3A_3 = arith.constant 0 : i32
    %scan3A_4 = arith.constant 80 : i32
    %scan3A_5 = arith.addi %scan3A_3, %scan3A_4 : i32
    %scan3A_6 = arith.constant 1 : i32
    scf.for %scan3A_11 = %scan3A_3 to %scan3A_5 step %scan3A_6  : i32 {
      "tpu.region"() ({
        %run_scoped3A = tpu.sem_alloc : memref<!tpu.dma_semaphore, #tpu.memory_space<semaphore_mem>>
        %dma_start3A = arith.constant 0 : i32
        %dma_start3A_12 = tpu.memref_slice %arg6[%scan3A_11, %dma_start3A] : memref<80x125xi32, #tpu.memory_space<vmem>> -> memref<1x125xi32, #tpu.memory_space<vmem>>
        %dma_start3A_13 = tpu.memref_squeeze %dma_start3A_12 : memref<1x125xi32, #tpu.memory_space<vmem>> -> memref<125xi32, #tpu.memory_space<vmem>>
        %dma_start3A_14 = arith.constant 0 : i32
        %dma_start3A_15 = arith.constant 0 : i32
        %dma_start3A_16 = tpu.memref_slice %arg8[%dma_start3A_14, %dma_start3A_15] : memref<10112x128xf32, #tpu.memory_space<vmem_shared>> -> memref<10112x128xf32, #tpu.memory_space<vmem_shared>>
        tpu.enqueue_indirect_dma source(%arg7 : memref<125x128xf32, #tpu.memory_space<vmem>>) target(%dma_start3A_16 : memref<10112x128xf32, #tpu.memory_space<vmem_shared>>) offsets(%dma_start3A_13 : memref<125xi32, #tpu.memory_space<vmem>>) semaphore(%run_scoped3A : memref<!tpu.dma_semaphore, #tpu.memory_space<semaphore_mem>>) {add = true}
        %dma_wait3A = arith.constant 0 : i32
        %dma_wait3A_17 = tpu.memref_slice %arg6[%scan3A_11, %dma_wait3A] : memref<80x125xi32, #tpu.memory_space<vmem>> -> memref<1x125xi32, #tpu.memory_space<vmem>>
        %dma_wait3A_18 = tpu.memref_squeeze %dma_wait3A_17 : memref<1x125xi32, #tpu.memory_space<vmem>> -> memref<125xi32, #tpu.memory_space<vmem>>
        %dma_wait3A_19 = arith.constant 0 : i32
        %dma_wait3A_20 = arith.constant 0 : i32
        %dma_wait3A_21 = tpu.memref_slice %arg8[%dma_wait3A_19, %dma_wait3A_20] : memref<10112x128xf32, #tpu.memory_space<vmem_shared>> -> memref<10112x128xf32, #tpu.memory_space<vmem_shared>>
        tpu.wait_indirect_dma semaphore(%run_scoped3A : memref<!tpu.dma_semaphore, #tpu.memory_space<semaphore_mem>>) src(%arg7 : memref<125x128xf32, #tpu.memory_space<vmem>>) dst(%dma_wait3A_21 : memref<10112x128xf32, #tpu.memory_space<vmem_shared>>)
        tpu.yield
      }) : () -> ()
    }
    %scan3A_7 = arith.constant 80 : i32
    %barrier3A_8 = arith.constant 0 : index
    tpu.barrier barrier_id(%barrier3A_8)
    %mul3A_9 = arith.constant 632 : i32
    %mul3A_10 = arith.muli %arg1, %mul3A_9 : i32
    "tpu.region"() ({
      %run_scoped3A = tpu.sem_alloc : memref<!tpu.dma_semaphore, #tpu.memory_space<semaphore_mem>>
      %dma_start3A = arith.constant 0 : i32
      %dma_start3A_11 = tpu.memref_slice %arg5[%arg0, %mul3A_10, %dma_start3A] : memref<2x10112x128xf32, #tpu.memory_space<hbm>> -> memref<1x632x128xf32, #tpu.memory_space<hbm>>
      %dma_start3A_12 = tpu.memref_squeeze %dma_start3A_11 : memref<1x632x128xf32, #tpu.memory_space<hbm>> -> memref<632x128xf32, #tpu.memory_space<hbm>>
      %dma_start3A_13 = arith.constant 0 : i32
      %dma_start3A_14 = tpu.memref_slice %arg8[%mul3A_10, %dma_start3A_13] : memref<10112x128xf32, #tpu.memory_space<vmem_shared>> -> memref<632x128xf32, #tpu.memory_space<vmem_shared>>
      tpu.enqueue_dma source(%dma_start3A_14 : memref<632x128xf32, #tpu.memory_space<vmem_shared>>) target(%dma_start3A_12 : memref<632x128xf32, #tpu.memory_space<hbm>>) target_semaphore(%run_scoped3A : memref<!tpu.dma_semaphore, #tpu.memory_space<semaphore_mem>>)
      %dma_wait3A = arith.constant 0 : i32
      %dma_wait3A_15 = tpu.memref_slice %arg5[%arg0, %mul3A_10, %dma_wait3A] : memref<2x10112x128xf32, #tpu.memory_space<hbm>> -> memref<1x632x128xf32, #tpu.memory_space<hbm>>
      %dma_wait3A_16 = tpu.memref_squeeze %dma_wait3A_15 : memref<1x632x128xf32, #tpu.memory_space<hbm>> -> memref<632x128xf32, #tpu.memory_space<hbm>>
      %dma_wait3A_17 = arith.constant 0 : i32
      %dma_wait3A_18 = tpu.memref_slice %arg8[%mul3A_10, %dma_wait3A_17] : memref<10112x128xf32, #tpu.memory_space<vmem_shared>> -> memref<632x128xf32, #tpu.memory_space<vmem_shared>>
      tpu.wait_dma2 semaphore(%run_scoped3A : memref<!tpu.dma_semaphore, #tpu.memory_space<semaphore_mem>>) src(%dma_wait3A_18 : memref<632x128xf32, #tpu.memory_space<vmem_shared>>) dst(%dma_wait3A_16 : memref<632x128xf32, #tpu.memory_space<hbm>>)
      tpu.yield
    }) : () -> ()
    return
  }
}

#map = affine_map<(d0, d1) -> (0, 0)>
#map1 = affine_map<(d0, d1) -> (0, 0, 0)>
module attributes {stable_mosaic.version = 14 : i64} {
  func.func @phase(%arg0: i32, %arg1: i32, %arg2: memref<5120x128xf32, #tpu.memory_space<hbm>>, %arg3: memref<32x80x125xi32, #tpu.memory_space<hbm>>, %arg4: memref<32x80x125xi32, #tpu.memory_space<hbm>>, %arg5: memref<10112x128xf32, #tpu.memory_space<hbm>>, %arg6: memref<2x10112x128xf32, #tpu.memory_space<hbm>>, %arg7: memref<2x80x125xi32, #tpu.memory_space<vmem>>, %arg8: memref<1x125x128xf32, #tpu.memory_space<vmem>>, %arg9: memref<10112x128xf32, #tpu.memory_space<vmem_shared>>, %arg10: memref<!tpu.dma_semaphore, #tpu.memory_space<semaphore_mem>>) attributes {dimension_semantics = [#tpu.dimension_semantics<core_parallel>, #tpu.dimension_semantics<subcore_parallel>], iteration_bounds = array<i64: 2, 16>, scalar_prefetch = 0 : i64, scratch_operands = 4 : i64, tpu.core_type = #tpu.core_type<sc_vector_subcore>, window_params = [{transform_indices = #map}, {transform_indices = #map1}, {transform_indices = #map1}, {transform_indices = #map}, {transform_indices = #map1}]} {
    %mul3A = arith.constant 16 : i32
    %mul3A_0 = arith.muli %arg0, %mul3A : i32
    %add3A = arith.addi %mul3A_0, %arg1 : i32
    %run_scoped3A = arith.constant 0 : i32
    "tpu.region"() ({
      %run_scoped3A_15 = tpu.sem_alloc : memref<!tpu.dma_semaphore, #tpu.memory_space<semaphore_mem>>
      %dma_start3A = arith.constant 0 : i32
      %dma_start3A_16 = arith.constant 0 : i32
      %dma_start3A_17 = tpu.memref_slice %arg7[%run_scoped3A, %dma_start3A, %dma_start3A_16] : memref<2x80x125xi32, #tpu.memory_space<vmem>> -> memref<1x80x125xi32, #tpu.memory_space<vmem>>
      %dma_start3A_18 = tpu.memref_squeeze %dma_start3A_17 : memref<1x80x125xi32, #tpu.memory_space<vmem>> -> memref<80x125xi32, #tpu.memory_space<vmem>>
      %dma_start3A_19 = arith.constant 0 : i32
      %dma_start3A_20 = arith.constant 0 : i32
      %dma_start3A_21 = tpu.memref_slice %arg3[%add3A, %dma_start3A_19, %dma_start3A_20] : memref<32x80x125xi32, #tpu.memory_space<hbm>> -> memref<1x80x125xi32, #tpu.memory_space<hbm>>
      %dma_start3A_22 = tpu.memref_squeeze %dma_start3A_21 : memref<1x80x125xi32, #tpu.memory_space<hbm>> -> memref<80x125xi32, #tpu.memory_space<hbm>>
      %dma_start3A_23 = arith.constant 0 : i32
      %dma_start3A_24 = arith.constant 0 : i32
      %dma_start3A_25 = tpu.memref_slice %arg7[%run_scoped3A, %dma_start3A_23, %dma_start3A_24] : memref<2x80x125xi32, #tpu.memory_space<vmem>> -> memref<1x80x125xi32, #tpu.memory_space<vmem>>
      %dma_start3A_26 = tpu.memref_squeeze %dma_start3A_25 : memref<1x80x125xi32, #tpu.memory_space<vmem>> -> memref<80x125xi32, #tpu.memory_space<vmem>>
      %dma_start3A_27 = arith.constant 0 : i32
      %dma_start3A_28 = arith.constant 0 : i32
      %dma_start3A_29 = tpu.memref_slice %arg3[%add3A, %dma_start3A_27, %dma_start3A_28] : memref<32x80x125xi32, #tpu.memory_space<hbm>> -> memref<1x80x125xi32, #tpu.memory_space<hbm>>
      %dma_start3A_30 = tpu.memref_squeeze %dma_start3A_29 : memref<1x80x125xi32, #tpu.memory_space<hbm>> -> memref<80x125xi32, #tpu.memory_space<hbm>>
      tpu.enqueue_dma source(%dma_start3A_30 : memref<80x125xi32, #tpu.memory_space<hbm>>) target(%dma_start3A_26 : memref<80x125xi32, #tpu.memory_space<vmem>>) target_semaphore(%run_scoped3A_15 : memref<!tpu.dma_semaphore, #tpu.memory_space<semaphore_mem>>)
      %dma_wait3A = arith.constant 0 : i32
      %dma_wait3A_31 = arith.constant 0 : i32
      %dma_wait3A_32 = tpu.memref_slice %arg7[%run_scoped3A, %dma_wait3A, %dma_wait3A_31] : memref<2x80x125xi32, #tpu.memory_space<vmem>> -> memref<1x80x125xi32, #tpu.memory_space<vmem>>
      %dma_wait3A_33 = tpu.memref_squeeze %dma_wait3A_32 : memref<1x80x125xi32, #tpu.memory_space<vmem>> -> memref<80x125xi32, #tpu.memory_space<vmem>>
      %dma_wait3A_34 = arith.constant 0 : i32
      %dma_wait3A_35 = arith.constant 0 : i32
      %dma_wait3A_36 = tpu.memref_slice %arg3[%add3A, %dma_wait3A_34, %dma_wait3A_35] : memref<32x80x125xi32, #tpu.memory_space<hbm>> -> memref<1x80x125xi32, #tpu.memory_space<hbm>>
      %dma_wait3A_37 = tpu.memref_squeeze %dma_wait3A_36 : memref<1x80x125xi32, #tpu.memory_space<hbm>> -> memref<80x125xi32, #tpu.memory_space<hbm>>
      %dma_wait3A_38 = arith.constant 0 : i32
      %dma_wait3A_39 = arith.constant 0 : i32
      %dma_wait3A_40 = tpu.memref_slice %arg7[%run_scoped3A, %dma_wait3A_38, %dma_wait3A_39] : memref<2x80x125xi32, #tpu.memory_space<vmem>> -> memref<1x80x125xi32, #tpu.memory_space<vmem>>
      %dma_wait3A_41 = tpu.memref_squeeze %dma_wait3A_40 : memref<1x80x125xi32, #tpu.memory_space<vmem>> -> memref<80x125xi32, #tpu.memory_space<vmem>>
      %dma_wait3A_42 = arith.constant 0 : i32
      %dma_wait3A_43 = arith.constant 0 : i32
      %dma_wait3A_44 = tpu.memref_slice %arg3[%add3A, %dma_wait3A_42, %dma_wait3A_43] : memref<32x80x125xi32, #tpu.memory_space<hbm>> -> memref<1x80x125xi32, #tpu.memory_space<hbm>>
      %dma_wait3A_45 = tpu.memref_squeeze %dma_wait3A_44 : memref<1x80x125xi32, #tpu.memory_space<hbm>> -> memref<80x125xi32, #tpu.memory_space<hbm>>
      tpu.wait_dma2 semaphore(%run_scoped3A_15 : memref<!tpu.dma_semaphore, #tpu.memory_space<semaphore_mem>>) src(%dma_wait3A_45 : memref<80x125xi32, #tpu.memory_space<hbm>>) dst(%dma_wait3A_41 : memref<80x125xi32, #tpu.memory_space<vmem>>)
      tpu.yield
    }) : () -> ()
    %run_scoped3A_1 = arith.constant 1 : i32
    "tpu.region"() ({
      %run_scoped3A_15 = tpu.sem_alloc : memref<!tpu.dma_semaphore, #tpu.memory_space<semaphore_mem>>
      %dma_start3A = arith.constant 0 : i32
      %dma_start3A_16 = arith.constant 0 : i32
      %dma_start3A_17 = tpu.memref_slice %arg7[%run_scoped3A_1, %dma_start3A, %dma_start3A_16] : memref<2x80x125xi32, #tpu.memory_space<vmem>> -> memref<1x80x125xi32, #tpu.memory_space<vmem>>
      %dma_start3A_18 = tpu.memref_squeeze %dma_start3A_17 : memref<1x80x125xi32, #tpu.memory_space<vmem>> -> memref<80x125xi32, #tpu.memory_space<vmem>>
      %dma_start3A_19 = arith.constant 0 : i32
      %dma_start3A_20 = arith.constant 0 : i32
      %dma_start3A_21 = tpu.memref_slice %arg4[%add3A, %dma_start3A_19, %dma_start3A_20] : memref<32x80x125xi32, #tpu.memory_space<hbm>> -> memref<1x80x125xi32, #tpu.memory_space<hbm>>
      %dma_start3A_22 = tpu.memref_squeeze %dma_start3A_21 : memref<1x80x125xi32, #tpu.memory_space<hbm>> -> memref<80x125xi32, #tpu.memory_space<hbm>>
      %dma_start3A_23 = arith.constant 0 : i32
      %dma_start3A_24 = arith.constant 0 : i32
      %dma_start3A_25 = tpu.memref_slice %arg7[%run_scoped3A_1, %dma_start3A_23, %dma_start3A_24] : memref<2x80x125xi32, #tpu.memory_space<vmem>> -> memref<1x80x125xi32, #tpu.memory_space<vmem>>
      %dma_start3A_26 = tpu.memref_squeeze %dma_start3A_25 : memref<1x80x125xi32, #tpu.memory_space<vmem>> -> memref<80x125xi32, #tpu.memory_space<vmem>>
      %dma_start3A_27 = arith.constant 0 : i32
      %dma_start3A_28 = arith.constant 0 : i32
      %dma_start3A_29 = tpu.memref_slice %arg4[%add3A, %dma_start3A_27, %dma_start3A_28] : memref<32x80x125xi32, #tpu.memory_space<hbm>> -> memref<1x80x125xi32, #tpu.memory_space<hbm>>
      %dma_start3A_30 = tpu.memref_squeeze %dma_start3A_29 : memref<1x80x125xi32, #tpu.memory_space<hbm>> -> memref<80x125xi32, #tpu.memory_space<hbm>>
      tpu.enqueue_dma source(%dma_start3A_30 : memref<80x125xi32, #tpu.memory_space<hbm>>) target(%dma_start3A_26 : memref<80x125xi32, #tpu.memory_space<vmem>>) target_semaphore(%run_scoped3A_15 : memref<!tpu.dma_semaphore, #tpu.memory_space<semaphore_mem>>)
      %dma_wait3A = arith.constant 0 : i32
      %dma_wait3A_31 = arith.constant 0 : i32
      %dma_wait3A_32 = tpu.memref_slice %arg7[%run_scoped3A_1, %dma_wait3A, %dma_wait3A_31] : memref<2x80x125xi32, #tpu.memory_space<vmem>> -> memref<1x80x125xi32, #tpu.memory_space<vmem>>
      %dma_wait3A_33 = tpu.memref_squeeze %dma_wait3A_32 : memref<1x80x125xi32, #tpu.memory_space<vmem>> -> memref<80x125xi32, #tpu.memory_space<vmem>>
      %dma_wait3A_34 = arith.constant 0 : i32
      %dma_wait3A_35 = arith.constant 0 : i32
      %dma_wait3A_36 = tpu.memref_slice %arg4[%add3A, %dma_wait3A_34, %dma_wait3A_35] : memref<32x80x125xi32, #tpu.memory_space<hbm>> -> memref<1x80x125xi32, #tpu.memory_space<hbm>>
      %dma_wait3A_37 = tpu.memref_squeeze %dma_wait3A_36 : memref<1x80x125xi32, #tpu.memory_space<hbm>> -> memref<80x125xi32, #tpu.memory_space<hbm>>
      %dma_wait3A_38 = arith.constant 0 : i32
      %dma_wait3A_39 = arith.constant 0 : i32
      %dma_wait3A_40 = tpu.memref_slice %arg7[%run_scoped3A_1, %dma_wait3A_38, %dma_wait3A_39] : memref<2x80x125xi32, #tpu.memory_space<vmem>> -> memref<1x80x125xi32, #tpu.memory_space<vmem>>
      %dma_wait3A_41 = tpu.memref_squeeze %dma_wait3A_40 : memref<1x80x125xi32, #tpu.memory_space<vmem>> -> memref<80x125xi32, #tpu.memory_space<vmem>>
      %dma_wait3A_42 = arith.constant 0 : i32
      %dma_wait3A_43 = arith.constant 0 : i32
      %dma_wait3A_44 = tpu.memref_slice %arg4[%add3A, %dma_wait3A_42, %dma_wait3A_43] : memref<32x80x125xi32, #tpu.memory_space<hbm>> -> memref<1x80x125xi32, #tpu.memory_space<hbm>>
      %dma_wait3A_45 = tpu.memref_squeeze %dma_wait3A_44 : memref<1x80x125xi32, #tpu.memory_space<hbm>> -> memref<80x125xi32, #tpu.memory_space<hbm>>
      tpu.wait_dma2 semaphore(%run_scoped3A_15 : memref<!tpu.dma_semaphore, #tpu.memory_space<semaphore_mem>>) src(%dma_wait3A_45 : memref<80x125xi32, #tpu.memory_space<hbm>>) dst(%dma_wait3A_41 : memref<80x125xi32, #tpu.memory_space<vmem>>)
      tpu.yield
    }) : () -> ()
    %eq3A = arith.constant 0 : i32
    %eq3A_2 = arith.cmpi eq, %arg1, %eq3A : i32
    %convert_element_type3A = arith.extui %eq3A_2 : i1 to i32
    %cond3A = arith.constant 0 : i32
    %cond3A_3 = arith.cmpi ne, %convert_element_type3A, %cond3A : i32
    scf.if %cond3A_3 {
      "tpu.region"() ({
        %run_scoped3A_15 = tpu.sem_alloc : memref<!tpu.dma_semaphore, #tpu.memory_space<semaphore_mem>>
        tpu.enqueue_dma source(%arg5 : memref<10112x128xf32, #tpu.memory_space<hbm>>) target(%arg9 : memref<10112x128xf32, #tpu.memory_space<vmem_shared>>) target_semaphore(%run_scoped3A_15 : memref<!tpu.dma_semaphore, #tpu.memory_space<semaphore_mem>>)
        tpu.wait_dma2 semaphore(%run_scoped3A_15 : memref<!tpu.dma_semaphore, #tpu.memory_space<semaphore_mem>>) src(%arg5 : memref<10112x128xf32, #tpu.memory_space<hbm>>) dst(%arg9 : memref<10112x128xf32, #tpu.memory_space<vmem_shared>>)
        tpu.yield
      }) : () -> ()
    } else {
    }
    %barrier3A = arith.constant 0 : index
    tpu.barrier barrier_id(%barrier3A)
    %scan3A = arith.constant 0 : i32
    %scan3A_4 = arith.constant 0 : i32
    %scan3A_5 = arith.constant 0 : i32
    %scan3A_6 = arith.constant 1 : i32
    %scan3A_7 = arith.constant 0 : i32
    %scan3A_8 = arith.constant 80 : i32
    %scan3A_9 = arith.addi %scan3A_7, %scan3A_8 : i32
    %scan3A_10 = arith.constant 1 : i32
    scf.for %scan3A_15 = %scan3A_7 to %scan3A_9 step %scan3A_10  : i32 {
      %dma_start3A = arith.constant 0 : i32
      %dma_start3A_16 = arith.constant 0 : i32
      %dma_start3A_17 = tpu.memref_slice %arg8[%scan3A_5, %dma_start3A, %dma_start3A_16] : memref<1x125x128xf32, #tpu.memory_space<vmem>> -> memref<1x125x128xf32, #tpu.memory_space<vmem>>
      %dma_start3A_18 = tpu.memref_squeeze %dma_start3A_17 : memref<1x125x128xf32, #tpu.memory_space<vmem>> -> memref<125x128xf32, #tpu.memory_space<vmem>>
      %dma_start3A_19 = arith.constant 0 : i32
      %dma_start3A_20 = arith.constant 0 : i32
      %dma_start3A_21 = tpu.memref_slice %arg7[%scan3A_4, %dma_start3A_19, %dma_start3A_20] : memref<2x80x125xi32, #tpu.memory_space<vmem>> -> memref<1x80x125xi32, #tpu.memory_space<vmem>>
      %dma_start3A_22 = tpu.memref_squeeze %dma_start3A_21 : memref<1x80x125xi32, #tpu.memory_space<vmem>> -> memref<80x125xi32, #tpu.memory_space<vmem>>
      %dma_start3A_23 = arith.constant 0 : i32
      %dma_start3A_24 = tpu.memref_slice %dma_start3A_22[%scan3A_15, %dma_start3A_23] : memref<80x125xi32, #tpu.memory_space<vmem>> -> memref<1x125xi32, #tpu.memory_space<vmem>>
      %dma_start3A_25 = tpu.memref_squeeze %dma_start3A_24 : memref<1x125xi32, #tpu.memory_space<vmem>> -> memref<125xi32, #tpu.memory_space<vmem>>
      %dma_start3A_26 = arith.constant 0 : i32
      %dma_start3A_27 = arith.constant 0 : i32
      %dma_start3A_28 = tpu.memref_slice %arg2[%dma_start3A_26, %dma_start3A_27] : memref<5120x128xf32, #tpu.memory_space<hbm>> -> memref<5120x128xf32, #tpu.memory_space<hbm>>
      tpu.enqueue_indirect_dma source(%dma_start3A_28 : memref<5120x128xf32, #tpu.memory_space<hbm>>) target(%dma_start3A_18 : memref<125x128xf32, #tpu.memory_space<vmem>>) offsets(%dma_start3A_25 : memref<125xi32, #tpu.memory_space<vmem>>) semaphore(%arg10 : memref<!tpu.dma_semaphore, #tpu.memory_space<semaphore_mem>>)
      %dma_wait3A = arith.constant 0 : i32
      %dma_wait3A_29 = arith.constant 0 : i32
      %dma_wait3A_30 = tpu.memref_slice %arg8[%scan3A_5, %dma_wait3A, %dma_wait3A_29] : memref<1x125x128xf32, #tpu.memory_space<vmem>> -> memref<1x125x128xf32, #tpu.memory_space<vmem>>
      %dma_wait3A_31 = tpu.memref_squeeze %dma_wait3A_30 : memref<1x125x128xf32, #tpu.memory_space<vmem>> -> memref<125x128xf32, #tpu.memory_space<vmem>>
      %dma_wait3A_32 = arith.constant 0 : i32
      %dma_wait3A_33 = arith.constant 0 : i32
      %dma_wait3A_34 = tpu.memref_slice %arg7[%scan3A_4, %dma_wait3A_32, %dma_wait3A_33] : memref<2x80x125xi32, #tpu.memory_space<vmem>> -> memref<1x80x125xi32, #tpu.memory_space<vmem>>
      %dma_wait3A_35 = tpu.memref_squeeze %dma_wait3A_34 : memref<1x80x125xi32, #tpu.memory_space<vmem>> -> memref<80x125xi32, #tpu.memory_space<vmem>>
      %dma_wait3A_36 = arith.constant 0 : i32
      %dma_wait3A_37 = tpu.memref_slice %dma_wait3A_35[%scan3A_15, %dma_wait3A_36] : memref<80x125xi32, #tpu.memory_space<vmem>> -> memref<1x125xi32, #tpu.memory_space<vmem>>
      %dma_wait3A_38 = tpu.memref_squeeze %dma_wait3A_37 : memref<1x125xi32, #tpu.memory_space<vmem>> -> memref<125xi32, #tpu.memory_space<vmem>>
      %dma_wait3A_39 = arith.constant 0 : i32
      %dma_wait3A_40 = arith.constant 0 : i32
      %dma_wait3A_41 = tpu.memref_slice %arg2[%dma_wait3A_39, %dma_wait3A_40] : memref<5120x128xf32, #tpu.memory_space<hbm>> -> memref<5120x128xf32, #tpu.memory_space<hbm>>
      tpu.wait_indirect_dma semaphore(%arg10 : memref<!tpu.dma_semaphore, #tpu.memory_space<semaphore_mem>>) src(%dma_wait3A_41 : memref<5120x128xf32, #tpu.memory_space<hbm>>) dst(%dma_wait3A_31 : memref<125x128xf32, #tpu.memory_space<vmem>>)
      "tpu.region"() ({
        %run_scoped3A_42 = tpu.sem_alloc : memref<!tpu.dma_semaphore, #tpu.memory_space<semaphore_mem>>
        %dma_start3A_43 = arith.constant 0 : i32
        %dma_start3A_44 = arith.constant 0 : i32
        %dma_start3A_45 = tpu.memref_slice %arg8[%scan3A_5, %dma_start3A_43, %dma_start3A_44] : memref<1x125x128xf32, #tpu.memory_space<vmem>> -> memref<1x125x128xf32, #tpu.memory_space<vmem>>
        %dma_start3A_46 = tpu.memref_squeeze %dma_start3A_45 : memref<1x125x128xf32, #tpu.memory_space<vmem>> -> memref<125x128xf32, #tpu.memory_space<vmem>>
        %dma_start3A_47 = arith.constant 0 : i32
        %dma_start3A_48 = arith.constant 0 : i32
        %dma_start3A_49 = tpu.memref_slice %arg7[%scan3A_6, %dma_start3A_47, %dma_start3A_48] : memref<2x80x125xi32, #tpu.memory_space<vmem>> -> memref<1x80x125xi32, #tpu.memory_space<vmem>>
        %dma_start3A_50 = tpu.memref_squeeze %dma_start3A_49 : memref<1x80x125xi32, #tpu.memory_space<vmem>> -> memref<80x125xi32, #tpu.memory_space<vmem>>
        %dma_start3A_51 = arith.constant 0 : i32
        %dma_start3A_52 = tpu.memref_slice %dma_start3A_50[%scan3A_15, %dma_start3A_51] : memref<80x125xi32, #tpu.memory_space<vmem>> -> memref<1x125xi32, #tpu.memory_space<vmem>>
        %dma_start3A_53 = tpu.memref_squeeze %dma_start3A_52 : memref<1x125xi32, #tpu.memory_space<vmem>> -> memref<125xi32, #tpu.memory_space<vmem>>
        %dma_start3A_54 = arith.constant 0 : i32
        %dma_start3A_55 = arith.constant 0 : i32
        %dma_start3A_56 = tpu.memref_slice %arg9[%dma_start3A_54, %dma_start3A_55] : memref<10112x128xf32, #tpu.memory_space<vmem_shared>> -> memref<10112x128xf32, #tpu.memory_space<vmem_shared>>
        tpu.enqueue_indirect_dma source(%dma_start3A_46 : memref<125x128xf32, #tpu.memory_space<vmem>>) target(%dma_start3A_56 : memref<10112x128xf32, #tpu.memory_space<vmem_shared>>) offsets(%dma_start3A_53 : memref<125xi32, #tpu.memory_space<vmem>>) semaphore(%run_scoped3A_42 : memref<!tpu.dma_semaphore, #tpu.memory_space<semaphore_mem>>) {add = true}
        %dma_wait3A_57 = arith.constant 0 : i32
        %dma_wait3A_58 = arith.constant 0 : i32
        %dma_wait3A_59 = tpu.memref_slice %arg8[%scan3A_5, %dma_wait3A_57, %dma_wait3A_58] : memref<1x125x128xf32, #tpu.memory_space<vmem>> -> memref<1x125x128xf32, #tpu.memory_space<vmem>>
        %dma_wait3A_60 = tpu.memref_squeeze %dma_wait3A_59 : memref<1x125x128xf32, #tpu.memory_space<vmem>> -> memref<125x128xf32, #tpu.memory_space<vmem>>
        %dma_wait3A_61 = arith.constant 0 : i32
        %dma_wait3A_62 = arith.constant 0 : i32
        %dma_wait3A_63 = tpu.memref_slice %arg7[%scan3A_6, %dma_wait3A_61, %dma_wait3A_62] : memref<2x80x125xi32, #tpu.memory_space<vmem>> -> memref<1x80x125xi32, #tpu.memory_space<vmem>>
        %dma_wait3A_64 = tpu.memref_squeeze %dma_wait3A_63 : memref<1x80x125xi32, #tpu.memory_space<vmem>> -> memref<80x125xi32, #tpu.memory_space<vmem>>
        %dma_wait3A_65 = arith.constant 0 : i32
        %dma_wait3A_66 = tpu.memref_slice %dma_wait3A_64[%scan3A_15, %dma_wait3A_65] : memref<80x125xi32, #tpu.memory_space<vmem>> -> memref<1x125xi32, #tpu.memory_space<vmem>>
        %dma_wait3A_67 = tpu.memref_squeeze %dma_wait3A_66 : memref<1x125xi32, #tpu.memory_space<vmem>> -> memref<125xi32, #tpu.memory_space<vmem>>
        %dma_wait3A_68 = arith.constant 0 : i32
        %dma_wait3A_69 = arith.constant 0 : i32
        %dma_wait3A_70 = tpu.memref_slice %arg9[%dma_wait3A_68, %dma_wait3A_69] : memref<10112x128xf32, #tpu.memory_space<vmem_shared>> -> memref<10112x128xf32, #tpu.memory_space<vmem_shared>>
        tpu.wait_indirect_dma semaphore(%run_scoped3A_42 : memref<!tpu.dma_semaphore, #tpu.memory_space<semaphore_mem>>) src(%dma_wait3A_60 : memref<125x128xf32, #tpu.memory_space<vmem>>) dst(%dma_wait3A_70 : memref<10112x128xf32, #tpu.memory_space<vmem_shared>>)
        tpu.yield
      }) : () -> ()
    }
    %scan3A_11 = arith.constant 80 : i32
    %barrier3A_12 = arith.constant 0 : index
    tpu.barrier barrier_id(%barrier3A_12)
    %mul3A_13 = arith.constant 632 : i32
    %mul3A_14 = arith.muli %arg1, %mul3A_13 : i32
    "tpu.region"() ({
      %run_scoped3A_15 = tpu.sem_alloc : memref<!tpu.dma_semaphore, #tpu.memory_space<semaphore_mem>>
      %dma_start3A = arith.constant 0 : i32
      %dma_start3A_16 = tpu.memref_slice %arg6[%arg0, %mul3A_14, %dma_start3A] : memref<2x10112x128xf32, #tpu.memory_space<hbm>> -> memref<1x632x128xf32, #tpu.memory_space<hbm>>
      %dma_start3A_17 = tpu.memref_squeeze %dma_start3A_16 : memref<1x632x128xf32, #tpu.memory_space<hbm>> -> memref<632x128xf32, #tpu.memory_space<hbm>>
      %dma_start3A_18 = arith.constant 0 : i32
      %dma_start3A_19 = tpu.memref_slice %arg9[%mul3A_14, %dma_start3A_18] : memref<10112x128xf32, #tpu.memory_space<vmem_shared>> -> memref<632x128xf32, #tpu.memory_space<vmem_shared>>
      tpu.enqueue_dma source(%dma_start3A_19 : memref<632x128xf32, #tpu.memory_space<vmem_shared>>) target(%dma_start3A_17 : memref<632x128xf32, #tpu.memory_space<hbm>>) target_semaphore(%run_scoped3A_15 : memref<!tpu.dma_semaphore, #tpu.memory_space<semaphore_mem>>)
      %dma_wait3A = arith.constant 0 : i32
      %dma_wait3A_20 = tpu.memref_slice %arg6[%arg0, %mul3A_14, %dma_wait3A] : memref<2x10112x128xf32, #tpu.memory_space<hbm>> -> memref<1x632x128xf32, #tpu.memory_space<hbm>>
      %dma_wait3A_21 = tpu.memref_squeeze %dma_wait3A_20 : memref<1x632x128xf32, #tpu.memory_space<hbm>> -> memref<632x128xf32, #tpu.memory_space<hbm>>
      %dma_wait3A_22 = arith.constant 0 : i32
      %dma_wait3A_23 = tpu.memref_slice %arg9[%mul3A_14, %dma_wait3A_22] : memref<10112x128xf32, #tpu.memory_space<vmem_shared>> -> memref<632x128xf32, #tpu.memory_space<vmem_shared>>
      tpu.wait_dma2 semaphore(%run_scoped3A_15 : memref<!tpu.dma_semaphore, #tpu.memory_space<semaphore_mem>>) src(%dma_wait3A_23 : memref<632x128xf32, #tpu.memory_space<vmem_shared>>) dst(%dma_wait3A_21 : memref<632x128xf32, #tpu.memory_space<hbm>>)
      tpu.yield
    }) : () -> ()
    return
  }
}

#map = affine_map<(d0, d1) -> (0, 0)>
#map1 = affine_map<(d0, d1) -> (0, 0, 0)>
module attributes {stable_mosaic.version = 14 : i64} {
  func.func @phase(%arg0: i32, %arg1: i32, %arg2: memref<10000x128xf32, #tpu.memory_space<hbm>>, %arg3: memref<32x80x125xi32, #tpu.memory_space<hbm>>, %arg4: memref<32x80x125xi32, #tpu.memory_space<hbm>>, %arg5: memref<5120x128xf32, #tpu.memory_space<hbm>>, %arg6: memref<2x5120x128xf32, #tpu.memory_space<hbm>>, %arg7: memref<2x80x125xi32, #tpu.memory_space<vmem>>, %arg8: memref<2x125x128xf32, #tpu.memory_space<vmem>>, %arg9: memref<5120x128xf32, #tpu.memory_space<vmem_shared>>, %arg10: memref<!tpu.dma_semaphore, #tpu.memory_space<semaphore_mem>>) attributes {dimension_semantics = [#tpu.dimension_semantics<core_parallel>, #tpu.dimension_semantics<subcore_parallel>], iteration_bounds = array<i64: 2, 16>, scalar_prefetch = 0 : i64, scratch_operands = 4 : i64, tpu.core_type = #tpu.core_type<sc_vector_subcore>, window_params = [{transform_indices = #map}, {transform_indices = #map1}, {transform_indices = #map1}, {transform_indices = #map}, {transform_indices = #map1}]} {
    %mul3A = arith.constant 16 : i32
    %mul3A_0 = arith.muli %arg0, %mul3A : i32
    %add3A = arith.addi %mul3A_0, %arg1 : i32
    %run_scoped3A = arith.constant 0 : i32
    "tpu.region"() ({
      %run_scoped3A_32 = tpu.sem_alloc : memref<!tpu.dma_semaphore, #tpu.memory_space<semaphore_mem>>
      %dma_start3A_33 = arith.constant 0 : i32
      %dma_start3A_34 = arith.constant 0 : i32
      %dma_start3A_35 = tpu.memref_slice %arg7[%run_scoped3A, %dma_start3A_33, %dma_start3A_34] : memref<2x80x125xi32, #tpu.memory_space<vmem>> -> memref<1x80x125xi32, #tpu.memory_space<vmem>>
      %dma_start3A_36 = tpu.memref_squeeze %dma_start3A_35 : memref<1x80x125xi32, #tpu.memory_space<vmem>> -> memref<80x125xi32, #tpu.memory_space<vmem>>
      %dma_start3A_37 = arith.constant 0 : i32
      %dma_start3A_38 = arith.constant 0 : i32
      %dma_start3A_39 = tpu.memref_slice %arg3[%add3A, %dma_start3A_37, %dma_start3A_38] : memref<32x80x125xi32, #tpu.memory_space<hbm>> -> memref<1x80x125xi32, #tpu.memory_space<hbm>>
      %dma_start3A_40 = tpu.memref_squeeze %dma_start3A_39 : memref<1x80x125xi32, #tpu.memory_space<hbm>> -> memref<80x125xi32, #tpu.memory_space<hbm>>
      %dma_start3A_41 = arith.constant 0 : i32
      %dma_start3A_42 = arith.constant 0 : i32
      %dma_start3A_43 = tpu.memref_slice %arg7[%run_scoped3A, %dma_start3A_41, %dma_start3A_42] : memref<2x80x125xi32, #tpu.memory_space<vmem>> -> memref<1x80x125xi32, #tpu.memory_space<vmem>>
      %dma_start3A_44 = tpu.memref_squeeze %dma_start3A_43 : memref<1x80x125xi32, #tpu.memory_space<vmem>> -> memref<80x125xi32, #tpu.memory_space<vmem>>
      %dma_start3A_45 = arith.constant 0 : i32
      %dma_start3A_46 = arith.constant 0 : i32
      %dma_start3A_47 = tpu.memref_slice %arg3[%add3A, %dma_start3A_45, %dma_start3A_46] : memref<32x80x125xi32, #tpu.memory_space<hbm>> -> memref<1x80x125xi32, #tpu.memory_space<hbm>>
      %dma_start3A_48 = tpu.memref_squeeze %dma_start3A_47 : memref<1x80x125xi32, #tpu.memory_space<hbm>> -> memref<80x125xi32, #tpu.memory_space<hbm>>
      tpu.enqueue_dma source(%dma_start3A_48 : memref<80x125xi32, #tpu.memory_space<hbm>>) target(%dma_start3A_44 : memref<80x125xi32, #tpu.memory_space<vmem>>) target_semaphore(%run_scoped3A_32 : memref<!tpu.dma_semaphore, #tpu.memory_space<semaphore_mem>>)
      %dma_wait3A = arith.constant 0 : i32
      %dma_wait3A_49 = arith.constant 0 : i32
      %dma_wait3A_50 = tpu.memref_slice %arg7[%run_scoped3A, %dma_wait3A, %dma_wait3A_49] : memref<2x80x125xi32, #tpu.memory_space<vmem>> -> memref<1x80x125xi32, #tpu.memory_space<vmem>>
      %dma_wait3A_51 = tpu.memref_squeeze %dma_wait3A_50 : memref<1x80x125xi32, #tpu.memory_space<vmem>> -> memref<80x125xi32, #tpu.memory_space<vmem>>
      %dma_wait3A_52 = arith.constant 0 : i32
      %dma_wait3A_53 = arith.constant 0 : i32
      %dma_wait3A_54 = tpu.memref_slice %arg3[%add3A, %dma_wait3A_52, %dma_wait3A_53] : memref<32x80x125xi32, #tpu.memory_space<hbm>> -> memref<1x80x125xi32, #tpu.memory_space<hbm>>
      %dma_wait3A_55 = tpu.memref_squeeze %dma_wait3A_54 : memref<1x80x125xi32, #tpu.memory_space<hbm>> -> memref<80x125xi32, #tpu.memory_space<hbm>>
      %dma_wait3A_56 = arith.constant 0 : i32
      %dma_wait3A_57 = arith.constant 0 : i32
      %dma_wait3A_58 = tpu.memref_slice %arg7[%run_scoped3A, %dma_wait3A_56, %dma_wait3A_57] : memref<2x80x125xi32, #tpu.memory_space<vmem>> -> memref<1x80x125xi32, #tpu.memory_space<vmem>>
      %dma_wait3A_59 = tpu.memref_squeeze %dma_wait3A_58 : memref<1x80x125xi32, #tpu.memory_space<vmem>> -> memref<80x125xi32, #tpu.memory_space<vmem>>
      %dma_wait3A_60 = arith.constant 0 : i32
      %dma_wait3A_61 = arith.constant 0 : i32
      %dma_wait3A_62 = tpu.memref_slice %arg3[%add3A, %dma_wait3A_60, %dma_wait3A_61] : memref<32x80x125xi32, #tpu.memory_space<hbm>> -> memref<1x80x125xi32, #tpu.memory_space<hbm>>
      %dma_wait3A_63 = tpu.memref_squeeze %dma_wait3A_62 : memref<1x80x125xi32, #tpu.memory_space<hbm>> -> memref<80x125xi32, #tpu.memory_space<hbm>>
      tpu.wait_dma2 semaphore(%run_scoped3A_32 : memref<!tpu.dma_semaphore, #tpu.memory_space<semaphore_mem>>) src(%dma_wait3A_63 : memref<80x125xi32, #tpu.memory_space<hbm>>) dst(%dma_wait3A_59 : memref<80x125xi32, #tpu.memory_space<vmem>>)
      tpu.yield
    }) : () -> ()
    %run_scoped3A_1 = arith.constant 1 : i32
    "tpu.region"() ({
      %run_scoped3A_32 = tpu.sem_alloc : memref<!tpu.dma_semaphore, #tpu.memory_space<semaphore_mem>>
      %dma_start3A_33 = arith.constant 0 : i32
      %dma_start3A_34 = arith.constant 0 : i32
      %dma_start3A_35 = tpu.memref_slice %arg7[%run_scoped3A_1, %dma_start3A_33, %dma_start3A_34] : memref<2x80x125xi32, #tpu.memory_space<vmem>> -> memref<1x80x125xi32, #tpu.memory_space<vmem>>
      %dma_start3A_36 = tpu.memref_squeeze %dma_start3A_35 : memref<1x80x125xi32, #tpu.memory_space<vmem>> -> memref<80x125xi32, #tpu.memory_space<vmem>>
      %dma_start3A_37 = arith.constant 0 : i32
      %dma_start3A_38 = arith.constant 0 : i32
      %dma_start3A_39 = tpu.memref_slice %arg4[%add3A, %dma_start3A_37, %dma_start3A_38] : memref<32x80x125xi32, #tpu.memory_space<hbm>> -> memref<1x80x125xi32, #tpu.memory_space<hbm>>
      %dma_start3A_40 = tpu.memref_squeeze %dma_start3A_39 : memref<1x80x125xi32, #tpu.memory_space<hbm>> -> memref<80x125xi32, #tpu.memory_space<hbm>>
      %dma_start3A_41 = arith.constant 0 : i32
      %dma_start3A_42 = arith.constant 0 : i32
      %dma_start3A_43 = tpu.memref_slice %arg7[%run_scoped3A_1, %dma_start3A_41, %dma_start3A_42] : memref<2x80x125xi32, #tpu.memory_space<vmem>> -> memref<1x80x125xi32, #tpu.memory_space<vmem>>
      %dma_start3A_44 = tpu.memref_squeeze %dma_start3A_43 : memref<1x80x125xi32, #tpu.memory_space<vmem>> -> memref<80x125xi32, #tpu.memory_space<vmem>>
      %dma_start3A_45 = arith.constant 0 : i32
      %dma_start3A_46 = arith.constant 0 : i32
      %dma_start3A_47 = tpu.memref_slice %arg4[%add3A, %dma_start3A_45, %dma_start3A_46] : memref<32x80x125xi32, #tpu.memory_space<hbm>> -> memref<1x80x125xi32, #tpu.memory_space<hbm>>
      %dma_start3A_48 = tpu.memref_squeeze %dma_start3A_47 : memref<1x80x125xi32, #tpu.memory_space<hbm>> -> memref<80x125xi32, #tpu.memory_space<hbm>>
      tpu.enqueue_dma source(%dma_start3A_48 : memref<80x125xi32, #tpu.memory_space<hbm>>) target(%dma_start3A_44 : memref<80x125xi32, #tpu.memory_space<vmem>>) target_semaphore(%run_scoped3A_32 : memref<!tpu.dma_semaphore, #tpu.memory_space<semaphore_mem>>)
      %dma_wait3A = arith.constant 0 : i32
      %dma_wait3A_49 = arith.constant 0 : i32
      %dma_wait3A_50 = tpu.memref_slice %arg7[%run_scoped3A_1, %dma_wait3A, %dma_wait3A_49] : memref<2x80x125xi32, #tpu.memory_space<vmem>> -> memref<1x80x125xi32, #tpu.memory_space<vmem>>
      %dma_wait3A_51 = tpu.memref_squeeze %dma_wait3A_50 : memref<1x80x125xi32, #tpu.memory_space<vmem>> -> memref<80x125xi32, #tpu.memory_space<vmem>>
      %dma_wait3A_52 = arith.constant 0 : i32
      %dma_wait3A_53 = arith.constant 0 : i32
      %dma_wait3A_54 = tpu.memref_slice %arg4[%add3A, %dma_wait3A_52, %dma_wait3A_53] : memref<32x80x125xi32, #tpu.memory_space<hbm>> -> memref<1x80x125xi32, #tpu.memory_space<hbm>>
      %dma_wait3A_55 = tpu.memref_squeeze %dma_wait3A_54 : memref<1x80x125xi32, #tpu.memory_space<hbm>> -> memref<80x125xi32, #tpu.memory_space<hbm>>
      %dma_wait3A_56 = arith.constant 0 : i32
      %dma_wait3A_57 = arith.constant 0 : i32
      %dma_wait3A_58 = tpu.memref_slice %arg7[%run_scoped3A_1, %dma_wait3A_56, %dma_wait3A_57] : memref<2x80x125xi32, #tpu.memory_space<vmem>> -> memref<1x80x125xi32, #tpu.memory_space<vmem>>
      %dma_wait3A_59 = tpu.memref_squeeze %dma_wait3A_58 : memref<1x80x125xi32, #tpu.memory_space<vmem>> -> memref<80x125xi32, #tpu.memory_space<vmem>>
      %dma_wait3A_60 = arith.constant 0 : i32
      %dma_wait3A_61 = arith.constant 0 : i32
      %dma_wait3A_62 = tpu.memref_slice %arg4[%add3A, %dma_wait3A_60, %dma_wait3A_61] : memref<32x80x125xi32, #tpu.memory_space<hbm>> -> memref<1x80x125xi32, #tpu.memory_space<hbm>>
      %dma_wait3A_63 = tpu.memref_squeeze %dma_wait3A_62 : memref<1x80x125xi32, #tpu.memory_space<hbm>> -> memref<80x125xi32, #tpu.memory_space<hbm>>
      tpu.wait_dma2 semaphore(%run_scoped3A_32 : memref<!tpu.dma_semaphore, #tpu.memory_space<semaphore_mem>>) src(%dma_wait3A_63 : memref<80x125xi32, #tpu.memory_space<hbm>>) dst(%dma_wait3A_59 : memref<80x125xi32, #tpu.memory_space<vmem>>)
      tpu.yield
    }) : () -> ()
    %eq3A = arith.constant 0 : i32
    %eq3A_2 = arith.cmpi eq, %arg1, %eq3A : i32
    %convert_element_type3A = arith.extui %eq3A_2 : i1 to i32
    %cond3A = arith.constant 0 : i32
    %cond3A_3 = arith.cmpi ne, %convert_element_type3A, %cond3A : i32
    scf.if %cond3A_3 {
      "tpu.region"() ({
        %run_scoped3A_32 = tpu.sem_alloc : memref<!tpu.dma_semaphore, #tpu.memory_space<semaphore_mem>>
        tpu.enqueue_dma source(%arg5 : memref<5120x128xf32, #tpu.memory_space<hbm>>) target(%arg9 : memref<5120x128xf32, #tpu.memory_space<vmem_shared>>) target_semaphore(%run_scoped3A_32 : memref<!tpu.dma_semaphore, #tpu.memory_space<semaphore_mem>>)
        tpu.wait_dma2 semaphore(%run_scoped3A_32 : memref<!tpu.dma_semaphore, #tpu.memory_space<semaphore_mem>>) src(%arg5 : memref<5120x128xf32, #tpu.memory_space<hbm>>) dst(%arg9 : memref<5120x128xf32, #tpu.memory_space<vmem_shared>>)
        tpu.yield
      }) : () -> ()
    } else {
    }
    %barrier3A = arith.constant 0 : index
    tpu.barrier barrier_id(%barrier3A)
    %dma_start3A = arith.constant 0 : i32
    %dma_start3A_4 = arith.constant 0 : i32
    %dma_start3A_5 = arith.constant 0 : i32
    %dma_start3A_6 = arith.constant 0 : i32
    %dma_start3A_7 = arith.constant 0 : i32
    %dma_start3A_8 = tpu.memref_slice %arg8[%dma_start3A_5, %dma_start3A_6, %dma_start3A_7] : memref<2x125x128xf32, #tpu.memory_space<vmem>> -> memref<1x125x128xf32, #tpu.memory_space<vmem>>
    %dma_start3A_9 = tpu.memref_squeeze %dma_start3A_8 : memref<1x125x128xf32, #tpu.memory_space<vmem>> -> memref<125x128xf32, #tpu.memory_space<vmem>>
    %dma_start3A_10 = arith.constant 0 : i32
    %dma_start3A_11 = arith.constant 0 : i32
    %dma_start3A_12 = tpu.memref_slice %arg7[%dma_start3A, %dma_start3A_10, %dma_start3A_11] : memref<2x80x125xi32, #tpu.memory_space<vmem>> -> memref<1x80x125xi32, #tpu.memory_space<vmem>>
    %dma_start3A_13 = tpu.memref_squeeze %dma_start3A_12 : memref<1x80x125xi32, #tpu.memory_space<vmem>> -> memref<80x125xi32, #tpu.memory_space<vmem>>
    %dma_start3A_14 = arith.constant 0 : i32
    %dma_start3A_15 = tpu.memref_slice %dma_start3A_13[%dma_start3A_4, %dma_start3A_14] : memref<80x125xi32, #tpu.memory_space<vmem>> -> memref<1x125xi32, #tpu.memory_space<vmem>>
    %dma_start3A_16 = tpu.memref_squeeze %dma_start3A_15 : memref<1x125xi32, #tpu.memory_space<vmem>> -> memref<125xi32, #tpu.memory_space<vmem>>
    %dma_start3A_17 = arith.constant 0 : i32
    %dma_start3A_18 = arith.constant 0 : i32
    %dma_start3A_19 = tpu.memref_slice %arg2[%dma_start3A_17, %dma_start3A_18] : memref<10000x128xf32, #tpu.memory_space<hbm>> -> memref<10000x128xf32, #tpu.memory_space<hbm>>
    tpu.enqueue_indirect_dma source(%dma_start3A_19 : memref<10000x128xf32, #tpu.memory_space<hbm>>) target(%dma_start3A_9 : memref<125x128xf32, #tpu.memory_space<vmem>>) offsets(%dma_start3A_16 : memref<125xi32, #tpu.memory_space<vmem>>) semaphore(%arg10 : memref<!tpu.dma_semaphore, #tpu.memory_space<semaphore_mem>>)
    %scan3A = arith.constant 0 : i32
    %scan3A_20 = arith.constant 0 : i32
    %scan3A_21 = arith.constant 1 : i32
    %scan3A_22 = arith.constant 0 : i32
    %scan3A_23 = arith.constant 1 : i32
    %scan3A_24 = arith.constant 0 : i32
    %scan3A_25 = arith.constant 40 : i32
    %scan3A_26 = arith.addi %scan3A_24, %scan3A_25 : i32
    %scan3A_27 = arith.constant 1 : i32
    scf.for %scan3A_32 = %scan3A_24 to %scan3A_26 step %scan3A_27  : i32 {
      %mul3A_33 = arith.constant 2 : i32
      %mul3A_34 = arith.muli %mul3A_33, %scan3A_32 : i32
      %add3A_35 = arith.constant 1 : i32
      %add3A_36 = arith.addi %mul3A_34, %add3A_35 : i32
      %dma_start3A_37 = arith.constant 0 : i32
      %dma_start3A_38 = arith.constant 0 : i32
      %dma_start3A_39 = tpu.memref_slice %arg8[%scan3A_21, %dma_start3A_37, %dma_start3A_38] : memref<2x125x128xf32, #tpu.memory_space<vmem>> -> memref<1x125x128xf32, #tpu.memory_space<vmem>>
      %dma_start3A_40 = tpu.memref_squeeze %dma_start3A_39 : memref<1x125x128xf32, #tpu.memory_space<vmem>> -> memref<125x128xf32, #tpu.memory_space<vmem>>
      %dma_start3A_41 = arith.constant 0 : i32
      %dma_start3A_42 = arith.constant 0 : i32
      %dma_start3A_43 = tpu.memref_slice %arg7[%scan3A_20, %dma_start3A_41, %dma_start3A_42] : memref<2x80x125xi32, #tpu.memory_space<vmem>> -> memref<1x80x125xi32, #tpu.memory_space<vmem>>
      %dma_start3A_44 = tpu.memref_squeeze %dma_start3A_43 : memref<1x80x125xi32, #tpu.memory_space<vmem>> -> memref<80x125xi32, #tpu.memory_space<vmem>>
      %dma_start3A_45 = arith.constant 0 : i32
      %dma_start3A_46 = tpu.memref_slice %dma_start3A_44[%add3A_36, %dma_start3A_45] : memref<80x125xi32, #tpu.memory_space<vmem>> -> memref<1x125xi32, #tpu.memory_space<vmem>>
      %dma_start3A_47 = tpu.memref_squeeze %dma_start3A_46 : memref<1x125xi32, #tpu.memory_space<vmem>> -> memref<125xi32, #tpu.memory_space<vmem>>
      %dma_start3A_48 = arith.constant 0 : i32
      %dma_start3A_49 = arith.constant 0 : i32
      %dma_start3A_50 = tpu.memref_slice %arg2[%dma_start3A_48, %dma_start3A_49] : memref<10000x128xf32, #tpu.memory_space<hbm>> -> memref<10000x128xf32, #tpu.memory_space<hbm>>
      tpu.enqueue_indirect_dma source(%dma_start3A_50 : memref<10000x128xf32, #tpu.memory_space<hbm>>) target(%dma_start3A_40 : memref<125x128xf32, #tpu.memory_space<vmem>>) offsets(%dma_start3A_47 : memref<125xi32, #tpu.memory_space<vmem>>) semaphore(%arg10 : memref<!tpu.dma_semaphore, #tpu.memory_space<semaphore_mem>>)
      %dma_wait3A = arith.constant 0 : i32
      %dma_wait3A_51 = arith.constant 0 : i32
      %dma_wait3A_52 = tpu.memref_slice %arg8[%scan3A_22, %dma_wait3A, %dma_wait3A_51] : memref<2x125x128xf32, #tpu.memory_space<vmem>> -> memref<1x125x128xf32, #tpu.memory_space<vmem>>
      %dma_wait3A_53 = tpu.memref_squeeze %dma_wait3A_52 : memref<1x125x128xf32, #tpu.memory_space<vmem>> -> memref<125x128xf32, #tpu.memory_space<vmem>>
      %dma_wait3A_54 = arith.constant 0 : i32
      %dma_wait3A_55 = arith.constant 0 : i32
      %dma_wait3A_56 = tpu.memref_slice %arg7[%scan3A_20, %dma_wait3A_54, %dma_wait3A_55] : memref<2x80x125xi32, #tpu.memory_space<vmem>> -> memref<1x80x125xi32, #tpu.memory_space<vmem>>
      %dma_wait3A_57 = tpu.memref_squeeze %dma_wait3A_56 : memref<1x80x125xi32, #tpu.memory_space<vmem>> -> memref<80x125xi32, #tpu.memory_space<vmem>>
      %dma_wait3A_58 = arith.constant 0 : i32
      %dma_wait3A_59 = tpu.memref_slice %dma_wait3A_57[%mul3A_34, %dma_wait3A_58] : memref<80x125xi32, #tpu.memory_space<vmem>> -> memref<1x125xi32, #tpu.memory_space<vmem>>
      %dma_wait3A_60 = tpu.memref_squeeze %dma_wait3A_59 : memref<1x125xi32, #tpu.memory_space<vmem>> -> memref<125xi32, #tpu.memory_space<vmem>>
      %dma_wait3A_61 = arith.constant 0 : i32
      %dma_wait3A_62 = arith.constant 0 : i32
      %dma_wait3A_63 = tpu.memref_slice %arg2[%dma_wait3A_61, %dma_wait3A_62] : memref<10000x128xf32, #tpu.memory_space<hbm>> -> memref<10000x128xf32, #tpu.memory_space<hbm>>
      tpu.wait_indirect_dma semaphore(%arg10 : memref<!tpu.dma_semaphore, #tpu.memory_space<semaphore_mem>>) src(%dma_wait3A_63 : memref<10000x128xf32, #tpu.memory_space<hbm>>) dst(%dma_wait3A_53 : memref<125x128xf32, #tpu.memory_space<vmem>>)
      "tpu.region"() ({
        %run_scoped3A_88 = tpu.sem_alloc : memref<!tpu.dma_semaphore, #tpu.memory_space<semaphore_mem>>
        %dma_start3A_89 = arith.constant 0 : i32
        %dma_start3A_90 = arith.constant 0 : i32
        %dma_start3A_91 = tpu.memref_slice %arg8[%scan3A_22, %dma_start3A_89, %dma_start3A_90] : memref<2x125x128xf32, #tpu.memory_space<vmem>> -> memref<1x125x128xf32, #tpu.memory_space<vmem>>
        %dma_start3A_92 = tpu.memref_squeeze %dma_start3A_91 : memref<1x125x128xf32, #tpu.memory_space<vmem>> -> memref<125x128xf32, #tpu.memory_space<vmem>>
        %dma_start3A_93 = arith.constant 0 : i32
        %dma_start3A_94 = arith.constant 0 : i32
        %dma_start3A_95 = tpu.memref_slice %arg7[%scan3A_23, %dma_start3A_93, %dma_start3A_94] : memref<2x80x125xi32, #tpu.memory_space<vmem>> -> memref<1x80x125xi32, #tpu.memory_space<vmem>>
        %dma_start3A_96 = tpu.memref_squeeze %dma_start3A_95 : memref<1x80x125xi32, #tpu.memory_space<vmem>> -> memref<80x125xi32, #tpu.memory_space<vmem>>
        %dma_start3A_97 = arith.constant 0 : i32
        %dma_start3A_98 = tpu.memref_slice %dma_start3A_96[%mul3A_34, %dma_start3A_97] : memref<80x125xi32, #tpu.memory_space<vmem>> -> memref<1x125xi32, #tpu.memory_space<vmem>>
        %dma_start3A_99 = tpu.memref_squeeze %dma_start3A_98 : memref<1x125xi32, #tpu.memory_space<vmem>> -> memref<125xi32, #tpu.memory_space<vmem>>
        %dma_start3A_100 = arith.constant 0 : i32
        %dma_start3A_101 = arith.constant 0 : i32
        %dma_start3A_102 = tpu.memref_slice %arg9[%dma_start3A_100, %dma_start3A_101] : memref<5120x128xf32, #tpu.memory_space<vmem_shared>> -> memref<5120x128xf32, #tpu.memory_space<vmem_shared>>
        tpu.enqueue_indirect_dma source(%dma_start3A_92 : memref<125x128xf32, #tpu.memory_space<vmem>>) target(%dma_start3A_102 : memref<5120x128xf32, #tpu.memory_space<vmem_shared>>) offsets(%dma_start3A_99 : memref<125xi32, #tpu.memory_space<vmem>>) semaphore(%run_scoped3A_88 : memref<!tpu.dma_semaphore, #tpu.memory_space<semaphore_mem>>) {add = true}
        %dma_wait3A_103 = arith.constant 0 : i32
        %dma_wait3A_104 = arith.constant 0 : i32
        %dma_wait3A_105 = tpu.memref_slice %arg8[%scan3A_22, %dma_wait3A_103, %dma_wait3A_104] : memref<2x125x128xf32, #tpu.memory_space<vmem>> -> memref<1x125x128xf32, #tpu.memory_space<vmem>>
        %dma_wait3A_106 = tpu.memref_squeeze %dma_wait3A_105 : memref<1x125x128xf32, #tpu.memory_space<vmem>> -> memref<125x128xf32, #tpu.memory_space<vmem>>
        %dma_wait3A_107 = arith.constant 0 : i32
        %dma_wait3A_108 = arith.constant 0 : i32
        %dma_wait3A_109 = tpu.memref_slice %arg7[%scan3A_23, %dma_wait3A_107, %dma_wait3A_108] : memref<2x80x125xi32, #tpu.memory_space<vmem>> -> memref<1x80x125xi32, #tpu.memory_space<vmem>>
        %dma_wait3A_110 = tpu.memref_squeeze %dma_wait3A_109 : memref<1x80x125xi32, #tpu.memory_space<vmem>> -> memref<80x125xi32, #tpu.memory_space<vmem>>
        %dma_wait3A_111 = arith.constant 0 : i32
        %dma_wait3A_112 = tpu.memref_slice %dma_wait3A_110[%mul3A_34, %dma_wait3A_111] : memref<80x125xi32, #tpu.memory_space<vmem>> -> memref<1x125xi32, #tpu.memory_space<vmem>>
        %dma_wait3A_113 = tpu.memref_squeeze %dma_wait3A_112 : memref<1x125xi32, #tpu.memory_space<vmem>> -> memref<125xi32, #tpu.memory_space<vmem>>
        %dma_wait3A_114 = arith.constant 0 : i32
        %dma_wait3A_115 = arith.constant 0 : i32
        %dma_wait3A_116 = tpu.memref_slice %arg9[%dma_wait3A_114, %dma_wait3A_115] : memref<5120x128xf32, #tpu.memory_space<vmem_shared>> -> memref<5120x128xf32, #tpu.memory_space<vmem_shared>>
        tpu.wait_indirect_dma semaphore(%run_scoped3A_88 : memref<!tpu.dma_semaphore, #tpu.memory_space<semaphore_mem>>) src(%dma_wait3A_106 : memref<125x128xf32, #tpu.memory_space<vmem>>) dst(%dma_wait3A_116 : memref<5120x128xf32, #tpu.memory_space<vmem_shared>>)
        tpu.yield
      }) : () -> ()
      %add3A_64 = arith.constant 2 : i32
      %add3A_65 = arith.addi %mul3A_34, %add3A_64 : i32
      %lt3A = arith.constant 80 : i32
      %lt3A_66 = arith.cmpi slt, %add3A_65, %lt3A : i32
      %convert_element_type3A_67 = arith.extui %lt3A_66 : i1 to i32
      %cond3A_68 = arith.constant 0 : i32
      %cond3A_69 = arith.cmpi ne, %convert_element_type3A_67, %cond3A_68 : i32
      scf.if %cond3A_69 {
        %add3A_88 = arith.constant 2 : i32
        %add3A_89 = arith.addi %mul3A_34, %add3A_88 : i32
        %dma_start3A_90 = arith.constant 0 : i32
        %dma_start3A_91 = arith.constant 0 : i32
        %dma_start3A_92 = tpu.memref_slice %arg8[%scan3A_22, %dma_start3A_90, %dma_start3A_91] : memref<2x125x128xf32, #tpu.memory_space<vmem>> -> memref<1x125x128xf32, #tpu.memory_space<vmem>>
        %dma_start3A_93 = tpu.memref_squeeze %dma_start3A_92 : memref<1x125x128xf32, #tpu.memory_space<vmem>> -> memref<125x128xf32, #tpu.memory_space<vmem>>
        %dma_start3A_94 = arith.constant 0 : i32
        %dma_start3A_95 = arith.constant 0 : i32
        %dma_start3A_96 = tpu.memref_slice %arg7[%scan3A_20, %dma_start3A_94, %dma_start3A_95] : memref<2x80x125xi32, #tpu.memory_space<vmem>> -> memref<1x80x125xi32, #tpu.memory_space<vmem>>
        %dma_start3A_97 = tpu.memref_squeeze %dma_start3A_96 : memref<1x80x125xi32, #tpu.memory_space<vmem>> -> memref<80x125xi32, #tpu.memory_space<vmem>>
        %dma_start3A_98 = arith.constant 0 : i32
        %dma_start3A_99 = tpu.memref_slice %dma_start3A_97[%add3A_89, %dma_start3A_98] : memref<80x125xi32, #tpu.memory_space<vmem>> -> memref<1x125xi32, #tpu.memory_space<vmem>>
        %dma_start3A_100 = tpu.memref_squeeze %dma_start3A_99 : memref<1x125xi32, #tpu.memory_space<vmem>> -> memref<125xi32, #tpu.memory_space<vmem>>
        %dma_start3A_101 = arith.constant 0 : i32
        %dma_start3A_102 = arith.constant 0 : i32
        %dma_start3A_103 = tpu.memref_slice %arg2[%dma_start3A_101, %dma_start3A_102] : memref<10000x128xf32, #tpu.memory_space<hbm>> -> memref<10000x128xf32, #tpu.memory_space<hbm>>
        tpu.enqueue_indirect_dma source(%dma_start3A_103 : memref<10000x128xf32, #tpu.memory_space<hbm>>) target(%dma_start3A_93 : memref<125x128xf32, #tpu.memory_space<vmem>>) offsets(%dma_start3A_100 : memref<125xi32, #tpu.memory_space<vmem>>) semaphore(%arg10 : memref<!tpu.dma_semaphore, #tpu.memory_space<semaphore_mem>>)
      } else {
      }
      %add3A_70 = arith.constant 1 : i32
      %add3A_71 = arith.addi %mul3A_34, %add3A_70 : i32
      %dma_wait3A_72 = arith.constant 0 : i32
      %dma_wait3A_73 = arith.constant 0 : i32
      %dma_wait3A_74 = tpu.memref_slice %arg8[%scan3A_21, %dma_wait3A_72, %dma_wait3A_73] : memref<2x125x128xf32, #tpu.memory_space<vmem>> -> memref<1x125x128xf32, #tpu.memory_space<vmem>>
      %dma_wait3A_75 = tpu.memref_squeeze %dma_wait3A_74 : memref<1x125x128xf32, #tpu.memory_space<vmem>> -> memref<125x128xf32, #tpu.memory_space<vmem>>
      %dma_wait3A_76 = arith.constant 0 : i32
      %dma_wait3A_77 = arith.constant 0 : i32
      %dma_wait3A_78 = tpu.memref_slice %arg7[%scan3A_20, %dma_wait3A_76, %dma_wait3A_77] : memref<2x80x125xi32, #tpu.memory_space<vmem>> -> memref<1x80x125xi32, #tpu.memory_space<vmem>>
      %dma_wait3A_79 = tpu.memref_squeeze %dma_wait3A_78 : memref<1x80x125xi32, #tpu.memory_space<vmem>> -> memref<80x125xi32, #tpu.memory_space<vmem>>
      %dma_wait3A_80 = arith.constant 0 : i32
      %dma_wait3A_81 = tpu.memref_slice %dma_wait3A_79[%add3A_71, %dma_wait3A_80] : memref<80x125xi32, #tpu.memory_space<vmem>> -> memref<1x125xi32, #tpu.memory_space<vmem>>
      %dma_wait3A_82 = tpu.memref_squeeze %dma_wait3A_81 : memref<1x125xi32, #tpu.memory_space<vmem>> -> memref<125xi32, #tpu.memory_space<vmem>>
      %dma_wait3A_83 = arith.constant 0 : i32
      %dma_wait3A_84 = arith.constant 0 : i32
      %dma_wait3A_85 = tpu.memref_slice %arg2[%dma_wait3A_83, %dma_wait3A_84] : memref<10000x128xf32, #tpu.memory_space<hbm>> -> memref<10000x128xf32, #tpu.memory_space<hbm>>
      tpu.wait_indirect_dma semaphore(%arg10 : memref<!tpu.dma_semaphore, #tpu.memory_space<semaphore_mem>>) src(%dma_wait3A_85 : memref<10000x128xf32, #tpu.memory_space<hbm>>) dst(%dma_wait3A_75 : memref<125x128xf32, #tpu.memory_space<vmem>>)
      %add3A_86 = arith.constant 1 : i32
      %add3A_87 = arith.addi %mul3A_34, %add3A_86 : i32
      "tpu.region"() ({
        %run_scoped3A_88 = tpu.sem_alloc : memref<!tpu.dma_semaphore, #tpu.memory_space<semaphore_mem>>
        %dma_start3A_89 = arith.constant 0 : i32
        %dma_start3A_90 = arith.constant 0 : i32
        %dma_start3A_91 = tpu.memref_slice %arg8[%scan3A_21, %dma_start3A_89, %dma_start3A_90] : memref<2x125x128xf32, #tpu.memory_space<vmem>> -> memref<1x125x128xf32, #tpu.memory_space<vmem>>
        %dma_start3A_92 = tpu.memref_squeeze %dma_start3A_91 : memref<1x125x128xf32, #tpu.memory_space<vmem>> -> memref<125x128xf32, #tpu.memory_space<vmem>>
        %dma_start3A_93 = arith.constant 0 : i32
        %dma_start3A_94 = arith.constant 0 : i32
        %dma_start3A_95 = tpu.memref_slice %arg7[%scan3A_23, %dma_start3A_93, %dma_start3A_94] : memref<2x80x125xi32, #tpu.memory_space<vmem>> -> memref<1x80x125xi32, #tpu.memory_space<vmem>>
        %dma_start3A_96 = tpu.memref_squeeze %dma_start3A_95 : memref<1x80x125xi32, #tpu.memory_space<vmem>> -> memref<80x125xi32, #tpu.memory_space<vmem>>
        %dma_start3A_97 = arith.constant 0 : i32
        %dma_start3A_98 = tpu.memref_slice %dma_start3A_96[%add3A_87, %dma_start3A_97] : memref<80x125xi32, #tpu.memory_space<vmem>> -> memref<1x125xi32, #tpu.memory_space<vmem>>
        %dma_start3A_99 = tpu.memref_squeeze %dma_start3A_98 : memref<1x125xi32, #tpu.memory_space<vmem>> -> memref<125xi32, #tpu.memory_space<vmem>>
        %dma_start3A_100 = arith.constant 0 : i32
        %dma_start3A_101 = arith.constant 0 : i32
        %dma_start3A_102 = tpu.memref_slice %arg9[%dma_start3A_100, %dma_start3A_101] : memref<5120x128xf32, #tpu.memory_space<vmem_shared>> -> memref<5120x128xf32, #tpu.memory_space<vmem_shared>>
        tpu.enqueue_indirect_dma source(%dma_start3A_92 : memref<125x128xf32, #tpu.memory_space<vmem>>) target(%dma_start3A_102 : memref<5120x128xf32, #tpu.memory_space<vmem_shared>>) offsets(%dma_start3A_99 : memref<125xi32, #tpu.memory_space<vmem>>) semaphore(%run_scoped3A_88 : memref<!tpu.dma_semaphore, #tpu.memory_space<semaphore_mem>>) {add = true}
        %dma_wait3A_103 = arith.constant 0 : i32
        %dma_wait3A_104 = arith.constant 0 : i32
        %dma_wait3A_105 = tpu.memref_slice %arg8[%scan3A_21, %dma_wait3A_103, %dma_wait3A_104] : memref<2x125x128xf32, #tpu.memory_space<vmem>> -> memref<1x125x128xf32, #tpu.memory_space<vmem>>
        %dma_wait3A_106 = tpu.memref_squeeze %dma_wait3A_105 : memref<1x125x128xf32, #tpu.memory_space<vmem>> -> memref<125x128xf32, #tpu.memory_space<vmem>>
        %dma_wait3A_107 = arith.constant 0 : i32
        %dma_wait3A_108 = arith.constant 0 : i32
        %dma_wait3A_109 = tpu.memref_slice %arg7[%scan3A_23, %dma_wait3A_107, %dma_wait3A_108] : memref<2x80x125xi32, #tpu.memory_space<vmem>> -> memref<1x80x125xi32, #tpu.memory_space<vmem>>
        %dma_wait3A_110 = tpu.memref_squeeze %dma_wait3A_109 : memref<1x80x125xi32, #tpu.memory_space<vmem>> -> memref<80x125xi32, #tpu.memory_space<vmem>>
        %dma_wait3A_111 = arith.constant 0 : i32
        %dma_wait3A_112 = tpu.memref_slice %dma_wait3A_110[%add3A_87, %dma_wait3A_111] : memref<80x125xi32, #tpu.memory_space<vmem>> -> memref<1x125xi32, #tpu.memory_space<vmem>>
        %dma_wait3A_113 = tpu.memref_squeeze %dma_wait3A_112 : memref<1x125xi32, #tpu.memory_space<vmem>> -> memref<125xi32, #tpu.memory_space<vmem>>
        %dma_wait3A_114 = arith.constant 0 : i32
        %dma_wait3A_115 = arith.constant 0 : i32
        %dma_wait3A_116 = tpu.memref_slice %arg9[%dma_wait3A_114, %dma_wait3A_115] : memref<5120x128xf32, #tpu.memory_space<vmem_shared>> -> memref<5120x128xf32, #tpu.memory_space<vmem_shared>>
        tpu.wait_indirect_dma semaphore(%run_scoped3A_88 : memref<!tpu.dma_semaphore, #tpu.memory_space<semaphore_mem>>) src(%dma_wait3A_106 : memref<125x128xf32, #tpu.memory_space<vmem>>) dst(%dma_wait3A_116 : memref<5120x128xf32, #tpu.memory_space<vmem_shared>>)
        tpu.yield
      }) : () -> ()
    }
    %scan3A_28 = arith.constant 40 : i32
    %barrier3A_29 = arith.constant 0 : index
    tpu.barrier barrier_id(%barrier3A_29)
    %mul3A_30 = arith.constant 320 : i32
    %mul3A_31 = arith.muli %arg1, %mul3A_30 : i32
    "tpu.region"() ({
      %run_scoped3A_32 = tpu.sem_alloc : memref<!tpu.dma_semaphore, #tpu.memory_space<semaphore_mem>>
      %dma_start3A_33 = arith.constant 0 : i32
      %dma_start3A_34 = tpu.memref_slice %arg6[%arg0, %mul3A_31, %dma_start3A_33] : memref<2x5120x128xf32, #tpu.memory_space<hbm>> -> memref<1x320x128xf32, #tpu.memory_space<hbm>>
      %dma_start3A_35 = tpu.memref_squeeze %dma_start3A_34 : memref<1x320x128xf32, #tpu.memory_space<hbm>> -> memref<320x128xf32, #tpu.memory_space<hbm>>
      %dma_start3A_36 = arith.constant 0 : i32
      %dma_start3A_37 = tpu.memref_slice %arg9[%mul3A_31, %dma_start3A_36] : memref<5120x128xf32, #tpu.memory_space<vmem_shared>> -> memref<320x128xf32, #tpu.memory_space<vmem_shared>>
      tpu.enqueue_dma source(%dma_start3A_37 : memref<320x128xf32, #tpu.memory_space<vmem_shared>>) target(%dma_start3A_35 : memref<320x128xf32, #tpu.memory_space<hbm>>) target_semaphore(%run_scoped3A_32 : memref<!tpu.dma_semaphore, #tpu.memory_space<semaphore_mem>>)
      %dma_wait3A = arith.constant 0 : i32
      %dma_wait3A_38 = tpu.memref_slice %arg6[%arg0, %mul3A_31, %dma_wait3A] : memref<2x5120x128xf32, #tpu.memory_space<hbm>> -> memref<1x320x128xf32, #tpu.memory_space<hbm>>
      %dma_wait3A_39 = tpu.memref_squeeze %dma_wait3A_38 : memref<1x320x128xf32, #tpu.memory_space<hbm>> -> memref<320x128xf32, #tpu.memory_space<hbm>>
      %dma_wait3A_40 = arith.constant 0 : i32
      %dma_wait3A_41 = tpu.memref_slice %arg9[%mul3A_31, %dma_wait3A_40] : memref<5120x128xf32, #tpu.memory_space<vmem_shared>> -> memref<320x128xf32, #tpu.memory_space<vmem_shared>>
      tpu.wait_dma2 semaphore(%run_scoped3A_32 : memref<!tpu.dma_semaphore, #tpu.memory_space<semaphore_mem>>) src(%dma_wait3A_41 : memref<320x128xf32, #tpu.memory_space<vmem_shared>>) dst(%dma_wait3A_39 : memref<320x128xf32, #tpu.memory_space<hbm>>)
      tpu.yield
    }) : () -> ()
    return
  }
}

#map = affine_map<(d0, d1) -> (0, 0)>
#map1 = affine_map<(d0, d1) -> (0, 0, 0)>
module attributes {stable_mosaic.version = 14 : i64} {
  func.func @phase(%arg0: i32, %arg1: i32, %arg2: memref<10240x128xf32, #tpu.memory_space<hbm>>, %arg3: memref<32x80x125xi32, #tpu.memory_space<hbm>>, %arg4: memref<32x80x125xi32, #tpu.memory_space<hbm>>, %arg5: memref<5120x128xf32, #tpu.memory_space<hbm>>, %arg6: memref<2x5120x128xf32, #tpu.memory_space<hbm>>, %arg7: memref<2x80x125xi32, #tpu.memory_space<vmem>>, %arg8: memref<2x125x128xf32, #tpu.memory_space<vmem>>, %arg9: memref<5120x128xf32, #tpu.memory_space<vmem_shared>>, %arg10: memref<!tpu.dma_semaphore, #tpu.memory_space<semaphore_mem>>) attributes {dimension_semantics = [#tpu.dimension_semantics<core_parallel>, #tpu.dimension_semantics<subcore_parallel>], iteration_bounds = array<i64: 2, 16>, scalar_prefetch = 0 : i64, scratch_operands = 4 : i64, tpu.core_type = #tpu.core_type<sc_vector_subcore>, window_params = [{transform_indices = #map}, {transform_indices = #map1}, {transform_indices = #map1}, {transform_indices = #map}, {transform_indices = #map1}]} {
    %mul3A = arith.constant 16 : i32
    %mul3A_0 = arith.muli %arg0, %mul3A : i32
    %add3A = arith.addi %mul3A_0, %arg1 : i32
    %run_scoped3A = arith.constant 0 : i32
    "tpu.region"() ({
      %run_scoped3A_32 = tpu.sem_alloc : memref<!tpu.dma_semaphore, #tpu.memory_space<semaphore_mem>>
      %dma_start3A_33 = arith.constant 0 : i32
      %dma_start3A_34 = arith.constant 0 : i32
      %dma_start3A_35 = tpu.memref_slice %arg7[%run_scoped3A, %dma_start3A_33, %dma_start3A_34] : memref<2x80x125xi32, #tpu.memory_space<vmem>> -> memref<1x80x125xi32, #tpu.memory_space<vmem>>
      %dma_start3A_36 = tpu.memref_squeeze %dma_start3A_35 : memref<1x80x125xi32, #tpu.memory_space<vmem>> -> memref<80x125xi32, #tpu.memory_space<vmem>>
      %dma_start3A_37 = arith.constant 0 : i32
      %dma_start3A_38 = arith.constant 0 : i32
      %dma_start3A_39 = tpu.memref_slice %arg3[%add3A, %dma_start3A_37, %dma_start3A_38] : memref<32x80x125xi32, #tpu.memory_space<hbm>> -> memref<1x80x125xi32, #tpu.memory_space<hbm>>
      %dma_start3A_40 = tpu.memref_squeeze %dma_start3A_39 : memref<1x80x125xi32, #tpu.memory_space<hbm>> -> memref<80x125xi32, #tpu.memory_space<hbm>>
      %dma_start3A_41 = arith.constant 0 : i32
      %dma_start3A_42 = arith.constant 0 : i32
      %dma_start3A_43 = tpu.memref_slice %arg7[%run_scoped3A, %dma_start3A_41, %dma_start3A_42] : memref<2x80x125xi32, #tpu.memory_space<vmem>> -> memref<1x80x125xi32, #tpu.memory_space<vmem>>
      %dma_start3A_44 = tpu.memref_squeeze %dma_start3A_43 : memref<1x80x125xi32, #tpu.memory_space<vmem>> -> memref<80x125xi32, #tpu.memory_space<vmem>>
      %dma_start3A_45 = arith.constant 0 : i32
      %dma_start3A_46 = arith.constant 0 : i32
      %dma_start3A_47 = tpu.memref_slice %arg3[%add3A, %dma_start3A_45, %dma_start3A_46] : memref<32x80x125xi32, #tpu.memory_space<hbm>> -> memref<1x80x125xi32, #tpu.memory_space<hbm>>
      %dma_start3A_48 = tpu.memref_squeeze %dma_start3A_47 : memref<1x80x125xi32, #tpu.memory_space<hbm>> -> memref<80x125xi32, #tpu.memory_space<hbm>>
      tpu.enqueue_dma source(%dma_start3A_48 : memref<80x125xi32, #tpu.memory_space<hbm>>) target(%dma_start3A_44 : memref<80x125xi32, #tpu.memory_space<vmem>>) target_semaphore(%run_scoped3A_32 : memref<!tpu.dma_semaphore, #tpu.memory_space<semaphore_mem>>)
      %dma_wait3A = arith.constant 0 : i32
      %dma_wait3A_49 = arith.constant 0 : i32
      %dma_wait3A_50 = tpu.memref_slice %arg7[%run_scoped3A, %dma_wait3A, %dma_wait3A_49] : memref<2x80x125xi32, #tpu.memory_space<vmem>> -> memref<1x80x125xi32, #tpu.memory_space<vmem>>
      %dma_wait3A_51 = tpu.memref_squeeze %dma_wait3A_50 : memref<1x80x125xi32, #tpu.memory_space<vmem>> -> memref<80x125xi32, #tpu.memory_space<vmem>>
      %dma_wait3A_52 = arith.constant 0 : i32
      %dma_wait3A_53 = arith.constant 0 : i32
      %dma_wait3A_54 = tpu.memref_slice %arg3[%add3A, %dma_wait3A_52, %dma_wait3A_53] : memref<32x80x125xi32, #tpu.memory_space<hbm>> -> memref<1x80x125xi32, #tpu.memory_space<hbm>>
      %dma_wait3A_55 = tpu.memref_squeeze %dma_wait3A_54 : memref<1x80x125xi32, #tpu.memory_space<hbm>> -> memref<80x125xi32, #tpu.memory_space<hbm>>
      %dma_wait3A_56 = arith.constant 0 : i32
      %dma_wait3A_57 = arith.constant 0 : i32
      %dma_wait3A_58 = tpu.memref_slice %arg7[%run_scoped3A, %dma_wait3A_56, %dma_wait3A_57] : memref<2x80x125xi32, #tpu.memory_space<vmem>> -> memref<1x80x125xi32, #tpu.memory_space<vmem>>
      %dma_wait3A_59 = tpu.memref_squeeze %dma_wait3A_58 : memref<1x80x125xi32, #tpu.memory_space<vmem>> -> memref<80x125xi32, #tpu.memory_space<vmem>>
      %dma_wait3A_60 = arith.constant 0 : i32
      %dma_wait3A_61 = arith.constant 0 : i32
      %dma_wait3A_62 = tpu.memref_slice %arg3[%add3A, %dma_wait3A_60, %dma_wait3A_61] : memref<32x80x125xi32, #tpu.memory_space<hbm>> -> memref<1x80x125xi32, #tpu.memory_space<hbm>>
      %dma_wait3A_63 = tpu.memref_squeeze %dma_wait3A_62 : memref<1x80x125xi32, #tpu.memory_space<hbm>> -> memref<80x125xi32, #tpu.memory_space<hbm>>
      tpu.wait_dma2 semaphore(%run_scoped3A_32 : memref<!tpu.dma_semaphore, #tpu.memory_space<semaphore_mem>>) src(%dma_wait3A_63 : memref<80x125xi32, #tpu.memory_space<hbm>>) dst(%dma_wait3A_59 : memref<80x125xi32, #tpu.memory_space<vmem>>)
      tpu.yield
    }) : () -> ()
    %run_scoped3A_1 = arith.constant 1 : i32
    "tpu.region"() ({
      %run_scoped3A_32 = tpu.sem_alloc : memref<!tpu.dma_semaphore, #tpu.memory_space<semaphore_mem>>
      %dma_start3A_33 = arith.constant 0 : i32
      %dma_start3A_34 = arith.constant 0 : i32
      %dma_start3A_35 = tpu.memref_slice %arg7[%run_scoped3A_1, %dma_start3A_33, %dma_start3A_34] : memref<2x80x125xi32, #tpu.memory_space<vmem>> -> memref<1x80x125xi32, #tpu.memory_space<vmem>>
      %dma_start3A_36 = tpu.memref_squeeze %dma_start3A_35 : memref<1x80x125xi32, #tpu.memory_space<vmem>> -> memref<80x125xi32, #tpu.memory_space<vmem>>
      %dma_start3A_37 = arith.constant 0 : i32
      %dma_start3A_38 = arith.constant 0 : i32
      %dma_start3A_39 = tpu.memref_slice %arg4[%add3A, %dma_start3A_37, %dma_start3A_38] : memref<32x80x125xi32, #tpu.memory_space<hbm>> -> memref<1x80x125xi32, #tpu.memory_space<hbm>>
      %dma_start3A_40 = tpu.memref_squeeze %dma_start3A_39 : memref<1x80x125xi32, #tpu.memory_space<hbm>> -> memref<80x125xi32, #tpu.memory_space<hbm>>
      %dma_start3A_41 = arith.constant 0 : i32
      %dma_start3A_42 = arith.constant 0 : i32
      %dma_start3A_43 = tpu.memref_slice %arg7[%run_scoped3A_1, %dma_start3A_41, %dma_start3A_42] : memref<2x80x125xi32, #tpu.memory_space<vmem>> -> memref<1x80x125xi32, #tpu.memory_space<vmem>>
      %dma_start3A_44 = tpu.memref_squeeze %dma_start3A_43 : memref<1x80x125xi32, #tpu.memory_space<vmem>> -> memref<80x125xi32, #tpu.memory_space<vmem>>
      %dma_start3A_45 = arith.constant 0 : i32
      %dma_start3A_46 = arith.constant 0 : i32
      %dma_start3A_47 = tpu.memref_slice %arg4[%add3A, %dma_start3A_45, %dma_start3A_46] : memref<32x80x125xi32, #tpu.memory_space<hbm>> -> memref<1x80x125xi32, #tpu.memory_space<hbm>>
      %dma_start3A_48 = tpu.memref_squeeze %dma_start3A_47 : memref<1x80x125xi32, #tpu.memory_space<hbm>> -> memref<80x125xi32, #tpu.memory_space<hbm>>
      tpu.enqueue_dma source(%dma_start3A_48 : memref<80x125xi32, #tpu.memory_space<hbm>>) target(%dma_start3A_44 : memref<80x125xi32, #tpu.memory_space<vmem>>) target_semaphore(%run_scoped3A_32 : memref<!tpu.dma_semaphore, #tpu.memory_space<semaphore_mem>>)
      %dma_wait3A = arith.constant 0 : i32
      %dma_wait3A_49 = arith.constant 0 : i32
      %dma_wait3A_50 = tpu.memref_slice %arg7[%run_scoped3A_1, %dma_wait3A, %dma_wait3A_49] : memref<2x80x125xi32, #tpu.memory_space<vmem>> -> memref<1x80x125xi32, #tpu.memory_space<vmem>>
      %dma_wait3A_51 = tpu.memref_squeeze %dma_wait3A_50 : memref<1x80x125xi32, #tpu.memory_space<vmem>> -> memref<80x125xi32, #tpu.memory_space<vmem>>
      %dma_wait3A_52 = arith.constant 0 : i32
      %dma_wait3A_53 = arith.constant 0 : i32
      %dma_wait3A_54 = tpu.memref_slice %arg4[%add3A, %dma_wait3A_52, %dma_wait3A_53] : memref<32x80x125xi32, #tpu.memory_space<hbm>> -> memref<1x80x125xi32, #tpu.memory_space<hbm>>
      %dma_wait3A_55 = tpu.memref_squeeze %dma_wait3A_54 : memref<1x80x125xi32, #tpu.memory_space<hbm>> -> memref<80x125xi32, #tpu.memory_space<hbm>>
      %dma_wait3A_56 = arith.constant 0 : i32
      %dma_wait3A_57 = arith.constant 0 : i32
      %dma_wait3A_58 = tpu.memref_slice %arg7[%run_scoped3A_1, %dma_wait3A_56, %dma_wait3A_57] : memref<2x80x125xi32, #tpu.memory_space<vmem>> -> memref<1x80x125xi32, #tpu.memory_space<vmem>>
      %dma_wait3A_59 = tpu.memref_squeeze %dma_wait3A_58 : memref<1x80x125xi32, #tpu.memory_space<vmem>> -> memref<80x125xi32, #tpu.memory_space<vmem>>
      %dma_wait3A_60 = arith.constant 0 : i32
      %dma_wait3A_61 = arith.constant 0 : i32
      %dma_wait3A_62 = tpu.memref_slice %arg4[%add3A, %dma_wait3A_60, %dma_wait3A_61] : memref<32x80x125xi32, #tpu.memory_space<hbm>> -> memref<1x80x125xi32, #tpu.memory_space<hbm>>
      %dma_wait3A_63 = tpu.memref_squeeze %dma_wait3A_62 : memref<1x80x125xi32, #tpu.memory_space<hbm>> -> memref<80x125xi32, #tpu.memory_space<hbm>>
      tpu.wait_dma2 semaphore(%run_scoped3A_32 : memref<!tpu.dma_semaphore, #tpu.memory_space<semaphore_mem>>) src(%dma_wait3A_63 : memref<80x125xi32, #tpu.memory_space<hbm>>) dst(%dma_wait3A_59 : memref<80x125xi32, #tpu.memory_space<vmem>>)
      tpu.yield
    }) : () -> ()
    %eq3A = arith.constant 0 : i32
    %eq3A_2 = arith.cmpi eq, %arg1, %eq3A : i32
    %convert_element_type3A = arith.extui %eq3A_2 : i1 to i32
    %cond3A = arith.constant 0 : i32
    %cond3A_3 = arith.cmpi ne, %convert_element_type3A, %cond3A : i32
    scf.if %cond3A_3 {
      "tpu.region"() ({
        %run_scoped3A_32 = tpu.sem_alloc : memref<!tpu.dma_semaphore, #tpu.memory_space<semaphore_mem>>
        tpu.enqueue_dma source(%arg5 : memref<5120x128xf32, #tpu.memory_space<hbm>>) target(%arg9 : memref<5120x128xf32, #tpu.memory_space<vmem_shared>>) target_semaphore(%run_scoped3A_32 : memref<!tpu.dma_semaphore, #tpu.memory_space<semaphore_mem>>)
        tpu.wait_dma2 semaphore(%run_scoped3A_32 : memref<!tpu.dma_semaphore, #tpu.memory_space<semaphore_mem>>) src(%arg5 : memref<5120x128xf32, #tpu.memory_space<hbm>>) dst(%arg9 : memref<5120x128xf32, #tpu.memory_space<vmem_shared>>)
        tpu.yield
      }) : () -> ()
    } else {
    }
    %barrier3A = arith.constant 0 : index
    tpu.barrier barrier_id(%barrier3A)
    %dma_start3A = arith.constant 0 : i32
    %dma_start3A_4 = arith.constant 0 : i32
    %dma_start3A_5 = arith.constant 0 : i32
    %dma_start3A_6 = arith.constant 0 : i32
    %dma_start3A_7 = arith.constant 0 : i32
    %dma_start3A_8 = tpu.memref_slice %arg8[%dma_start3A_5, %dma_start3A_6, %dma_start3A_7] : memref<2x125x128xf32, #tpu.memory_space<vmem>> -> memref<1x125x128xf32, #tpu.memory_space<vmem>>
    %dma_start3A_9 = tpu.memref_squeeze %dma_start3A_8 : memref<1x125x128xf32, #tpu.memory_space<vmem>> -> memref<125x128xf32, #tpu.memory_space<vmem>>
    %dma_start3A_10 = arith.constant 0 : i32
    %dma_start3A_11 = arith.constant 0 : i32
    %dma_start3A_12 = tpu.memref_slice %arg7[%dma_start3A, %dma_start3A_10, %dma_start3A_11] : memref<2x80x125xi32, #tpu.memory_space<vmem>> -> memref<1x80x125xi32, #tpu.memory_space<vmem>>
    %dma_start3A_13 = tpu.memref_squeeze %dma_start3A_12 : memref<1x80x125xi32, #tpu.memory_space<vmem>> -> memref<80x125xi32, #tpu.memory_space<vmem>>
    %dma_start3A_14 = arith.constant 0 : i32
    %dma_start3A_15 = tpu.memref_slice %dma_start3A_13[%dma_start3A_4, %dma_start3A_14] : memref<80x125xi32, #tpu.memory_space<vmem>> -> memref<1x125xi32, #tpu.memory_space<vmem>>
    %dma_start3A_16 = tpu.memref_squeeze %dma_start3A_15 : memref<1x125xi32, #tpu.memory_space<vmem>> -> memref<125xi32, #tpu.memory_space<vmem>>
    %dma_start3A_17 = arith.constant 0 : i32
    %dma_start3A_18 = arith.constant 0 : i32
    %dma_start3A_19 = tpu.memref_slice %arg2[%dma_start3A_17, %dma_start3A_18] : memref<10240x128xf32, #tpu.memory_space<hbm>> -> memref<10240x128xf32, #tpu.memory_space<hbm>>
    tpu.enqueue_indirect_dma source(%dma_start3A_19 : memref<10240x128xf32, #tpu.memory_space<hbm>>) target(%dma_start3A_9 : memref<125x128xf32, #tpu.memory_space<vmem>>) offsets(%dma_start3A_16 : memref<125xi32, #tpu.memory_space<vmem>>) semaphore(%arg10 : memref<!tpu.dma_semaphore, #tpu.memory_space<semaphore_mem>>)
    %scan3A = arith.constant 0 : i32
    %scan3A_20 = arith.constant 0 : i32
    %scan3A_21 = arith.constant 1 : i32
    %scan3A_22 = arith.constant 0 : i32
    %scan3A_23 = arith.constant 1 : i32
    %scan3A_24 = arith.constant 0 : i32
    %scan3A_25 = arith.constant 40 : i32
    %scan3A_26 = arith.addi %scan3A_24, %scan3A_25 : i32
    %scan3A_27 = arith.constant 1 : i32
    scf.for %scan3A_32 = %scan3A_24 to %scan3A_26 step %scan3A_27  : i32 {
      %mul3A_33 = arith.constant 2 : i32
      %mul3A_34 = arith.muli %mul3A_33, %scan3A_32 : i32
      %add3A_35 = arith.constant 1 : i32
      %add3A_36 = arith.addi %mul3A_34, %add3A_35 : i32
      %dma_start3A_37 = arith.constant 0 : i32
      %dma_start3A_38 = arith.constant 0 : i32
      %dma_start3A_39 = tpu.memref_slice %arg8[%scan3A_21, %dma_start3A_37, %dma_start3A_38] : memref<2x125x128xf32, #tpu.memory_space<vmem>> -> memref<1x125x128xf32, #tpu.memory_space<vmem>>
      %dma_start3A_40 = tpu.memref_squeeze %dma_start3A_39 : memref<1x125x128xf32, #tpu.memory_space<vmem>> -> memref<125x128xf32, #tpu.memory_space<vmem>>
      %dma_start3A_41 = arith.constant 0 : i32
      %dma_start3A_42 = arith.constant 0 : i32
      %dma_start3A_43 = tpu.memref_slice %arg7[%scan3A_20, %dma_start3A_41, %dma_start3A_42] : memref<2x80x125xi32, #tpu.memory_space<vmem>> -> memref<1x80x125xi32, #tpu.memory_space<vmem>>
      %dma_start3A_44 = tpu.memref_squeeze %dma_start3A_43 : memref<1x80x125xi32, #tpu.memory_space<vmem>> -> memref<80x125xi32, #tpu.memory_space<vmem>>
      %dma_start3A_45 = arith.constant 0 : i32
      %dma_start3A_46 = tpu.memref_slice %dma_start3A_44[%add3A_36, %dma_start3A_45] : memref<80x125xi32, #tpu.memory_space<vmem>> -> memref<1x125xi32, #tpu.memory_space<vmem>>
      %dma_start3A_47 = tpu.memref_squeeze %dma_start3A_46 : memref<1x125xi32, #tpu.memory_space<vmem>> -> memref<125xi32, #tpu.memory_space<vmem>>
      %dma_start3A_48 = arith.constant 0 : i32
      %dma_start3A_49 = arith.constant 0 : i32
      %dma_start3A_50 = tpu.memref_slice %arg2[%dma_start3A_48, %dma_start3A_49] : memref<10240x128xf32, #tpu.memory_space<hbm>> -> memref<10240x128xf32, #tpu.memory_space<hbm>>
      tpu.enqueue_indirect_dma source(%dma_start3A_50 : memref<10240x128xf32, #tpu.memory_space<hbm>>) target(%dma_start3A_40 : memref<125x128xf32, #tpu.memory_space<vmem>>) offsets(%dma_start3A_47 : memref<125xi32, #tpu.memory_space<vmem>>) semaphore(%arg10 : memref<!tpu.dma_semaphore, #tpu.memory_space<semaphore_mem>>)
      %dma_wait3A = arith.constant 0 : i32
      %dma_wait3A_51 = arith.constant 0 : i32
      %dma_wait3A_52 = tpu.memref_slice %arg8[%scan3A_22, %dma_wait3A, %dma_wait3A_51] : memref<2x125x128xf32, #tpu.memory_space<vmem>> -> memref<1x125x128xf32, #tpu.memory_space<vmem>>
      %dma_wait3A_53 = tpu.memref_squeeze %dma_wait3A_52 : memref<1x125x128xf32, #tpu.memory_space<vmem>> -> memref<125x128xf32, #tpu.memory_space<vmem>>
      %dma_wait3A_54 = arith.constant 0 : i32
      %dma_wait3A_55 = arith.constant 0 : i32
      %dma_wait3A_56 = tpu.memref_slice %arg7[%scan3A_20, %dma_wait3A_54, %dma_wait3A_55] : memref<2x80x125xi32, #tpu.memory_space<vmem>> -> memref<1x80x125xi32, #tpu.memory_space<vmem>>
      %dma_wait3A_57 = tpu.memref_squeeze %dma_wait3A_56 : memref<1x80x125xi32, #tpu.memory_space<vmem>> -> memref<80x125xi32, #tpu.memory_space<vmem>>
      %dma_wait3A_58 = arith.constant 0 : i32
      %dma_wait3A_59 = tpu.memref_slice %dma_wait3A_57[%mul3A_34, %dma_wait3A_58] : memref<80x125xi32, #tpu.memory_space<vmem>> -> memref<1x125xi32, #tpu.memory_space<vmem>>
      %dma_wait3A_60 = tpu.memref_squeeze %dma_wait3A_59 : memref<1x125xi32, #tpu.memory_space<vmem>> -> memref<125xi32, #tpu.memory_space<vmem>>
      %dma_wait3A_61 = arith.constant 0 : i32
      %dma_wait3A_62 = arith.constant 0 : i32
      %dma_wait3A_63 = tpu.memref_slice %arg2[%dma_wait3A_61, %dma_wait3A_62] : memref<10240x128xf32, #tpu.memory_space<hbm>> -> memref<10240x128xf32, #tpu.memory_space<hbm>>
      tpu.wait_indirect_dma semaphore(%arg10 : memref<!tpu.dma_semaphore, #tpu.memory_space<semaphore_mem>>) src(%dma_wait3A_63 : memref<10240x128xf32, #tpu.memory_space<hbm>>) dst(%dma_wait3A_53 : memref<125x128xf32, #tpu.memory_space<vmem>>)
      "tpu.region"() ({
        %run_scoped3A_88 = tpu.sem_alloc : memref<!tpu.dma_semaphore, #tpu.memory_space<semaphore_mem>>
        %dma_start3A_89 = arith.constant 0 : i32
        %dma_start3A_90 = arith.constant 0 : i32
        %dma_start3A_91 = tpu.memref_slice %arg8[%scan3A_22, %dma_start3A_89, %dma_start3A_90] : memref<2x125x128xf32, #tpu.memory_space<vmem>> -> memref<1x125x128xf32, #tpu.memory_space<vmem>>
        %dma_start3A_92 = tpu.memref_squeeze %dma_start3A_91 : memref<1x125x128xf32, #tpu.memory_space<vmem>> -> memref<125x128xf32, #tpu.memory_space<vmem>>
        %dma_start3A_93 = arith.constant 0 : i32
        %dma_start3A_94 = arith.constant 0 : i32
        %dma_start3A_95 = tpu.memref_slice %arg7[%scan3A_23, %dma_start3A_93, %dma_start3A_94] : memref<2x80x125xi32, #tpu.memory_space<vmem>> -> memref<1x80x125xi32, #tpu.memory_space<vmem>>
        %dma_start3A_96 = tpu.memref_squeeze %dma_start3A_95 : memref<1x80x125xi32, #tpu.memory_space<vmem>> -> memref<80x125xi32, #tpu.memory_space<vmem>>
        %dma_start3A_97 = arith.constant 0 : i32
        %dma_start3A_98 = tpu.memref_slice %dma_start3A_96[%mul3A_34, %dma_start3A_97] : memref<80x125xi32, #tpu.memory_space<vmem>> -> memref<1x125xi32, #tpu.memory_space<vmem>>
        %dma_start3A_99 = tpu.memref_squeeze %dma_start3A_98 : memref<1x125xi32, #tpu.memory_space<vmem>> -> memref<125xi32, #tpu.memory_space<vmem>>
        %dma_start3A_100 = arith.constant 0 : i32
        %dma_start3A_101 = arith.constant 0 : i32
        %dma_start3A_102 = tpu.memref_slice %arg9[%dma_start3A_100, %dma_start3A_101] : memref<5120x128xf32, #tpu.memory_space<vmem_shared>> -> memref<5120x128xf32, #tpu.memory_space<vmem_shared>>
        tpu.enqueue_indirect_dma source(%dma_start3A_92 : memref<125x128xf32, #tpu.memory_space<vmem>>) target(%dma_start3A_102 : memref<5120x128xf32, #tpu.memory_space<vmem_shared>>) offsets(%dma_start3A_99 : memref<125xi32, #tpu.memory_space<vmem>>) semaphore(%run_scoped3A_88 : memref<!tpu.dma_semaphore, #tpu.memory_space<semaphore_mem>>) {add = true}
        %dma_wait3A_103 = arith.constant 0 : i32
        %dma_wait3A_104 = arith.constant 0 : i32
        %dma_wait3A_105 = tpu.memref_slice %arg8[%scan3A_22, %dma_wait3A_103, %dma_wait3A_104] : memref<2x125x128xf32, #tpu.memory_space<vmem>> -> memref<1x125x128xf32, #tpu.memory_space<vmem>>
        %dma_wait3A_106 = tpu.memref_squeeze %dma_wait3A_105 : memref<1x125x128xf32, #tpu.memory_space<vmem>> -> memref<125x128xf32, #tpu.memory_space<vmem>>
        %dma_wait3A_107 = arith.constant 0 : i32
        %dma_wait3A_108 = arith.constant 0 : i32
        %dma_wait3A_109 = tpu.memref_slice %arg7[%scan3A_23, %dma_wait3A_107, %dma_wait3A_108] : memref<2x80x125xi32, #tpu.memory_space<vmem>> -> memref<1x80x125xi32, #tpu.memory_space<vmem>>
        %dma_wait3A_110 = tpu.memref_squeeze %dma_wait3A_109 : memref<1x80x125xi32, #tpu.memory_space<vmem>> -> memref<80x125xi32, #tpu.memory_space<vmem>>
        %dma_wait3A_111 = arith.constant 0 : i32
        %dma_wait3A_112 = tpu.memref_slice %dma_wait3A_110[%mul3A_34, %dma_wait3A_111] : memref<80x125xi32, #tpu.memory_space<vmem>> -> memref<1x125xi32, #tpu.memory_space<vmem>>
        %dma_wait3A_113 = tpu.memref_squeeze %dma_wait3A_112 : memref<1x125xi32, #tpu.memory_space<vmem>> -> memref<125xi32, #tpu.memory_space<vmem>>
        %dma_wait3A_114 = arith.constant 0 : i32
        %dma_wait3A_115 = arith.constant 0 : i32
        %dma_wait3A_116 = tpu.memref_slice %arg9[%dma_wait3A_114, %dma_wait3A_115] : memref<5120x128xf32, #tpu.memory_space<vmem_shared>> -> memref<5120x128xf32, #tpu.memory_space<vmem_shared>>
        tpu.wait_indirect_dma semaphore(%run_scoped3A_88 : memref<!tpu.dma_semaphore, #tpu.memory_space<semaphore_mem>>) src(%dma_wait3A_106 : memref<125x128xf32, #tpu.memory_space<vmem>>) dst(%dma_wait3A_116 : memref<5120x128xf32, #tpu.memory_space<vmem_shared>>)
        tpu.yield
      }) : () -> ()
      %add3A_64 = arith.constant 2 : i32
      %add3A_65 = arith.addi %mul3A_34, %add3A_64 : i32
      %lt3A = arith.constant 80 : i32
      %lt3A_66 = arith.cmpi slt, %add3A_65, %lt3A : i32
      %convert_element_type3A_67 = arith.extui %lt3A_66 : i1 to i32
      %cond3A_68 = arith.constant 0 : i32
      %cond3A_69 = arith.cmpi ne, %convert_element_type3A_67, %cond3A_68 : i32
      scf.if %cond3A_69 {
        %add3A_88 = arith.constant 2 : i32
        %add3A_89 = arith.addi %mul3A_34, %add3A_88 : i32
        %dma_start3A_90 = arith.constant 0 : i32
        %dma_start3A_91 = arith.constant 0 : i32
        %dma_start3A_92 = tpu.memref_slice %arg8[%scan3A_22, %dma_start3A_90, %dma_start3A_91] : memref<2x125x128xf32, #tpu.memory_space<vmem>> -> memref<1x125x128xf32, #tpu.memory_space<vmem>>
        %dma_start3A_93 = tpu.memref_squeeze %dma_start3A_92 : memref<1x125x128xf32, #tpu.memory_space<vmem>> -> memref<125x128xf32, #tpu.memory_space<vmem>>
        %dma_start3A_94 = arith.constant 0 : i32
        %dma_start3A_95 = arith.constant 0 : i32
        %dma_start3A_96 = tpu.memref_slice %arg7[%scan3A_20, %dma_start3A_94, %dma_start3A_95] : memref<2x80x125xi32, #tpu.memory_space<vmem>> -> memref<1x80x125xi32, #tpu.memory_space<vmem>>
        %dma_start3A_97 = tpu.memref_squeeze %dma_start3A_96 : memref<1x80x125xi32, #tpu.memory_space<vmem>> -> memref<80x125xi32, #tpu.memory_space<vmem>>
        %dma_start3A_98 = arith.constant 0 : i32
        %dma_start3A_99 = tpu.memref_slice %dma_start3A_97[%add3A_89, %dma_start3A_98] : memref<80x125xi32, #tpu.memory_space<vmem>> -> memref<1x125xi32, #tpu.memory_space<vmem>>
        %dma_start3A_100 = tpu.memref_squeeze %dma_start3A_99 : memref<1x125xi32, #tpu.memory_space<vmem>> -> memref<125xi32, #tpu.memory_space<vmem>>
        %dma_start3A_101 = arith.constant 0 : i32
        %dma_start3A_102 = arith.constant 0 : i32
        %dma_start3A_103 = tpu.memref_slice %arg2[%dma_start3A_101, %dma_start3A_102] : memref<10240x128xf32, #tpu.memory_space<hbm>> -> memref<10240x128xf32, #tpu.memory_space<hbm>>
        tpu.enqueue_indirect_dma source(%dma_start3A_103 : memref<10240x128xf32, #tpu.memory_space<hbm>>) target(%dma_start3A_93 : memref<125x128xf32, #tpu.memory_space<vmem>>) offsets(%dma_start3A_100 : memref<125xi32, #tpu.memory_space<vmem>>) semaphore(%arg10 : memref<!tpu.dma_semaphore, #tpu.memory_space<semaphore_mem>>)
      } else {
      }
      %add3A_70 = arith.constant 1 : i32
      %add3A_71 = arith.addi %mul3A_34, %add3A_70 : i32
      %dma_wait3A_72 = arith.constant 0 : i32
      %dma_wait3A_73 = arith.constant 0 : i32
      %dma_wait3A_74 = tpu.memref_slice %arg8[%scan3A_21, %dma_wait3A_72, %dma_wait3A_73] : memref<2x125x128xf32, #tpu.memory_space<vmem>> -> memref<1x125x128xf32, #tpu.memory_space<vmem>>
      %dma_wait3A_75 = tpu.memref_squeeze %dma_wait3A_74 : memref<1x125x128xf32, #tpu.memory_space<vmem>> -> memref<125x128xf32, #tpu.memory_space<vmem>>
      %dma_wait3A_76 = arith.constant 0 : i32
      %dma_wait3A_77 = arith.constant 0 : i32
      %dma_wait3A_78 = tpu.memref_slice %arg7[%scan3A_20, %dma_wait3A_76, %dma_wait3A_77] : memref<2x80x125xi32, #tpu.memory_space<vmem>> -> memref<1x80x125xi32, #tpu.memory_space<vmem>>
      %dma_wait3A_79 = tpu.memref_squeeze %dma_wait3A_78 : memref<1x80x125xi32, #tpu.memory_space<vmem>> -> memref<80x125xi32, #tpu.memory_space<vmem>>
      %dma_wait3A_80 = arith.constant 0 : i32
      %dma_wait3A_81 = tpu.memref_slice %dma_wait3A_79[%add3A_71, %dma_wait3A_80] : memref<80x125xi32, #tpu.memory_space<vmem>> -> memref<1x125xi32, #tpu.memory_space<vmem>>
      %dma_wait3A_82 = tpu.memref_squeeze %dma_wait3A_81 : memref<1x125xi32, #tpu.memory_space<vmem>> -> memref<125xi32, #tpu.memory_space<vmem>>
      %dma_wait3A_83 = arith.constant 0 : i32
      %dma_wait3A_84 = arith.constant 0 : i32
      %dma_wait3A_85 = tpu.memref_slice %arg2[%dma_wait3A_83, %dma_wait3A_84] : memref<10240x128xf32, #tpu.memory_space<hbm>> -> memref<10240x128xf32, #tpu.memory_space<hbm>>
      tpu.wait_indirect_dma semaphore(%arg10 : memref<!tpu.dma_semaphore, #tpu.memory_space<semaphore_mem>>) src(%dma_wait3A_85 : memref<10240x128xf32, #tpu.memory_space<hbm>>) dst(%dma_wait3A_75 : memref<125x128xf32, #tpu.memory_space<vmem>>)
      %add3A_86 = arith.constant 1 : i32
      %add3A_87 = arith.addi %mul3A_34, %add3A_86 : i32
      "tpu.region"() ({
        %run_scoped3A_88 = tpu.sem_alloc : memref<!tpu.dma_semaphore, #tpu.memory_space<semaphore_mem>>
        %dma_start3A_89 = arith.constant 0 : i32
        %dma_start3A_90 = arith.constant 0 : i32
        %dma_start3A_91 = tpu.memref_slice %arg8[%scan3A_21, %dma_start3A_89, %dma_start3A_90] : memref<2x125x128xf32, #tpu.memory_space<vmem>> -> memref<1x125x128xf32, #tpu.memory_space<vmem>>
        %dma_start3A_92 = tpu.memref_squeeze %dma_start3A_91 : memref<1x125x128xf32, #tpu.memory_space<vmem>> -> memref<125x128xf32, #tpu.memory_space<vmem>>
        %dma_start3A_93 = arith.constant 0 : i32
        %dma_start3A_94 = arith.constant 0 : i32
        %dma_start3A_95 = tpu.memref_slice %arg7[%scan3A_23, %dma_start3A_93, %dma_start3A_94] : memref<2x80x125xi32, #tpu.memory_space<vmem>> -> memref<1x80x125xi32, #tpu.memory_space<vmem>>
        %dma_start3A_96 = tpu.memref_squeeze %dma_start3A_95 : memref<1x80x125xi32, #tpu.memory_space<vmem>> -> memref<80x125xi32, #tpu.memory_space<vmem>>
        %dma_start3A_97 = arith.constant 0 : i32
        %dma_start3A_98 = tpu.memref_slice %dma_start3A_96[%add3A_87, %dma_start3A_97] : memref<80x125xi32, #tpu.memory_space<vmem>> -> memref<1x125xi32, #tpu.memory_space<vmem>>
        %dma_start3A_99 = tpu.memref_squeeze %dma_start3A_98 : memref<1x125xi32, #tpu.memory_space<vmem>> -> memref<125xi32, #tpu.memory_space<vmem>>
        %dma_start3A_100 = arith.constant 0 : i32
        %dma_start3A_101 = arith.constant 0 : i32
        %dma_start3A_102 = tpu.memref_slice %arg9[%dma_start3A_100, %dma_start3A_101] : memref<5120x128xf32, #tpu.memory_space<vmem_shared>> -> memref<5120x128xf32, #tpu.memory_space<vmem_shared>>
        tpu.enqueue_indirect_dma source(%dma_start3A_92 : memref<125x128xf32, #tpu.memory_space<vmem>>) target(%dma_start3A_102 : memref<5120x128xf32, #tpu.memory_space<vmem_shared>>) offsets(%dma_start3A_99 : memref<125xi32, #tpu.memory_space<vmem>>) semaphore(%run_scoped3A_88 : memref<!tpu.dma_semaphore, #tpu.memory_space<semaphore_mem>>) {add = true}
        %dma_wait3A_103 = arith.constant 0 : i32
        %dma_wait3A_104 = arith.constant 0 : i32
        %dma_wait3A_105 = tpu.memref_slice %arg8[%scan3A_21, %dma_wait3A_103, %dma_wait3A_104] : memref<2x125x128xf32, #tpu.memory_space<vmem>> -> memref<1x125x128xf32, #tpu.memory_space<vmem>>
        %dma_wait3A_106 = tpu.memref_squeeze %dma_wait3A_105 : memref<1x125x128xf32, #tpu.memory_space<vmem>> -> memref<125x128xf32, #tpu.memory_space<vmem>>
        %dma_wait3A_107 = arith.constant 0 : i32
        %dma_wait3A_108 = arith.constant 0 : i32
        %dma_wait3A_109 = tpu.memref_slice %arg7[%scan3A_23, %dma_wait3A_107, %dma_wait3A_108] : memref<2x80x125xi32, #tpu.memory_space<vmem>> -> memref<1x80x125xi32, #tpu.memory_space<vmem>>
        %dma_wait3A_110 = tpu.memref_squeeze %dma_wait3A_109 : memref<1x80x125xi32, #tpu.memory_space<vmem>> -> memref<80x125xi32, #tpu.memory_space<vmem>>
        %dma_wait3A_111 = arith.constant 0 : i32
        %dma_wait3A_112 = tpu.memref_slice %dma_wait3A_110[%add3A_87, %dma_wait3A_111] : memref<80x125xi32, #tpu.memory_space<vmem>> -> memref<1x125xi32, #tpu.memory_space<vmem>>
        %dma_wait3A_113 = tpu.memref_squeeze %dma_wait3A_112 : memref<1x125xi32, #tpu.memory_space<vmem>> -> memref<125xi32, #tpu.memory_space<vmem>>
        %dma_wait3A_114 = arith.constant 0 : i32
        %dma_wait3A_115 = arith.constant 0 : i32
        %dma_wait3A_116 = tpu.memref_slice %arg9[%dma_wait3A_114, %dma_wait3A_115] : memref<5120x128xf32, #tpu.memory_space<vmem_shared>> -> memref<5120x128xf32, #tpu.memory_space<vmem_shared>>
        tpu.wait_indirect_dma semaphore(%run_scoped3A_88 : memref<!tpu.dma_semaphore, #tpu.memory_space<semaphore_mem>>) src(%dma_wait3A_106 : memref<125x128xf32, #tpu.memory_space<vmem>>) dst(%dma_wait3A_116 : memref<5120x128xf32, #tpu.memory_space<vmem_shared>>)
        tpu.yield
      }) : () -> ()
    }
    %scan3A_28 = arith.constant 40 : i32
    %barrier3A_29 = arith.constant 0 : index
    tpu.barrier barrier_id(%barrier3A_29)
    %mul3A_30 = arith.constant 320 : i32
    %mul3A_31 = arith.muli %arg1, %mul3A_30 : i32
    "tpu.region"() ({
      %run_scoped3A_32 = tpu.sem_alloc : memref<!tpu.dma_semaphore, #tpu.memory_space<semaphore_mem>>
      %dma_start3A_33 = arith.constant 0 : i32
      %dma_start3A_34 = tpu.memref_slice %arg6[%arg0, %mul3A_31, %dma_start3A_33] : memref<2x5120x128xf32, #tpu.memory_space<hbm>> -> memref<1x320x128xf32, #tpu.memory_space<hbm>>
      %dma_start3A_35 = tpu.memref_squeeze %dma_start3A_34 : memref<1x320x128xf32, #tpu.memory_space<hbm>> -> memref<320x128xf32, #tpu.memory_space<hbm>>
      %dma_start3A_36 = arith.constant 0 : i32
      %dma_start3A_37 = tpu.memref_slice %arg9[%mul3A_31, %dma_start3A_36] : memref<5120x128xf32, #tpu.memory_space<vmem_shared>> -> memref<320x128xf32, #tpu.memory_space<vmem_shared>>
      tpu.enqueue_dma source(%dma_start3A_37 : memref<320x128xf32, #tpu.memory_space<vmem_shared>>) target(%dma_start3A_35 : memref<320x128xf32, #tpu.memory_space<hbm>>) target_semaphore(%run_scoped3A_32 : memref<!tpu.dma_semaphore, #tpu.memory_space<semaphore_mem>>)
      %dma_wait3A = arith.constant 0 : i32
      %dma_wait3A_38 = tpu.memref_slice %arg6[%arg0, %mul3A_31, %dma_wait3A] : memref<2x5120x128xf32, #tpu.memory_space<hbm>> -> memref<1x320x128xf32, #tpu.memory_space<hbm>>
      %dma_wait3A_39 = tpu.memref_squeeze %dma_wait3A_38 : memref<1x320x128xf32, #tpu.memory_space<hbm>> -> memref<320x128xf32, #tpu.memory_space<hbm>>
      %dma_wait3A_40 = arith.constant 0 : i32
      %dma_wait3A_41 = tpu.memref_slice %arg9[%mul3A_31, %dma_wait3A_40] : memref<5120x128xf32, #tpu.memory_space<vmem_shared>> -> memref<320x128xf32, #tpu.memory_space<vmem_shared>>
      tpu.wait_dma2 semaphore(%run_scoped3A_32 : memref<!tpu.dma_semaphore, #tpu.memory_space<semaphore_mem>>) src(%dma_wait3A_41 : memref<320x128xf32, #tpu.memory_space<vmem_shared>>) dst(%dma_wait3A_39 : memref<320x128xf32, #tpu.memory_space<hbm>>)
      tpu.yield
    }) : () -> ()
    return
  }
}

module attributes {stable_mosaic.version = 14 : i64} {
  func.func @_mm1_body(%arg0: memref<10000x128xf32, #tpu.memory_space<vmem>>, %arg1: memref<128x128xf32, #tpu.memory_space<vmem>>, %arg2: memref<1x128xf32, #tpu.memory_space<vmem>>, %arg3: memref<2x10112x128xf32, #tpu.memory_space<vmem>>, %arg4: memref<2x5120x128xf32, #tpu.memory_space<vmem>>, %arg5: memref<10000x128xf32, #tpu.memory_space<vmem>>, %arg6: memref<10000x1xf32, #tpu.memory_space<vmem>>, %arg7: memref<5120x1xf32, #tpu.memory_space<vmem>>) attributes {dimension_semantics = [], scalar_prefetch = 0 : i64, scratch_operands = 0 : i64, tpu.core_type = #tpu.core_type<tc>} {
    %get3A = arith.constant 0 : index
    %get3A_0 = arith.constant 0 : index
    %get3A_1 = arith.constant 0 : index
    %get3A_2 = vector.load %arg3[%get3A, %get3A_0, %get3A_1] : memref<2x10112x128xf32, #tpu.memory_space<vmem>>, vector<1x10000x1xf32>
    %get3A_3 = vector.shape_cast %get3A_2 : vector<1x10000x1xf32> to vector<10000x1xf32>
    %get3A_4 = arith.constant 1 : index
    %get3A_5 = arith.constant 0 : index
    %get3A_6 = arith.constant 0 : index
    %get3A_7 = vector.load %arg3[%get3A_4, %get3A_5, %get3A_6] : memref<2x10112x128xf32, #tpu.memory_space<vmem>>, vector<1x10000x1xf32>
    %get3A_8 = vector.shape_cast %get3A_7 : vector<1x10000x1xf32> to vector<10000x1xf32>
    %add3A = arith.addf %get3A_3, %get3A_8 : vector<10000x1xf32>
    %gt3A = arith.constant 0.000000e+00 : f32
    %gt3A_9 = vector.broadcast %gt3A : f32 to vector<10000x1xf32>
    %gt3A_10 = arith.cmpf ogt, %add3A, %gt3A_9 : vector<10000x1xf32>
    %rsqrt3A = math.rsqrt %add3A : vector<10000x1xf32>
    %jit3A = arith.constant 0.000000e+00 : f32
    %broadcast_in_dim3A = vector.broadcast %jit3A : f32 to vector<10000x1xf32>
    %select_n3A = arith.select %gt3A_10, %rsqrt3A, %broadcast_in_dim3A : vector<10000x1xi1>, vector<10000x1xf32>
    %get3A_11 = arith.constant 0 : index
    %get3A_12 = arith.constant 0 : index
    %get3A_13 = arith.constant 0 : index
    %get3A_14 = vector.load %arg4[%get3A_11, %get3A_12, %get3A_13] : memref<2x5120x128xf32, #tpu.memory_space<vmem>>, vector<1x5120x1xf32>
    %get3A_15 = vector.shape_cast %get3A_14 : vector<1x5120x1xf32> to vector<5120x1xf32>
    %get3A_16 = arith.constant 1 : index
    %get3A_17 = arith.constant 0 : index
    %get3A_18 = arith.constant 0 : index
    %get3A_19 = vector.load %arg4[%get3A_16, %get3A_17, %get3A_18] : memref<2x5120x128xf32, #tpu.memory_space<vmem>>, vector<1x5120x1xf32>
    %get3A_20 = vector.shape_cast %get3A_19 : vector<1x5120x1xf32> to vector<5120x1xf32>
    %add3A_21 = arith.addf %get3A_15, %get3A_20 : vector<5120x1xf32>
    %gt3A_22 = arith.constant 0.000000e+00 : f32
    %gt3A_23 = vector.broadcast %gt3A_22 : f32 to vector<5120x1xf32>
    %gt3A_24 = arith.cmpf ogt, %add3A_21, %gt3A_23 : vector<5120x1xf32>
    %div3A = arith.constant 1.000000e+00 : f32
    %div3A_25 = vector.broadcast %div3A : f32 to vector<5120x1xf32>
    %div3A_26 = arith.divf %div3A_25, %add3A_21 : vector<5120x1xf32>
    %jit3A_27 = arith.constant 0.000000e+00 : f32
    %broadcast_in_dim3A_28 = vector.broadcast %jit3A_27 : f32 to vector<5120x1xf32>
    %select_n3A_29 = arith.select %gt3A_24, %div3A_26, %broadcast_in_dim3A_28 : vector<5120x1xi1>, vector<5120x1xf32>
    %swap3A = arith.constant 0 : index
    %swap3A_30 = arith.constant 0 : index
    %swap3A_31 = vector.load %arg7[%swap3A, %swap3A_30] : memref<5120x1xf32, #tpu.memory_space<vmem>>, vector<5120x1xf32>
    tpu.vector_store %arg7[%swap3A, %swap3A_30], %select_n3A_29 {strides = array<i32>} : memref<5120x1xf32, #tpu.memory_space<vmem>>, vector<5120x1xf32>,
    %get3A_32 = arith.constant 0 : index
    %get3A_33 = arith.constant 0 : index
    %get3A_34 = vector.load %arg0[%get3A_32, %get3A_33] : memref<10000x128xf32, #tpu.memory_space<vmem>>, vector<10000x128xf32>
    %get3A_35 = arith.constant 0 : index
    %get3A_36 = arith.constant 0 : index
    %get3A_37 = vector.load %arg1[%get3A_35, %get3A_36] : memref<128x128xf32, #tpu.memory_space<vmem>>, vector<128x128xf32>
    %dot_general3A = arith.constant dense<0.000000e+00> : vector<10000x128xf32>
    %dot_general3A_38 = tpu.matmul %get3A_34, %get3A_37, %dot_general3A {dimension_numbers = #tpu.dot_dimension_numbers<[1], [0], [0], [1], [0, 0, 1, 1], [], []>, transpose_lhs_hint = false} : vector<10000x128xf32>, vector<128x128xf32>, vector<10000x128xf32> -> vector<10000x128xf32>
    %get3A_39 = arith.constant 0 : index
    %get3A_40 = arith.constant 0 : index
    %get3A_41 = vector.load %arg2[%get3A_39, %get3A_40] : memref<1x128xf32, #tpu.memory_space<vmem>>, vector<1x128xf32>
    %add3A_42 = vector.broadcast %get3A_41 : vector<1x128xf32> to vector<10000x128xf32>
    %add3A_43 = arith.addf %dot_general3A_38, %add3A_42 : vector<10000x128xf32>
    %mul3A = vector.broadcast %select_n3A : vector<10000x1xf32> to vector<10000x128xf32>
    %mul3A_44 = arith.mulf %add3A_43, %mul3A : vector<10000x128xf32>
    %swap3A_45 = arith.constant 0 : index
    %swap3A_46 = arith.constant 0 : index
    %swap3A_47 = vector.load %arg5[%swap3A_45, %swap3A_46] : memref<10000x128xf32, #tpu.memory_space<vmem>>, vector<10000x128xf32>
    tpu.vector_store %arg5[%swap3A_45, %swap3A_46], %mul3A_44 {strides = array<i32>} : memref<10000x128xf32, #tpu.memory_space<vmem>>, vector<10000x128xf32>,
    %swap3A_48 = arith.constant 0 : index
    %swap3A_49 = arith.constant 0 : index
    %swap3A_50 = vector.load %arg6[%swap3A_48, %swap3A_49] : memref<10000x1xf32, #tpu.memory_space<vmem>>, vector<10000x1xf32>
    tpu.vector_store %arg6[%swap3A_48, %swap3A_49], %select_n3A {strides = array<i32>} : memref<10000x1xf32, #tpu.memory_space<vmem>>, vector<10000x1xf32>,
    return
  }
}

module attributes {stable_mosaic.version = 14 : i64} {
  func.func @_comb_body(%arg0: memref<2x5120x128xf32, #tpu.memory_space<vmem>>, %arg1: memref<5120x1xf32, #tpu.memory_space<vmem>>, %arg2: memref<5120x128xf32, #tpu.memory_space<vmem>>) attributes {dimension_semantics = [], scalar_prefetch = 0 : i64, scratch_operands = 0 : i64, tpu.core_type = #tpu.core_type<tc>} {
    %get3A = arith.constant 0 : index
    %get3A_0 = arith.constant 0 : index
    %get3A_1 = arith.constant 0 : index
    %get3A_2 = vector.load %arg0[%get3A, %get3A_0, %get3A_1] : memref<2x5120x128xf32, #tpu.memory_space<vmem>>, vector<1x5120x128xf32>
    %get3A_3 = vector.shape_cast %get3A_2 : vector<1x5120x128xf32> to vector<5120x128xf32>
    %get3A_4 = arith.constant 1 : index
    %get3A_5 = arith.constant 0 : index
    %get3A_6 = arith.constant 0 : index
    %get3A_7 = vector.load %arg0[%get3A_4, %get3A_5, %get3A_6] : memref<2x5120x128xf32, #tpu.memory_space<vmem>>, vector<1x5120x128xf32>
    %get3A_8 = vector.shape_cast %get3A_7 : vector<1x5120x128xf32> to vector<5120x128xf32>
    %add3A = arith.addf %get3A_3, %get3A_8 : vector<5120x128xf32>
    %get3A_9 = arith.constant 0 : index
    %get3A_10 = arith.constant 0 : index
    %get3A_11 = vector.load %arg1[%get3A_9, %get3A_10] : memref<5120x1xf32, #tpu.memory_space<vmem>>, vector<5120x1xf32>
    %mul3A = vector.broadcast %get3A_11 : vector<5120x1xf32> to vector<5120x128xf32>
    %mul3A_12 = arith.mulf %add3A, %mul3A : vector<5120x128xf32>
    %swap3A = arith.constant 0 : index
    %swap3A_13 = arith.constant 0 : index
    %swap3A_14 = vector.load %arg2[%swap3A, %swap3A_13] : memref<5120x128xf32, #tpu.memory_space<vmem>>, vector<5120x128xf32>
    tpu.vector_store %arg2[%swap3A, %swap3A_13], %mul3A_12 {strides = array<i32>} : memref<5120x128xf32, #tpu.memory_space<vmem>>, vector<5120x128xf32>,
    return
  }
}

module attributes {stable_mosaic.version = 14 : i64} {
  func.func @_mm2_body(%arg0: memref<2x10112x128xf32, #tpu.memory_space<vmem>>, %arg1: memref<10000x1xf32, #tpu.memory_space<vmem>>, %arg2: memref<128x64xf32, #tpu.memory_space<vmem>>, %arg3: memref<1x64xf32, #tpu.memory_space<vmem>>, %arg4: memref<10000x128xf32, #tpu.memory_space<vmem>>) attributes {dimension_semantics = [], scalar_prefetch = 0 : i64, scratch_operands = 0 : i64, tpu.core_type = #tpu.core_type<tc>} {
    %get3A = arith.constant 0 : index
    %get3A_0 = arith.constant 0 : index
    %get3A_1 = arith.constant 0 : index
    %get3A_2 = vector.load %arg0[%get3A, %get3A_0, %get3A_1] : memref<2x10112x128xf32, #tpu.memory_space<vmem>>, vector<1x10000x128xf32>
    %get3A_3 = vector.shape_cast %get3A_2 : vector<1x10000x128xf32> to vector<10000x128xf32>
    %get3A_4 = arith.constant 1 : index
    %get3A_5 = arith.constant 0 : index
    %get3A_6 = arith.constant 0 : index
    %get3A_7 = vector.load %arg0[%get3A_4, %get3A_5, %get3A_6] : memref<2x10112x128xf32, #tpu.memory_space<vmem>>, vector<1x10000x128xf32>
    %get3A_8 = vector.shape_cast %get3A_7 : vector<1x10000x128xf32> to vector<10000x128xf32>
    %add3A = arith.addf %get3A_3, %get3A_8 : vector<10000x128xf32>
    %get3A_9 = arith.constant 0 : index
    %get3A_10 = arith.constant 0 : index
    %get3A_11 = vector.load %arg1[%get3A_9, %get3A_10] : memref<10000x1xf32, #tpu.memory_space<vmem>>, vector<10000x1xf32>
    %mul3A = vector.broadcast %get3A_11 : vector<10000x1xf32> to vector<10000x128xf32>
    %mul3A_12 = arith.mulf %add3A, %mul3A : vector<10000x128xf32>
    %max3A = arith.constant 0.000000e+00 : f32
    %max3A_13 = vector.broadcast %max3A : f32 to vector<10000x128xf32>
    %max3A_14 = arith.maximumf %mul3A_12, %max3A_13 : vector<10000x128xf32>
    %get3A_15 = arith.constant 0 : index
    %get3A_16 = arith.constant 0 : index
    %get3A_17 = vector.load %arg2[%get3A_15, %get3A_16] : memref<128x64xf32, #tpu.memory_space<vmem>>, vector<128x64xf32>
    %dot_general3A = arith.constant dense<0.000000e+00> : vector<10000x64xf32>
    %dot_general3A_18 = tpu.matmul %max3A_14, %get3A_17, %dot_general3A {dimension_numbers = #tpu.dot_dimension_numbers<[1], [0], [0], [1], [0, 0, 1, 1], [], []>, transpose_lhs_hint = false} : vector<10000x128xf32>, vector<128x64xf32>, vector<10000x64xf32> -> vector<10000x64xf32>
    %get3A_19 = arith.constant 0 : index
    %get3A_20 = arith.constant 0 : index
    %get3A_21 = vector.load %arg3[%get3A_19, %get3A_20] : memref<1x64xf32, #tpu.memory_space<vmem>>, vector<1x64xf32>
    %add3A_22 = vector.broadcast %get3A_21 : vector<1x64xf32> to vector<10000x64xf32>
    %add3A_23 = arith.addf %dot_general3A_18, %add3A_22 : vector<10000x64xf32>
    %get3A_24 = arith.constant 0 : index
    %get3A_25 = arith.constant 0 : index
    %get3A_26 = vector.load %arg1[%get3A_24, %get3A_25] : memref<10000x1xf32, #tpu.memory_space<vmem>>, vector<10000x1xf32>
    %mul3A_27 = vector.broadcast %get3A_26 : vector<10000x1xf32> to vector<10000x64xf32>
    %mul3A_28 = arith.mulf %add3A_23, %mul3A_27 : vector<10000x64xf32>
    %broadcast_in_dim3A = arith.constant 0.000000e+00 : f32
    %broadcast_in_dim3A_29 = vector.broadcast %broadcast_in_dim3A : f32 to vector<10000x64xf32>
    %concatenate3A = tpu.concatenate %mul3A_28, %broadcast_in_dim3A_29 in 1 : vector<10000x64xf32>, vector<10000x64xf32> -> vector<10000x128xf32>
    %swap3A = arith.constant 0 : index
    %swap3A_30 = arith.constant 0 : index
    %swap3A_31 = vector.load %arg4[%swap3A, %swap3A_30] : memref<10000x128xf32, #tpu.memory_space<vmem>>, vector<10000x128xf32>
    tpu.vector_store %arg4[%swap3A, %swap3A_30], %concatenate3A {strides = array<i32>} : memref<10000x128xf32, #tpu.memory_space<vmem>>, vector<10000x128xf32>,
    return
  }
}

module attributes {stable_mosaic.version = 14 : i64} {
  func.func @_comb2_body(%arg0: memref<2x5120x128xf32, #tpu.memory_space<vmem>>, %arg1: memref<5120x1xf32, #tpu.memory_space<vmem>>, %arg2: memref<5120x256xf32, #tpu.memory_space<vmem>>) attributes {dimension_semantics = [], scalar_prefetch = 0 : i64, scratch_operands = 0 : i64, tpu.core_type = #tpu.core_type<tc>} {
    %get3A = arith.constant 0 : index
    %get3A_0 = arith.constant 0 : index
    %get3A_1 = arith.constant 0 : index
    %get3A_2 = vector.load %arg0[%get3A, %get3A_0, %get3A_1] : memref<2x5120x128xf32, #tpu.memory_space<vmem>>, vector<1x5120x128xf32>
    %get3A_3 = vector.shape_cast %get3A_2 : vector<1x5120x128xf32> to vector<5120x128xf32>
    %get3A_4 = arith.constant 1 : index
    %get3A_5 = arith.constant 0 : index
    %get3A_6 = arith.constant 0 : index
    %get3A_7 = vector.load %arg0[%get3A_4, %get3A_5, %get3A_6] : memref<2x5120x128xf32, #tpu.memory_space<vmem>>, vector<1x5120x128xf32>
    %get3A_8 = vector.shape_cast %get3A_7 : vector<1x5120x128xf32> to vector<5120x128xf32>
    %add3A = arith.addf %get3A_3, %get3A_8 : vector<5120x128xf32>
    %get3A_9 = arith.constant 0 : index
    %get3A_10 = arith.constant 0 : index
    %get3A_11 = vector.load %arg1[%get3A_9, %get3A_10] : memref<5120x1xf32, #tpu.memory_space<vmem>>, vector<5120x1xf32>
    %mul3A = vector.broadcast %get3A_11 : vector<5120x1xf32> to vector<5120x128xf32>
    %mul3A_12 = arith.mulf %add3A, %mul3A : vector<5120x128xf32>
    %slice3A = vector.extract_strided_slice %mul3A_12 {offsets = [0, 0], sizes = [5120, 64], strides = [1, 1]} : vector<5120x128xf32> to vector<5120x64xf32>
    %broadcast_in_dim3A = arith.constant 0.000000e+00 : f32
    %broadcast_in_dim3A_13 = vector.broadcast %broadcast_in_dim3A : f32 to vector<5120x64xf32>
    %concatenate3A = tpu.concatenate %slice3A, %broadcast_in_dim3A_13, %broadcast_in_dim3A_13, %slice3A in 1 : vector<5120x64xf32>, vector<5120x64xf32>, vector<5120x64xf32>, vector<5120x64xf32> -> vector<5120x256xf32>
    %swap3A = arith.constant 0 : index
    %swap3A_14 = arith.constant 0 : index
    %swap3A_15 = vector.load %arg2[%swap3A, %swap3A_14] : memref<5120x256xf32, #tpu.memory_space<vmem>>, vector<5120x256xf32>
    tpu.vector_store %arg2[%swap3A, %swap3A_14], %concatenate3A {strides = array<i32>} : memref<5120x256xf32, #tpu.memory_space<vmem>>, vector<5120x256xf32>,
    return
  }
}

module attributes {stable_mosaic.version = 14 : i64} {
  func.func @_out_body(%arg0: memref<2x10240x64xf32, #tpu.memory_space<vmem>>, %arg1: memref<10000x1xf32, #tpu.memory_space<vmem>>, %arg2: memref<10000x64xf32, #tpu.memory_space<vmem>>) attributes {dimension_semantics = [], scalar_prefetch = 0 : i64, scratch_operands = 0 : i64, tpu.core_type = #tpu.core_type<tc>} {
    %get3A = arith.constant 0 : index
    %get3A_0 = arith.constant 0 : index
    %get3A_1 = arith.constant 0 : index
    %get3A_2 = vector.load %arg0[%get3A, %get3A_0, %get3A_1] : memref<2x10240x64xf32, #tpu.memory_space<vmem>>, vector<1x10000x64xf32>
    %get3A_3 = vector.shape_cast %get3A_2 : vector<1x10000x64xf32> to vector<10000x64xf32>
    %get3A_4 = arith.constant 1 : index
    %get3A_5 = arith.constant 0 : index
    %get3A_6 = arith.constant 0 : index
    %get3A_7 = vector.load %arg0[%get3A_4, %get3A_5, %get3A_6] : memref<2x10240x64xf32, #tpu.memory_space<vmem>>, vector<1x10000x64xf32>
    %get3A_8 = vector.shape_cast %get3A_7 : vector<1x10000x64xf32> to vector<10000x64xf32>
    %add3A = arith.addf %get3A_3, %get3A_8 : vector<10000x64xf32>
    %get3A_9 = arith.constant 0 : index
    %get3A_10 = arith.constant 0 : index
    %get3A_11 = vector.load %arg1[%get3A_9, %get3A_10] : memref<10000x1xf32, #tpu.memory_space<vmem>>, vector<10000x1xf32>
    %mul3A = vector.broadcast %get3A_11 : vector<10000x1xf32> to vector<10000x64xf32>
    %mul3A_12 = arith.mulf %add3A, %mul3A : vector<10000x64xf32>
    %swap3A = arith.constant 0 : index
    %swap3A_13 = arith.constant 0 : index
    %swap3A_14 = vector.load %arg2[%swap3A, %swap3A_13] : memref<10000x64xf32, #tpu.memory_space<vmem>>, vector<10000x64xf32>
    tpu.vector_store %arg2[%swap3A, %swap3A_13], %mul3A_12 {strides = array<i32>} : memref<10000x64xf32, #tpu.memory_space<vmem>>, vector<10000x64xf32>,
    return
  }
}

</mosaic_0001>

<sc_bundles>
// kernel: kernel.13.cloned.1.call-start
scs
__scs_entry_jumppad:
0x0: {  	(pc) =	sbr.rel $0x88, $3  }
0x1: {  	(tag) =	ssettag $0x0;
	lr =	simm.s32 $0x1  }
0x2: {  	[smem:$0x3F9A] =	sst lr;
	_ =	strace $0xD0000000  }
0x3: {  	_ = 	snop  }
0x4: {  	_ = 	snop  }
0x5: {  	_ = 	snop  }
0x6: {  	_ = 	snop  }
0x7: {  	_ = 	snop  }
__scs_overlays_trampoline_lowered:
0x8: {  	[smem:$0x3FA9] =	sst s0  }
0x9: {  	[smem:$0x3FAA] =	sst s1  }
0xa: {  	[smem:$0x3FAB] =	sst s2  }
0xb: {  	[smem:$0x3FAC] =	sst s3  }
0xc: {  	[smem:$0x3FAD] =	sst s4  }
0xd: {  	[smem:$0x3FAE] =	sst s5  }
0xe: {  	[smem:$0x3FAF] =	sst s6  }
0xf: {  	[smem:$0x3FB0] =	sst s7  }
0x10: {  	[smem:$0x3FB1] =	sst s8  }
0x11: {  	[smem:$0x3FB2] =	sst s9;
	s0 =	simm.s32 @!p0 $0x0  }
0x12: {  	s1 =	sld [smem:$0x3F98];
	s0 =	simm.s32 @p0 $0x1  }
0x13: {  	[smem:$0x3FB3] =	sst s0;
	s0 =	simm.s32 @!p1 $0x0  }
0x14: {  	s2 =	sld [smem:$0x3F97];
	s0 =	simm.s32 @p1 $0x1  }
0x15: {  	[smem:$0x3FB4] =	sst s0;
	s0 =	simm.s32 @!p2 $0x0  }
0x16: {  	s3 =	sld [smem:$0x3FDB];
	s0 =	simm.s32 @p2 $0x1  }
0x17: {  	s4 =	simm.s32 $0x1BF5;
	[smem:$0x3FB6] =	sst s0  }
0x18: {  	s0 =	sld [smem:$0x3F99];
	_ =	swait.ge [sflag:s4], $0x0  }
0x19: {  	s7 =	sld [smem:$0x3F9A]  }
0x1a: {  	s8 =	sadd.s32 $0xFFFFE003, lr  }
0x1b: {  	s9 =	sadd.s32 $0xFFFFFEF7, lr;
	s5 =	simm.s32 $0xFFFFFFFF;
	p2 =	slt.u32 s8, $0xFFFFF086  }
0x1c: {  	p1 =	slt.u32 s9, $0xF7A;
	s5 =	simm.s32 @!p2 $0x0  }
0x1d: {  	s5 =	simm.s32 @p1 $0x1;
	p0 =	seq.s32 s7, s2  }
0x1e: {  	s7 =	smul.u32 @!p0 $0xF7A, s2;
	p2 =	seq.s32 @!p0 s5, $0x0  }
0x1f: {  	s9 =	smul.u32 $0xF7A, s1;
	s8 =	simm.s32 @!p0 $0x1BF5;
	p2 =	por !p2, p0  }
0x20: {  	[sflag:s8] =	ssyncset.s32 @!p0 $0xFFFFF086;
	s6 =	sadd.s32 @!p0 s3, s7;
	s7 =	simm.s32 @!p0 $0x108  }
0x21: {  	s3 =	sadd.s32 s3, s9;
	s6 =	sadd.s32 @!p0 $0x88, s6;
	s7 =	simm.s32 @p2 $0x1082  }
0x22: {  	[simem:s7], [sflag:s8] =	dma.local @!p0 [hbm:s6], $0xF7A  }
0x23: {  	s9 =	sor.u32 $0xD0000000, s2;
	s6 =	simm.s32 $0x108;
	_ =	swait.ge @!p0 [sflag:s8], $0x0  }
0x24: {  	s3 =	sadd.s32 $0x88, s3;
	s6 =	simm.s32 @!p1 $0x1082;
	[sflag:s4] =	ssyncset.s32 $0xFFFFF086  }
0x25: {  	[simem:s6], [sflag:s4] =	dma.local [hbm:s3], $0xF7A  }
0x26: {  	[smem:$0x3F9A] =	sst s1;
	(tag) =	ssettag s2;
	_ =	strace s9  }
0x27: {  	s1 =	sld [smem:$0x3FAA]  }
0x28: {  	s2 =	sld [smem:$0x3FAB]  }
0x29: {  	s4 =	sld [smem:$0x3FAD]  }
0x2a: {  	p0 =	seq.s32 s5, $0x0;
	s5 =	sld [smem:$0x3FAE]  }
0x2b: {  	s6 =	sld [smem:$0x3FAF]  }
0x2c: {  	s7 =	sld [smem:$0x3FB0]  }
0x2d: {  	s3 =	simm.s32 $0x108;
	s8 =	sld [smem:$0x3FB1]  }
0x2e: {  	s3 =	simm.s32 @!p0 $0x1082;
	s9 =	sld [smem:$0x3FB2]  }
0x2f: {  	lr =	sadd.s32 s0, s3;
	s0 =	sld [smem:$0x3FA9]  }
0x30: {  	s3 =	sld [smem:$0x3FAC]  }
0x31: {  	[smem:$0x3FB5] =	sst s10  }
0x32: {  	s10 =	sld [smem:$0x3FB3];
	_ =	sdelay $0x3  }
0x33: {  	p0 =	seq.s32 s10, $0x1;
	s10 =	sld [smem:$0x3FB5];
	_ =	sdelay $0x3  }
0x34: {  	[smem:$0x3FB5] =	sst s10  }
0x35: {  	s10 =	sld [smem:$0x3FB4];
	_ =	sdelay $0x3  }
0x36: {  	p1 =	seq.s32 s10, $0x1;
	s10 =	sld [smem:$0x3FB5];
	_ =	sdelay $0x3  }
0x37: {  	[smem:$0x3FB5] =	sst s10  }
0x38: {  	s10 =	sld [smem:$0x3FB6]  }
0x39: {  	_ = 	snop;
	(pc) =	sbr.ind lr, $3  }
0x3a: {  	_ = 	snop  }
0x3b: {  	_ = 	snop  }
0x3c: {  	p2 =	seq.s32 s10, $0x1;
	s10 =	sld [smem:$0x3FB5]  }
0x3d: {  	_ =	shalt  }
0x3e: {  	_ =	shalt  }
0x3f: {  	_ =	shalt  }
0x40: {  	_ =	shalt  }
0x41: {  	_ =	shalt  }
0x42: {  	_ =	shalt  }
0x43: {  	_ =	shalt  }
0x44: {  	_ =	shalt  }
0x45: {  	_ =	shalt  }
0x46: {  	_ =	shalt  }
0x47: {  	_ =	shalt  }
0x48: {  	_ =	shalt  }
0x49: {  	_ =	shalt  }
0x4a: {  	_ =	shalt  }
0x4b: {  	_ =	shalt  }
0x4c: {  	_ =	shalt  }
0x4d: {  	_ =	shalt  }
0x4e: {  	_ =	shalt  }
0x4f: {  	_ =	shalt  }
0x50: {  	_ =	shalt  }
0x51: {  	_ =	shalt  }
0x52: {  	_ =	shalt  }
0x53: {  	_ =	shalt  }
0x54: {  	_ =	shalt  }
0x55: {  	_ =	shalt  }
0x56: {  	_ =	shalt  }
0x57: {  	_ =	shalt  }
0x58: {  	_ =	shalt  }
0x59: {  	_ =	shalt  }
0x5a: {  	_ =	shalt  }
0x5b: {  	_ =	shalt  }
0x5c: {  	_ =	shalt  }
0x5d: {  	_ =	shalt  }
0x5e: {  	_ =	shalt  }
0x5f: {  	_ =	shalt  }
0x60: {  	_ =	shalt  }
0x61: {  	_ =	shalt  }
0x62: {  	_ =	shalt  }
0x63: {  	_ =	shalt  }
0x64: {  	_ =	shalt  }
0x65: {  	_ =	shalt  }
0x66: {  	_ =	shalt  }
0x67: {  	_ =	shalt  }
0x68: {  	_ =	shalt  }
0x69: {  	_ =	shalt  }
0x6a: {  	_ =	shalt  }
0x6b: {  	_ =	shalt  }
0x6c: {  	_ =	shalt  }
0x6d: {  	_ =	shalt  }
0x6e: {  	_ =	shalt  }
0x6f: {  	_ =	shalt  }
0x70: {  	_ =	shalt  }
0x71: {  	_ =	shalt  }
0x72: {  	_ =	shalt  }
0x73: {  	_ =	shalt  }
0x74: {  	_ =	shalt  }
0x75: {  	_ =	shalt  }
0x76: {  	_ =	shalt  }
0x77: {  	_ =	shalt  }
0x78: {  	_ =	shalt  }
0x79: {  	_ =	shalt  }
0x7a: {  	_ =	shalt  }
0x7b: {  	_ =	shalt  }
0x7c: {  	_ =	shalt  }
0x7d: {  	_ =	shalt  }
0x7e: {  	_ =	shalt  }
0x7f: {  	_ =	shalt  }
0x80: {  	_ =	shalt  }
0x81: {  	_ =	shalt  }
0x82: {  	_ =	shalt  }
0x83: {  	_ =	shalt  }
0x84: {  	_ =	shalt  }
0x85: {  	_ =	shalt  }
0x86: {  	_ =	shalt  }
0x87: {  	_ =	shalt  }
.Lfunc_end0:
.L_simem_size_0:
called_computation_lowered:
.L_overlay_start_0:
0x88: {  	s2 =	sld [smem:$0x3FD9]  }
0x89: {  	s3 =	sld [smem:$0x3FFE];
	_ =	sdelay $0x1  }
0x8a: {  	s1 =	srdreg.scid  }
0x8b: {  	s0 =	sand.u32 $0x1, s1  }
0x8c: {  	s17 =	sshll.u32 s0, $0xA;
	s2 =	sadd.s32 s3, s2  }
0x8d: {  	s2 =	sadd.s32 s2, s17  }
0x8e: {  	[smem:$0x3FC1] =	sst s2  }
0x8f: {  	_ = 	snop  }
0x90: {  	s18 =	sld [smem:$0x3FD0];
	(tm) =	ssettm $0x1  }
0x91: {  	s19 =	sld [smem:$0x3FFB];
	_ =	sdelay $0x3  }
0x92: {  	_ =	strace s19  }
0x93: {  	s2 =	sld [smem:$0x3FFC];
	_ =	sdelay $0x3  }
0x94: {  	_ =	strace s2  }
0x95: {  	s2 =	sld [smem:$0x3FFD];
	_ =	sdelay $0x3  }
0x96: {  	_ =	strace s2  }
0x97: {  	_ =	strace $0x8FFFFFFF  }
0x98: {  	s20 =	sld [smem:$0x3FDB];
	_ =	sdelay $0x1  }
0x99: {  	s4 =	simm.s32 $_scs_section_size  }
0x9a: {  	s5 =	simm.s32 $_size__tile_overlayer_lowered;
	s6 =	simm.s32 $_tile_overlayer_lowered  }
0x9b: {  	s7 =	simm.s32 $0x1BFF;
	s21 =	sshll.u32 s6, $0x1;
	s4 =	sadd.s32 s4, s20  }
0x9c: {  	s22 =	simm.s32 $0x0;
	s5 =	sshll.u32 s5, $0x1;
	s6 =	sadd.s32 s21, s4  }
0x9d: {  	[timem:s22], [sflag:s7] =	dma.local [hbm:s6], s5  }
0x9e: {  	_ =	swait.ge [sflag:s7], s5  }
0x9f: {  	s5 =	ssub.s32 $0x0, s5;
	[sflag:s7] =	ssyncset.done $0x0  }
0xa0: {  	[sflag:s7] =	ssyncadd.s32 s5;
	_ =	sdelay $0x1  }
0xa1: {  	s23 =	simm.s32 $0x1B8B  }
0xa2: {  	_ =	swait.ge [sflag:s23], $0x1  }
0xa3: {  	[sflag:s23] =	ssyncset.done $0x0  }
0xa4: {  	[sflag:s23] =	ssyncadd.s32 $0xFFFFFFFF  }
0xa5: {  	s5 =	sld [smem:$0x0]  }
0xa6: {  	s6 =	sand.u32 $0xFFFFFFFE, s1  }
0xa7: {  	p0 =	sne.s32 s1, s6  }
0xa8: {  	s6 =	sshll.u32 @p0 s6, $0xE  }
0xa9: {  	s6 =	sadd.s32 @p0 $0x11B8D, s6;
	s7 =	sshll.u32 @p0 s5, $0x11  }
0xaa: {  	s6 =	sor.u32 @p0 s7, s6  }
0xab: {  	[sflag:s6] =	ssyncadd.remote.s32 @p0 $0x1;
	_ =	sdelay $0x1  }
0xac: {  	s6 =	simm.s32 @p0 $0x1B8D  }
0xad: {  	_ =	swait.eq @p0 [sflag:s6], $0x1  }
0xae: {  	[sflag:s6] =	ssyncadd.s32 @p0 $0xFFFFFFFF  }
0xaf: {  	s7 =	sshll.u32 @!p0 s1, $0xE  }
0xb0: {  	s7 =	sor.u32 @!p0 $0x4000, s7;
	s6 =	simm.s32 @!p0 $0x1B8D  }
0xb1: {  	s5 =	sshll.u32 @!p0 s5, $0x11;
	s7 =	sadd.s32 @!p0 $0x11B8D, s7;
	_ =	swait.eq @!p0 [sflag:s6], $0x1  }
0xb2: {  	s5 =	sor.u32 @!p0 s5, s7;
	[sflag:s6] =	ssyncadd.s32 @!p0 $0xFFFFFFFF  }
0xb3: {  	s25 =	simm.s32 $0x1B8E;
	s24 =	sld [smem:$0x3FFE];
	[sflag:s5] =	ssyncadd.remote.s32 @!p0 $0x1  }
0xb4: {  	s26 =	simm.s32 $execute0_lowered;
	[smem:$0x3FD2] =	sst s25  }
0xb5: {  	s6 =	sshll.u32 s26, $0x1;
	_ =	strace $0x80000049;
	[dreg:$0x1] =	wrdreg $0xFFFFFFFF  }
0xb6: {  	s28 =	simm.s32 $_size_execute0_lowered;
	s4 =	sadd.s32 s4, s6;
	[dreg:$0x0] =	wrdreg $0x0  }
0xb7: {  	s6 =	sshll.u32 s28, $0x1;
	[dreg:$0x2] =	wrdreg s4  }
0xb8: {  	[dreg:$0x3] =	wrdreg s6  }
0xb9: {  	[dreg:$0x4] =	wrdreg $0xC0  }
0xba: {  	_ =	task [dreg:s22], $0x5FFFF  }
0xbb: {  	[dreg:$0x1] =	wrdreg $0xFFFFFFFF  }
0xbc: {  	[dreg:$0x0] =	wrdreg $0x60  }
0xbd: {  	[dreg:$0x2] =	wrdreg s18  }
0xbe: {  	[dreg:$0x3] =	wrdreg s24  }
0xbf: {  	[dreg:$0x4] =	wrdreg $0x68000  }
0xc0: {  	[dreg:$0x5] =	wrdreg $0x9  }
0xc1: {  	_ =	task.clear_ibuf [dreg:s22], $0x6FFFF;
	_ =	strace $0x90000049  }
0xc2: {  	s29 =	simm.s32 $0x9;
	_ =	strace $0x8000004B  }
0xc3: {  	_ =	swait.ge [sflag:s29], $0x1  }
0xc4: {  	[sflag:s29] =	ssyncadd.s32 $0xFFFFFFFF  }
0xc5: {  	_ =	strace $0x9000004B  }
0xc6: {  	_ =	sfence  }
0xc7: {  	s30 =	sld [smem:$0x0];
	_ =	sdelay $0x2  }
0xc8: {  	s31 =	sshll.u32 s1, $0xD;
	s1 =	sshrl.u32 s1, $0x2  }
0xc9: {  	s4 =	sand.u32 $0x4000, s31;
	s1 =	sadd.s32 s1, s30  }
0xca: {  	s0 =	sor.u32 s4, s0;
	s1 =	sshll.u32 s1, $0x11  }
0xcb: {  	s0 =	sor.u32 s1, s0  }
0xcc: {  	s0 =	sadd.s32 $0x8F2B, s0  }
0xcd: {  	[sflag:s0] =	ssyncadd.remote.s32 $0x1  }
0xce: {  	_ =	sfence.sel $0xFFFF  }
0xcf: {  	[dreg:$0x0] =	wrdreg $0xFFFFFFFF;
	(pc) =	sbr.abs _section_cstart, $3  }
0xd0: {  	[dreg:$0x1] =	wrdreg $0xFFFFFFFF  }
0xd1: {  	_ =	task.clear_ibuf [dreg:s22], $0x2FFFF;
	_ =	strace $0x9FFFFFFF  }
0xd2: {  	(tm) =	ssettm $0x7FFFFFFF  }
0xd3: {  	_ =	shalt  }
tec
execute0_lowered:
.L_overlay_start_1:
0x0: {  	(tag) =	ssettag $0x1  }
0x1: {  	s5 =	rddreg [dreg:$0x0]  }
0x2: {  	s6 =	rddreg [dreg:$0x1]  }
0x3: {  	s1 =	rddreg [dreg:$0x2]  }
0x4: {  	s2 =	srdreg.scid;
	s12 =	stileid.u32  }
0x5: {  	s0 =	rddreg [dreg:$0x3];
	s11 =	simm.s32 $0x7D;
	s8 =	smul.u32 $0x13C00, s12  }
0x6: {  	s14 =	simm.s32 $0x0;
	s4 =	sand.u32 $0x1, s2;
	s10 =	smul.u32 $0x4F000, s12  }
0x7: {  	s2 =	simm.s32 $0x0;
	p0 =	sne.s32 s12, $0x0;
	s7 =	smul.u32 $0x13C000, s4  }
0x8: {  	[smem:$0x7FF] =	sst s2;
	s3 =	sshll.u32 s4, $0x4;
	s29 =	ssub.s32 $0x2, s4  }
0x9: {  	s4 =	sadd.s32 $0x4A400, s6;
	_ =	strace $0x8000004A;
	s9 =	sor.u32 s12, s3  }
0xa: {  	s3 =	sadd.s32 $0x21C00, s6;
	s30 =	sshrl.u32 s29, $0x1;
	s31 =	sshrl.u32 s10, $0x2  }
0xb: {  	s10 =	sshrl.u32 @!p0 s1, $0x3;
	s12 =	sshll.u32 s12, $0x6;
	s7 =	sadd.s32 s8, s7  }
0xc: {  	s28 =	smul.u32 $0x500, s9;
	s13 =	sadd.s32 s31, s1;
	s8 =	simm.s32 $0x1  }
0xd: {  	s9 =	simm.s32 $0x2800;
	s12 =	sor.u32 $0x1C01, s12;
	s7 =	sshrl.u32 s7, $0x3  }
0xe: {  	s13 =	sshrl.u32 s13, $0x3;
	s6 =	sadd.s32 s7, s6;
	s7 =	ssub.s32 s29, s30  }
0xf: {  	s5 =	sadd.s32 s5, s28;
	s6 =	sadd.s32 $0x71C00, s6;
	s7 =	smax.u32 s7, $0x1  }
.LBB2_1:
0x10: {  	[tilespmem:s2], [sflag:$0x1] =	stream.linear.gather [hbm4b:s5+s2], $0x2800, $0x38;
	[tilespmem:$0x1A400] =	vst v63  }
0x11: {  	_ =	swait.ge [sflag:s8], $0x2800  }
0x12: {  	[sflag:s8] =	ssyncset.done $0x0  }
0x13: {  	[sflag:s8] =	ssyncadd.s32 $0xFFFFD800  }
0x14: {  	[tilespmem:s9], [sflag:$0x1] =	stream.linear.gather [hbm4b:s3+s2], $0x3E80, $0x38;
	[tilespmem:$0x1A400] =	vst v63  }
0x15: {  	_ =	swait.ge [sflag:s8], $0x3E80  }
0x16: {  	[sflag:s8] =	ssyncset.done $0x0  }
0x17: {  	s15 =	simm.s32 @!p0 $0x1C01;
	[sflag:s8] =	ssyncadd.s32 $0xFFFFC180  }
0x18: {  	[spmem:s10], [sflag:s15] =	dma.local @!p0 [hbm:s4], $0x27800  }
0x19: {  	s15 =	simm.s32 @!p0 $0x1  }
0x1a: {  	_ =	swait.ge @!p0 [sflag:s15], $0x27800  }
0x1b: {  	[sflag:s15] =	ssyncset.done @!p0 $0x0  }
0x1c: {  	[sflag:s15] =	ssyncadd.s32 @!p0 $0xFFFD8800  }
0x1d: {  	s31 =	simm.s32 $0x0;
	[bflag:$0x0] =	sbarrier.arrive $0xFFFF  }
0x1e: {  	[spmem:s1] =	stream.indirect.scatter.add.f32 [tilespmem:s9], [sflag:$0x1], $0x80, s31, s11, $0xb8;
	[tilespmem:$0x1A400] =	vst v63  }
0x1f: {  	_ =	swait.ge [sflag:s8], $0x3E80  }
0x20: {  	s15 =	simm.s32 $0x200;
	[sflag:s8] =	ssyncset.done $0x0  }
.LBB2_2:
0x21: {  	s16 =	sshra.s32 s15, $0x2;
	[sflag:s8] =	ssyncadd.s32 $0xFFFFC180;
	p1 =	sne.s32 s15, $0x9E00  }
0x22: {  	[spmem:s1] =	stream.indirect.scatter.add.f32 [tilespmem:s9], [sflag:$0x1], $0x80, s16, s11, $0xb8;
	[tilespmem:$0x1A400] =	vst v63  }
.Ltmp0:
0x23: {  	_ = 	snop;
	(pc) =	sbr.rel @p1 .LBB2_2-.Ltmp0, $4  }
0x24: {  	_ = 	snop  }
0x25: {  	s15 =	sadd.s32 $0x200, s15  }
0x26: {  	_ =	swait.ge [sflag:s8], $0x3E80  }
0x27: {  	[sflag:s8] =	ssyncset.done $0x0  }
0x28: {  	s14 =	sadd.s32 $0x1, s14  }
0x29: {  	[sflag:s8] =	ssyncadd.s32 $0xFFFFC180;
	p1 =	sne.s32 s14, s7  }
.Ltmp1:
0x2a: {  	[bflag:$0x0] =	sbarrier.arrive $0xFFFF;
	(pc) =	sbr.rel @p1 .LBB2_1-.Ltmp1, $4  }
0x2b: {  	[hbm:s6], [sflag:s12] =	dma.local [spmem:s13], $0x2780  }
0x2c: {  	_ =	swait.ge [sflag:s8], $0x2780  }
0x2d: {  	[sflag:s8] =	ssyncset.done $0x0  }
0x2e: {  	[sflag:s8] =	ssyncadd.s32 $0xFFFFD880  }
0x2f: {  	_ =	sfence.sel $0x180000  }
0x30: {  	[bflag:$0x0] =	sbarrier.arrive $0xFFFF  }
0x31: {  	_ =	strace $0x9000004A  }
0x32: {  	s0 =	sadd.s32 @!p0 $0x100000, s0;
	[bflag:$0x2] =	sbarrier.arrive $0xFFFF  }
0x33: {  	[sflag:s0] =	ssyncadd.tile.s32 @!p0 $0x1;
	_ =	shalt  }
.Lfunc_end2:
_tile_overlayer_lowered:
.L_overlay_start_2:
0x34: {  	(tag) =	ssettag $0x2  }
0x35: {  	s0 =	rddreg [dreg:$0x0];
	s2 =	stileid.u32  }
0x36: {  	s1 =	rddreg [dreg:$0x1];
	p0 =	sne.s32 s2, $0x0  }
0x37: {  	s3 =	rddreg [dreg:$0x2];
	[bflag:$0x3] =	sbarrier.arrive $0xFFFF;
	s2 =	simm.s32 @!p0 $0x1C01  }
0x38: {  	[timem:s3], [sflag:s2] =	dma.local @!p0 [hbm:s0], s1  }
0x39: {  	s0 =	simm.s32 @!p0 $0x1  }
0x3a: {  	_ =	swait.ge @!p0 [sflag:s0], s1  }
0x3b: {  	s1 =	ssub.s32 @!p0 $0x0, s1;
	[sflag:s0] =	ssyncset.done @!p0 $0x0  }
0x3c: {  	[sflag:s0] =	ssyncadd.s32 @!p0 s1  }
0x3d: {  	[bflag:$0x3] =	sbarrier.arrive $0xFFFF  }
0x3e: {  	_ =	shalt  }

// kernel: kernel.16.cloned.1.call-start
scs
__scs_entry_jumppad:
0x0: {  	(pc) =	sbr.rel $0x88, $3  }
0x1: {  	(tag) =	ssettag $0x0;
	lr =	simm.s32 $0x1  }
0x2: {  	[smem:$0x3F9A] =	sst lr;
	_ =	strace $0xD0000000  }
0x3: {  	_ = 	snop  }
0x4: {  	_ = 	snop  }
0x5: {  	_ = 	snop  }
0x6: {  	_ = 	snop  }
0x7: {  	_ = 	snop  }
__scs_overlays_trampoline_lowered:
0x8: {  	[smem:$0x3FA9] =	sst s0  }
0x9: {  	[smem:$0x3FAA] =	sst s1  }
0xa: {  	[smem:$0x3FAB] =	sst s2  }
0xb: {  	[smem:$0x3FAC] =	sst s3  }
0xc: {  	[smem:$0x3FAD] =	sst s4  }
0xd: {  	[smem:$0x3FAE] =	sst s5  }
0xe: {  	[smem:$0x3FAF] =	sst s6  }
0xf: {  	[smem:$0x3FB0] =	sst s7  }
0x10: {  	[smem:$0x3FB1] =	sst s8  }
0x11: {  	[smem:$0x3FB2] =	sst s9;
	s0 =	simm.s32 @!p0 $0x0  }
0x12: {  	s1 =	sld [smem:$0x3F98];
	s0 =	simm.s32 @p0 $0x1  }
0x13: {  	[smem:$0x3FB3] =	sst s0;
	s0 =	simm.s32 @!p1 $0x0  }
0x14: {  	s2 =	sld [smem:$0x3F97];
	s0 =	simm.s32 @p1 $0x1  }
0x15: {  	[smem:$0x3FB4] =	sst s0;
	s0 =	simm.s32 @!p2 $0x0  }
0x16: {  	s3 =	sld [smem:$0x3FDB];
	s0 =	simm.s32 @p2 $0x1  }
0x17: {  	s4 =	simm.s32 $0x1BF5;
	[smem:$0x3FB6] =	sst s0  }
0x18: {  	s0 =	sld [smem:$0x3F99];
	_ =	swait.ge [sflag:s4], $0x0  }
0x19: {  	s7 =	sld [smem:$0x3F9A]  }
0x1a: {  	s8 =	sadd.s32 $0xFFFFE003, lr  }
0x1b: {  	s9 =	sadd.s32 $0xFFFFFEF7, lr;
	s5 =	simm.s32 $0xFFFFFFFF;
	p2 =	slt.u32 s8, $0xFFFFF086  }
0x1c: {  	p1 =	slt.u32 s9, $0xF7A;
	s5 =	simm.s32 @!p2 $0x0  }
0x1d: {  	s5 =	simm.s32 @p1 $0x1;
	p0 =	seq.s32 s7, s2  }
0x1e: {  	s7 =	smul.u32 @!p0 $0xF7A, s2;
	p2 =	seq.s32 @!p0 s5, $0x0  }
0x1f: {  	s9 =	smul.u32 $0xF7A, s1;
	s8 =	simm.s32 @!p0 $0x1BF5;
	p2 =	por !p2, p0  }
0x20: {  	[sflag:s8] =	ssyncset.s32 @!p0 $0xFFFFF086;
	s6 =	sadd.s32 @!p0 s3, s7;
	s7 =	simm.s32 @!p0 $0x108  }
0x21: {  	s3 =	sadd.s32 s3, s9;
	s6 =	sadd.s32 @!p0 $0x88, s6;
	s7 =	simm.s32 @p2 $0x1082  }
0x22: {  	[simem:s7], [sflag:s8] =	dma.local @!p0 [hbm:s6], $0xF7A  }
0x23: {  	s9 =	sor.u32 $0xD0000000, s2;
	s6 =	simm.s32 $0x108;
	_ =	swait.ge @!p0 [sflag:s8], $0x0  }
0x24: {  	s3 =	sadd.s32 $0x88, s3;
	s6 =	simm.s32 @!p1 $0x1082;
	[sflag:s4] =	ssyncset.s32 $0xFFFFF086  }
0x25: {  	[simem:s6], [sflag:s4] =	dma.local [hbm:s3], $0xF7A  }
0x26: {  	[smem:$0x3F9A] =	sst s1;
	(tag) =	ssettag s2;
	_ =	strace s9  }
0x27: {  	s1 =	sld [smem:$0x3FAA]  }
0x28: {  	s2 =	sld [smem:$0x3FAB]  }
0x29: {  	s4 =	sld [smem:$0x3FAD]  }
0x2a: {  	p0 =	seq.s32 s5, $0x0;
	s5 =	sld [smem:$0x3FAE]  }
0x2b: {  	s6 =	sld [smem:$0x3FAF]  }
0x2c: {  	s7 =	sld [smem:$0x3FB0]  }
0x2d: {  	s3 =	simm.s32 $0x108;
	s8 =	sld [smem:$0x3FB1]  }
0x2e: {  	s3 =	simm.s32 @!p0 $0x1082;
	s9 =	sld [smem:$0x3FB2]  }
0x2f: {  	lr =	sadd.s32 s0, s3;
	s0 =	sld [smem:$0x3FA9]  }
0x30: {  	s3 =	sld [smem:$0x3FAC]  }
0x31: {  	[smem:$0x3FB5] =	sst s10  }
0x32: {  	s10 =	sld [smem:$0x3FB3];
	_ =	sdelay $0x3  }
0x33: {  	p0 =	seq.s32 s10, $0x1;
	s10 =	sld [smem:$0x3FB5];
	_ =	sdelay $0x3  }
0x34: {  	[smem:$0x3FB5] =	sst s10  }
0x35: {  	s10 =	sld [smem:$0x3FB4];
	_ =	sdelay $0x3  }
0x36: {  	p1 =	seq.s32 s10, $0x1;
	s10 =	sld [smem:$0x3FB5];
	_ =	sdelay $0x3  }
0x37: {  	[smem:$0x3FB5] =	sst s10  }
0x38: {  	s10 =	sld [smem:$0x3FB6]  }
0x39: {  	_ = 	snop;
	(pc) =	sbr.ind lr, $3  }
0x3a: {  	_ = 	snop  }
0x3b: {  	_ = 	snop  }
0x3c: {  	p2 =	seq.s32 s10, $0x1;
	s10 =	sld [smem:$0x3FB5]  }
0x3d: {  	_ =	shalt  }
0x3e: {  	_ =	shalt  }
0x3f: {  	_ =	shalt  }
0x40: {  	_ =	shalt  }
0x41: {  	_ =	shalt  }
0x42: {  	_ =	shalt  }
0x43: {  	_ =	shalt  }
0x44: {  	_ =	shalt  }
0x45: {  	_ =	shalt  }
0x46: {  	_ =	shalt  }
0x47: {  	_ =	shalt  }
0x48: {  	_ =	shalt  }
0x49: {  	_ =	shalt  }
0x4a: {  	_ =	shalt  }
0x4b: {  	_ =	shalt  }
0x4c: {  	_ =	shalt  }
0x4d: {  	_ =	shalt  }
0x4e: {  	_ =	shalt  }
0x4f: {  	_ =	shalt  }
0x50: {  	_ =	shalt  }
0x51: {  	_ =	shalt  }
0x52: {  	_ =	shalt  }
0x53: {  	_ =	shalt  }
0x54: {  	_ =	shalt  }
0x55: {  	_ =	shalt  }
0x56: {  	_ =	shalt  }
0x57: {  	_ =	shalt  }
0x58: {  	_ =	shalt  }
0x59: {  	_ =	shalt  }
0x5a: {  	_ =	shalt  }
0x5b: {  	_ =	shalt  }
0x5c: {  	_ =	shalt  }
0x5d: {  	_ =	shalt  }
0x5e: {  	_ =	shalt  }
0x5f: {  	_ =	shalt  }
0x60: {  	_ =	shalt  }
0x61: {  	_ =	shalt  }
0x62: {  	_ =	shalt  }
0x63: {  	_ =	shalt  }
0x64: {  	_ =	shalt  }
0x65: {  	_ =	shalt  }
0x66: {  	_ =	shalt  }
0x67: {  	_ =	shalt  }
0x68: {  	_ =	shalt  }
0x69: {  	_ =	shalt  }
0x6a: {  	_ =	shalt  }
0x6b: {  	_ =	shalt  }
0x6c: {  	_ =	shalt  }
0x6d: {  	_ =	shalt  }
0x6e: {  	_ =	shalt  }
0x6f: {  	_ =	shalt  }
0x70: {  	_ =	shalt  }
0x71: {  	_ =	shalt  }
0x72: {  	_ =	shalt  }
0x73: {  	_ =	shalt  }
0x74: {  	_ =	shalt  }
0x75: {  	_ =	shalt  }
0x76: {  	_ =	shalt  }
0x77: {  	_ =	shalt  }
0x78: {  	_ =	shalt  }
0x79: {  	_ =	shalt  }
0x7a: {  	_ =	shalt  }
0x7b: {  	_ =	shalt  }
0x7c: {  	_ =	shalt  }
0x7d: {  	_ =	shalt  }
0x7e: {  	_ =	shalt  }
0x7f: {  	_ =	shalt  }
0x80: {  	_ =	shalt  }
0x81: {  	_ =	shalt  }
0x82: {  	_ =	shalt  }
0x83: {  	_ =	shalt  }
0x84: {  	_ =	shalt  }
0x85: {  	_ =	shalt  }
0x86: {  	_ =	shalt  }
0x87: {  	_ =	shalt  }
.Lfunc_end0:
.L_simem_size_0:
called_computation.1_lowered:
.L_overlay_start_0:
0x88: {  	s2 =	sld [smem:$0x3FD9]  }
0x89: {  	s3 =	sld [smem:$0x3FFE];
	_ =	sdelay $0x1  }
0x8a: {  	s1 =	srdreg.scid  }
0x8b: {  	s0 =	sand.u32 $0x1, s1  }
0x8c: {  	s16 =	sshll.u32 s0, $0xA;
	s2 =	sadd.s32 s3, s2  }
0x8d: {  	s2 =	sadd.s32 s2, s16  }
0x8e: {  	[smem:$0x3FC1] =	sst s2  }
0x8f: {  	_ = 	snop  }
0x90: {  	(tm) =	ssettm $0x1  }
0x91: {  	s17 =	sld [smem:$0x3FFB];
	_ =	sdelay $0x3  }
0x92: {  	_ =	strace s17  }
0x93: {  	s2 =	sld [smem:$0x3FFC];
	_ =	sdelay $0x3  }
0x94: {  	_ =	strace s2  }
0x95: {  	s2 =	sld [smem:$0x3FFD];
	_ =	sdelay $0x3  }
0x96: {  	_ =	strace s2  }
0x97: {  	_ =	strace $0x8FFFFFFF  }
0x98: {  	s18 =	sld [smem:$0x3FDB];
	_ =	sdelay $0x1  }
0x99: {  	s19 =	simm.s32 $_scs_section_size  }
0x9a: {  	s4 =	simm.s32 $_size__tile_overlayer_lowered;
	s5 =	simm.s32 $_tile_overlayer_lowered  }
0x9b: {  	s22 =	simm.s32 $0x1BFF;
	s21 =	sshll.u32 s5, $0x1;
	s2 =	sadd.s32 s19, s18  }
0x9c: {  	s6 =	simm.s32 $0x0;
	s20 =	sshll.u32 s4, $0x1;
	s4 =	sadd.s32 s21, s2  }
0x9d: {  	[timem:s6], [sflag:s22] =	dma.local [hbm:s4], s20  }
0x9e: {  	_ =	swait.ge [sflag:s22], s20  }
0x9f: {  	s3 =	ssub.s32 $0x0, s20;
	[sflag:s22] =	ssyncset.done $0x0  }
0xa0: {  	[sflag:s22] =	ssyncadd.s32 s3;
	_ =	sdelay $0x1  }
0xa1: {  	s23 =	simm.s32 $0x1B8B  }
0xa2: {  	_ =	swait.ge [sflag:s23], $0x1  }
0xa3: {  	[sflag:s23] =	ssyncset.done $0x0  }
0xa4: {  	s25 =	simm.s32 $0x1B8E;
	s24 =	sld [smem:$0x3FFE];
	[sflag:s23] =	ssyncadd.s32 $0xFFFFFFFF  }
0xa5: {  	s26 =	simm.s32 $execute0_lowered;
	[smem:$0x3FD2] =	sst s25  }
0xa6: {  	s4 =	sshll.u32 s26, $0x1;
	_ =	strace $0x80000046;
	[dreg:$0x1] =	wrdreg $0xFFFFFFFF  }
0xa7: {  	s28 =	simm.s32 $_size_execute0_lowered;
	s2 =	sadd.s32 s2, s4;
	[dreg:$0x0] =	wrdreg $0x0  }
0xa8: {  	s4 =	sshll.u32 s28, $0x1;
	[dreg:$0x2] =	wrdreg s2  }
0xa9: {  	[dreg:$0x3] =	wrdreg s4  }
0xaa: {  	[dreg:$0x4] =	wrdreg $0xC0  }
0xab: {  	_ =	task [dreg:s6], $0x5FFFF  }
0xac: {  	[dreg:$0x1] =	wrdreg $0xFFFFFFFF  }
0xad: {  	[dreg:$0x0] =	wrdreg $0x60  }
0xae: {  	[dreg:$0x2] =	wrdreg s24  }
0xaf: {  	[dreg:$0x3] =	wrdreg $0x68000  }
0xb0: {  	[dreg:$0x4] =	wrdreg $0xA  }
0xb1: {  	_ =	task.clear_ibuf [dreg:s6], $0x5FFFF;
	_ =	strace $0x90000046  }
0xb2: {  	s29 =	simm.s32 $0xA;
	_ =	strace $0x80000048  }
0xb3: {  	_ =	swait.ge [sflag:s29], $0x1  }
0xb4: {  	[sflag:s29] =	ssyncadd.s32 $0xFFFFFFFF  }
0xb5: {  	_ =	strace $0x90000048  }
0xb6: {  	_ =	sfence  }
0xb7: {  	s30 =	sld [smem:$0x0];
	_ =	sdelay $0x2  }
0xb8: {  	s31 =	sshll.u32 s1, $0xD;
	s1 =	sshrl.u32 s1, $0x2  }
0xb9: {  	s3 =	sand.u32 $0x4000, s31;
	s1 =	sadd.s32 s1, s30  }
0xba: {  	s0 =	sor.u32 s3, s0;
	s1 =	sshll.u32 s1, $0x11  }
0xbb: {  	s0 =	sor.u32 s1, s0  }
0xbc: {  	s0 =	sadd.s32 $0x8F2B, s0  }
0xbd: {  	[sflag:s0] =	ssyncadd.remote.s32 $0x1  }
0xbe: {  	_ =	sfence.sel $0xFFFF  }
0xbf: {  	[dreg:$0x0] =	wrdreg $0xFFFFFFFF;
	(pc) =	sbr.abs _section_cstart, $3  }
0xc0: {  	[dreg:$0x1] =	wrdreg $0xFFFFFFFF  }
0xc1: {  	_ =	task.clear_ibuf [dreg:s6], $0x2FFFF;
	_ =	strace $0x9FFFFFFF  }
0xc2: {  	(tm) =	ssettm $0x7FFFFFFF  }
0xc3: {  	_ =	shalt  }
tec
execute0_lowered:
.L_overlay_start_1:
0x0: {  	(tag) =	ssettag $0x1  }
0x1: {  	s0 =	srdreg.scid;
	s5 =	rddreg [dreg:$0x0]  }
0x2: {  	s12 =	stileid.u32;
	s1 =	rddreg [dreg:$0x1];
	s2 =	simm.s32 $0x0  }
0x3: {  	s11 =	simm.s32 $0x7D;
	s14 =	simm.s32 $0x0;
	s7 =	smul.u32 $0xA000, s12  }
0x4: {  	s4 =	sand.u32 $0x1, s0;
	[smem:$0x7FF] =	sst s2;
	s9 =	smul.u32 $0x28000, s12  }
0x5: {  	p0 =	sne.s32 s12, $0x0;
	s0 =	sshll.u32 s4, $0x4;
	s6 =	smul.u32 $0xA0000, s4  }
0x6: {  	s29 =	ssub.s32 $0x2, s4;
	s4 =	sadd.s32 $0xDC00, s5;
	s10 =	sshrl.u32 @!p0 s1, $0x3  }
0x7: {  	s0 =	sor.u32 s12, s0;
	s30 =	sshrl.u32 s29, $0x1;
	s31 =	sshrl.u32 s9, $0x2  }
0x8: {  	s9 =	simm.s32 $0x2800;
	s12 =	sshll.u32 s12, $0x6;
	s3 =	smul.u32 $0x500, s0  }
0x9: {  	s0 =	rddreg [dreg:$0x2];
	_ =	strace $0x80000047;
	s6 =	sadd.s32 s7, s6  }
0xa: {  	s7 =	ssub.s32 s29, s30;
	s13 =	sadd.s32 s31, s1;
	s12 =	sor.u32 $0x1C01, s12  }
0xb: {  	s6 =	sshrl.u32 s6, $0x3;
	s7 =	smax.u32 s7, $0x1;
	s13 =	sshrl.u32 s13, $0x3  }
0xc: {  	s8 =	sadd.s32 s3, s5;
	s3 =	sadd.s32 $0x21C00, s5;
	s6 =	sadd.s32 s6, s5  }
0xd: {  	s5 =	sadd.s32 $0x3C00, s8;
	s6 =	sadd.s32 $0x22400, s6;
	s8 =	simm.s32 $0x1  }
.LBB2_1:
0xe: {  	[tilespmem:s2], [sflag:$0x1] =	stream.linear.gather [hbm4b:s5+s2], $0x2800, $0x38;
	[tilespmem:$0x10800] =	vst v63  }
0xf: {  	_ =	swait.ge [sflag:s8], $0x2800  }
0x10: {  	[sflag:s8] =	ssyncset.done $0x0  }
0x11: {  	[sflag:s8] =	ssyncadd.s32 $0xFFFFD800  }
0x12: {  	[tilespmem:s9], [sflag:$0x1] =	stream.linear.gather [hbm4b:s3+s2], $0x3E80, $0x38;
	[tilespmem:$0x10800] =	vst v63  }
0x13: {  	_ =	swait.ge [sflag:s8], $0x3E80  }
0x14: {  	[sflag:s8] =	ssyncset.done $0x0  }
0x15: {  	s15 =	simm.s32 @!p0 $0x1C01;
	[sflag:s8] =	ssyncadd.s32 $0xFFFFC180  }
0x16: {  	[spmem:s10], [sflag:s15] =	dma.local @!p0 [hbm:s4], $0x14000  }
0x17: {  	s15 =	simm.s32 @!p0 $0x1  }
0x18: {  	_ =	swait.ge @!p0 [sflag:s15], $0x14000  }
0x19: {  	[sflag:s15] =	ssyncset.done @!p0 $0x0  }
0x1a: {  	[sflag:s15] =	ssyncadd.s32 @!p0 $0xFFFEC000  }
0x1b: {  	s31 =	simm.s32 $0x0;
	[bflag:$0x0] =	sbarrier.arrive $0xFFFF  }
0x1c: {  	[spmem:s1] =	stream.indirect.scatter.add.f32 [tilespmem:s9], [sflag:$0x1], $0x80, s31, s11, $0xb8;
	[tilespmem:$0x10800] =	vst v63  }
0x1d: {  	_ =	swait.ge [sflag:s8], $0x3E80  }
0x1e: {  	s15 =	simm.s32 $0x200;
	[sflag:s8] =	ssyncset.done $0x0  }
.LBB2_2:
0x1f: {  	s16 =	sshra.s32 s15, $0x2;
	[sflag:s8] =	ssyncadd.s32 $0xFFFFC180;
	p1 =	sne.s32 s15, $0x9E00  }
0x20: {  	[spmem:s1] =	stream.indirect.scatter.add.f32 [tilespmem:s9], [sflag:$0x1], $0x80, s16, s11, $0xb8;
	[tilespmem:$0x10800] =	vst v63  }
.Ltmp0:
0x21: {  	_ = 	snop;
	(pc) =	sbr.rel @p1 .LBB2_2-.Ltmp0, $4  }
0x22: {  	_ = 	snop  }
0x23: {  	s15 =	sadd.s32 $0x200, s15  }
0x24: {  	_ =	swait.ge [sflag:s8], $0x3E80  }
0x25: {  	[sflag:s8] =	ssyncset.done $0x0  }
0x26: {  	s14 =	sadd.s32 $0x1, s14  }
0x27: {  	[sflag:s8] =	ssyncadd.s32 $0xFFFFC180;
	p1 =	sne.s32 s14, s7  }
.Ltmp1:
0x28: {  	[bflag:$0x0] =	sbarrier.arrive $0xFFFF;
	(pc) =	sbr.rel @p1 .LBB2_1-.Ltmp1, $4  }
0x29: {  	[hbm:s6], [sflag:s12] =	dma.local [spmem:s13], $0x1400  }
0x2a: {  	_ =	swait.ge [sflag:s8], $0x1400  }
0x2b: {  	[sflag:s8] =	ssyncset.done $0x0  }
0x2c: {  	[sflag:s8] =	ssyncadd.s32 $0xFFFFEC00  }
0x2d: {  	_ =	sfence.sel $0x180000  }
0x2e: {  	[bflag:$0x0] =	sbarrier.arrive $0xFFFF  }
0x2f: {  	_ =	strace $0x90000047  }
0x30: {  	s0 =	sadd.s32 @!p0 $0x100000, s0;
	[bflag:$0x2] =	sbarrier.arrive $0xFFFF  }
0x31: {  	[sflag:s0] =	ssyncadd.tile.s32 @!p0 $0x1;
	_ =	shalt  }
.Lfunc_end2:
_tile_overlayer_lowered:
.L_overlay_start_2:
0x32: {  	(tag) =	ssettag $0x2  }
0x33: {  	s0 =	rddreg [dreg:$0x0];
	s2 =	stileid.u32  }
0x34: {  	s1 =	rddreg [dreg:$0x1];
	p0 =	sne.s32 s2, $0x0  }
0x35: {  	s3 =	rddreg [dreg:$0x2];
	[bflag:$0x3] =	sbarrier.arrive $0xFFFF;
	s2 =	simm.s32 @!p0 $0x1C01  }
0x36: {  	[timem:s3], [sflag:s2] =	dma.local @!p0 [hbm:s0], s1  }
0x37: {  	s0 =	simm.s32 @!p0 $0x1  }
0x38: {  	_ =	swait.ge @!p0 [sflag:s0], s1  }
0x39: {  	s1 =	ssub.s32 @!p0 $0x0, s1;
	[sflag:s0] =	ssyncset.done @!p0 $0x0  }
0x3a: {  	[sflag:s0] =	ssyncadd.s32 @!p0 s1  }
0x3b: {  	[bflag:$0x3] =	sbarrier.arrive $0xFFFF  }
0x3c: {  	_ =	shalt  }

// kernel: kernel.19.cloned.1.call-start
scs
__scs_entry_jumppad:
0x0: {  	(pc) =	sbr.rel $0x88, $3  }
0x1: {  	(tag) =	ssettag $0x0;
	lr =	simm.s32 $0x1  }
0x2: {  	[smem:$0x3F9A] =	sst lr;
	_ =	strace $0xD0000000  }
0x3: {  	_ = 	snop  }
0x4: {  	_ = 	snop  }
0x5: {  	_ = 	snop  }
0x6: {  	_ = 	snop  }
0x7: {  	_ = 	snop  }
__scs_overlays_trampoline_lowered:
0x8: {  	[smem:$0x3FA9] =	sst s0  }
0x9: {  	[smem:$0x3FAA] =	sst s1  }
0xa: {  	[smem:$0x3FAB] =	sst s2  }
0xb: {  	[smem:$0x3FAC] =	sst s3  }
0xc: {  	[smem:$0x3FAD] =	sst s4  }
0xd: {  	[smem:$0x3FAE] =	sst s5  }
0xe: {  	[smem:$0x3FAF] =	sst s6  }
0xf: {  	[smem:$0x3FB0] =	sst s7  }
0x10: {  	[smem:$0x3FB1] =	sst s8  }
0x11: {  	[smem:$0x3FB2] =	sst s9;
	s0 =	simm.s32 @!p0 $0x0  }
0x12: {  	s1 =	sld [smem:$0x3F98];
	s0 =	simm.s32 @p0 $0x1  }
0x13: {  	[smem:$0x3FB3] =	sst s0;
	s0 =	simm.s32 @!p1 $0x0  }
0x14: {  	s2 =	sld [smem:$0x3F97];
	s0 =	simm.s32 @p1 $0x1  }
0x15: {  	[smem:$0x3FB4] =	sst s0;
	s0 =	simm.s32 @!p2 $0x0  }
0x16: {  	s3 =	sld [smem:$0x3FDB];
	s0 =	simm.s32 @p2 $0x1  }
0x17: {  	s4 =	simm.s32 $0x1BF5;
	[smem:$0x3FB6] =	sst s0  }
0x18: {  	s0 =	sld [smem:$0x3F99];
	_ =	swait.ge [sflag:s4], $0x0  }
0x19: {  	s7 =	sld [smem:$0x3F9A]  }
0x1a: {  	s8 =	sadd.s32 $0xFFFFE003, lr  }
0x1b: {  	s9 =	sadd.s32 $0xFFFFFEF7, lr;
	s5 =	simm.s32 $0xFFFFFFFF;
	p2 =	slt.u32 s8, $0xFFFFF086  }
0x1c: {  	p1 =	slt.u32 s9, $0xF7A;
	s5 =	simm.s32 @!p2 $0x0  }
0x1d: {  	s5 =	simm.s32 @p1 $0x1;
	p0 =	seq.s32 s7, s2  }
0x1e: {  	s7 =	smul.u32 @!p0 $0xF7A, s2;
	p2 =	seq.s32 @!p0 s5, $0x0  }
0x1f: {  	s9 =	smul.u32 $0xF7A, s1;
	s8 =	simm.s32 @!p0 $0x1BF5;
	p2 =	por !p2, p0  }
0x20: {  	[sflag:s8] =	ssyncset.s32 @!p0 $0xFFFFF086;
	s6 =	sadd.s32 @!p0 s3, s7;
	s7 =	simm.s32 @!p0 $0x108  }
0x21: {  	s3 =	sadd.s32 s3, s9;
	s6 =	sadd.s32 @!p0 $0x88, s6;
	s7 =	simm.s32 @p2 $0x1082  }
0x22: {  	[simem:s7], [sflag:s8] =	dma.local @!p0 [hbm:s6], $0xF7A  }
0x23: {  	s9 =	sor.u32 $0xD0000000, s2;
	s6 =	simm.s32 $0x108;
	_ =	swait.ge @!p0 [sflag:s8], $0x0  }
0x24: {  	s3 =	sadd.s32 $0x88, s3;
	s6 =	simm.s32 @!p1 $0x1082;
	[sflag:s4] =	ssyncset.s32 $0xFFFFF086  }
0x25: {  	[simem:s6], [sflag:s4] =	dma.local [hbm:s3], $0xF7A  }
0x26: {  	[smem:$0x3F9A] =	sst s1;
	(tag) =	ssettag s2;
	_ =	strace s9  }
0x27: {  	s1 =	sld [smem:$0x3FAA]  }
0x28: {  	s2 =	sld [smem:$0x3FAB]  }
0x29: {  	s4 =	sld [smem:$0x3FAD]  }
0x2a: {  	p0 =	seq.s32 s5, $0x0;
	s5 =	sld [smem:$0x3FAE]  }
0x2b: {  	s6 =	sld [smem:$0x3FAF]  }
0x2c: {  	s7 =	sld [smem:$0x3FB0]  }
0x2d: {  	s3 =	simm.s32 $0x108;
	s8 =	sld [smem:$0x3FB1]  }
0x2e: {  	s3 =	simm.s32 @!p0 $0x1082;
	s9 =	sld [smem:$0x3FB2]  }
0x2f: {  	lr =	sadd.s32 s0, s3;
	s0 =	sld [smem:$0x3FA9]  }
0x30: {  	s3 =	sld [smem:$0x3FAC]  }
0x31: {  	[smem:$0x3FB5] =	sst s10  }
0x32: {  	s10 =	sld [smem:$0x3FB3];
	_ =	sdelay $0x3  }
0x33: {  	p0 =	seq.s32 s10, $0x1;
	s10 =	sld [smem:$0x3FB5];
	_ =	sdelay $0x3  }
0x34: {  	[smem:$0x3FB5] =	sst s10  }
0x35: {  	s10 =	sld [smem:$0x3FB4];
	_ =	sdelay $0x3  }
0x36: {  	p1 =	seq.s32 s10, $0x1;
	s10 =	sld [smem:$0x3FB5];
	_ =	sdelay $0x3  }
0x37: {  	[smem:$0x3FB5] =	sst s10  }
0x38: {  	s10 =	sld [smem:$0x3FB6]  }
0x39: {  	_ = 	snop;
	(pc) =	sbr.ind lr, $3  }
0x3a: {  	_ = 	snop  }
0x3b: {  	_ = 	snop  }
0x3c: {  	p2 =	seq.s32 s10, $0x1;
	s10 =	sld [smem:$0x3FB5]  }
0x3d: {  	_ =	shalt  }
0x3e: {  	_ =	shalt  }
0x3f: {  	_ =	shalt  }
0x40: {  	_ =	shalt  }
0x41: {  	_ =	shalt  }
0x42: {  	_ =	shalt  }
0x43: {  	_ =	shalt  }
0x44: {  	_ =	shalt  }
0x45: {  	_ =	shalt  }
0x46: {  	_ =	shalt  }
0x47: {  	_ =	shalt  }
0x48: {  	_ =	shalt  }
0x49: {  	_ =	shalt  }
0x4a: {  	_ =	shalt  }
0x4b: {  	_ =	shalt  }
0x4c: {  	_ =	shalt  }
0x4d: {  	_ =	shalt  }
0x4e: {  	_ =	shalt  }
0x4f: {  	_ =	shalt  }
0x50: {  	_ =	shalt  }
0x51: {  	_ =	shalt  }
0x52: {  	_ =	shalt  }
0x53: {  	_ =	shalt  }
0x54: {  	_ =	shalt  }
0x55: {  	_ =	shalt  }
0x56: {  	_ =	shalt  }
0x57: {  	_ =	shalt  }
0x58: {  	_ =	shalt  }
0x59: {  	_ =	shalt  }
0x5a: {  	_ =	shalt  }
0x5b: {  	_ =	shalt  }
0x5c: {  	_ =	shalt  }
0x5d: {  	_ =	shalt  }
0x5e: {  	_ =	shalt  }
0x5f: {  	_ =	shalt  }
0x60: {  	_ =	shalt  }
0x61: {  	_ =	shalt  }
0x62: {  	_ =	shalt  }
0x63: {  	_ =	shalt  }
0x64: {  	_ =	shalt  }
0x65: {  	_ =	shalt  }
0x66: {  	_ =	shalt  }
0x67: {  	_ =	shalt  }
0x68: {  	_ =	shalt  }
0x69: {  	_ =	shalt  }
0x6a: {  	_ =	shalt  }
0x6b: {  	_ =	shalt  }
0x6c: {  	_ =	shalt  }
0x6d: {  	_ =	shalt  }
0x6e: {  	_ =	shalt  }
0x6f: {  	_ =	shalt  }
0x70: {  	_ =	shalt  }
0x71: {  	_ =	shalt  }
0x72: {  	_ =	shalt  }
0x73: {  	_ =	shalt  }
0x74: {  	_ =	shalt  }
0x75: {  	_ =	shalt  }
0x76: {  	_ =	shalt  }
0x77: {  	_ =	shalt  }
0x78: {  	_ =	shalt  }
0x79: {  	_ =	shalt  }
0x7a: {  	_ =	shalt  }
0x7b: {  	_ =	shalt  }
0x7c: {  	_ =	shalt  }
0x7d: {  	_ =	shalt  }
0x7e: {  	_ =	shalt  }
0x7f: {  	_ =	shalt  }
0x80: {  	_ =	shalt  }
0x81: {  	_ =	shalt  }
0x82: {  	_ =	shalt  }
0x83: {  	_ =	shalt  }
0x84: {  	_ =	shalt  }
0x85: {  	_ =	shalt  }
0x86: {  	_ =	shalt  }
0x87: {  	_ =	shalt  }
.Lfunc_end0:
.L_simem_size_0:
called_computation.2_lowered:
.L_overlay_start_0:
0x88: {  	s2 =	sld [smem:$0x3FD9]  }
0x89: {  	s3 =	sld [smem:$0x3FFE];
	_ =	sdelay $0x1  }
0x8a: {  	s1 =	srdreg.scid  }
0x8b: {  	s0 =	sand.u32 $0x1, s1  }
0x8c: {  	s17 =	sshll.u32 s0, $0xA;
	s2 =	sadd.s32 s3, s2  }
0x8d: {  	s2 =	sadd.s32 s2, s17  }
0x8e: {  	[smem:$0x3FC1] =	sst s2  }
0x8f: {  	_ = 	snop  }
0x90: {  	s2 =	sld [smem:$0x3FD0];
	(tm) =	ssettm $0x1  }
0x91: {  	s18 =	sld [smem:$0x3FFB];
	_ =	sdelay $0x3  }
0x92: {  	_ =	strace s18  }
0x93: {  	s3 =	sld [smem:$0x3FFC];
	_ =	sdelay $0x3  }
0x94: {  	_ =	strace s3  }
0x95: {  	s3 =	sld [smem:$0x3FFD];
	_ =	sdelay $0x3  }
0x96: {  	_ =	strace s3  }
0x97: {  	_ =	strace $0x8FFFFFFF  }
0x98: {  	s19 =	sld [smem:$0x3FDB];
	_ =	sdelay $0x1  }
0x99: {  	s4 =	simm.s32 $_scs_section_size  }
0x9a: {  	s5 =	simm.s32 $_size__tile_overlayer_lowered;
	s6 =	simm.s32 $_tile_overlayer_lowered  }
0x9b: {  	s22 =	simm.s32 $0x1BFF;
	s21 =	sshll.u32 s6, $0x1;
	s3 =	sadd.s32 s4, s19  }
0x9c: {  	s7 =	simm.s32 $0x0;
	s20 =	sshll.u32 s5, $0x1;
	s5 =	sadd.s32 s21, s3  }
0x9d: {  	[timem:s7], [sflag:s22] =	dma.local [hbm:s5], s20  }
0x9e: {  	_ =	swait.ge [sflag:s22], s20  }
0x9f: {  	s4 =	ssub.s32 $0x0, s20;
	[sflag:s22] =	ssyncset.done $0x0  }
0xa0: {  	[sflag:s22] =	ssyncadd.s32 s4;
	_ =	sdelay $0x1  }
0xa1: {  	s23 =	simm.s32 $0x1B8B  }
0xa2: {  	_ =	swait.ge [sflag:s23], $0x1  }
0xa3: {  	[sflag:s23] =	ssyncset.done $0x0  }
0xa4: {  	s25 =	simm.s32 $0x1B8E;
	s24 =	sld [smem:$0x3FFE];
	[sflag:s23] =	ssyncadd.s32 $0xFFFFFFFF  }
0xa5: {  	s26 =	simm.s32 $execute0_lowered;
	[smem:$0x3FD2] =	sst s25  }
0xa6: {  	s5 =	sshll.u32 s26, $0x1;
	_ =	strace $0x8000004C;
	[dreg:$0x1] =	wrdreg $0xFFFFFFFF  }
0xa7: {  	s28 =	simm.s32 $_size_execute0_lowered;
	s3 =	sadd.s32 s3, s5;
	[dreg:$0x0] =	wrdreg $0x0  }
0xa8: {  	s5 =	sshll.u32 s28, $0x1;
	[dreg:$0x2] =	wrdreg s3  }
0xa9: {  	[dreg:$0x3] =	wrdreg s5  }
0xaa: {  	[dreg:$0x4] =	wrdreg $0xC0  }
0xab: {  	_ =	task [dreg:s7], $0x5FFFF  }
0xac: {  	[dreg:$0x1] =	wrdreg $0xFFFFFFFF  }
0xad: {  	[dreg:$0x0] =	wrdreg $0x60  }
0xae: {  	[dreg:$0x2] =	wrdreg s24  }
0xaf: {  	[dreg:$0x3] =	wrdreg s2  }
0xb0: {  	[dreg:$0x4] =	wrdreg $0xD0000  }
0xb1: {  	[dreg:$0x5] =	wrdreg $0x9  }
0xb2: {  	_ =	task.clear_ibuf [dreg:s7], $0x6FFFF;
	_ =	strace $0x9000004C  }
0xb3: {  	s29 =	simm.s32 $0x9;
	_ =	strace $0x8000004E  }
0xb4: {  	_ =	swait.ge [sflag:s29], $0x1  }
0xb5: {  	[sflag:s29] =	ssyncadd.s32 $0xFFFFFFFF  }
0xb6: {  	_ =	strace $0x9000004E  }
0xb7: {  	_ =	sfence  }
0xb8: {  	s30 =	sld [smem:$0x0];
	_ =	sdelay $0x2  }
0xb9: {  	s31 =	sshll.u32 s1, $0xD;
	s1 =	sshrl.u32 s1, $0x2  }
0xba: {  	s3 =	sand.u32 $0x4000, s31;
	s1 =	sadd.s32 s1, s30  }
0xbb: {  	s0 =	sor.u32 s3, s0;
	s1 =	sshll.u32 s1, $0x11  }
0xbc: {  	s0 =	sor.u32 s1, s0  }
0xbd: {  	s0 =	sadd.s32 $0x8F2B, s0  }
0xbe: {  	[sflag:s0] =	ssyncadd.remote.s32 $0x1  }
0xbf: {  	_ =	sfence.sel $0xFFFF  }
0xc0: {  	[dreg:$0x0] =	wrdreg $0xFFFFFFFF;
	(pc) =	sbr.abs _section_cstart, $3  }
0xc1: {  	[dreg:$0x1] =	wrdreg $0xFFFFFFFF  }
0xc2: {  	_ =	task.clear_ibuf [dreg:s7], $0x2FFFF;
	_ =	strace $0x9FFFFFFF  }
0xc3: {  	(tm) =	ssettm $0x7FFFFFFF  }
tec
execute0_lowered:
.L_overlay_start_1:
0x0: {  	(tag) =	ssettag $0x1  }
0x1: {  	s0 =	srdreg.scid;
	s5 =	rddreg [dreg:$0x0]  }
0x2: {  	s19 =	stileid.u32;
	s6 =	rddreg [dreg:$0x1]  }
0x3: {  	s1 =	rddreg [dreg:$0x2];
	s2 =	simm.s32 $0x0;
	s13 =	simm.s32 $0x5000  }
0x4: {  	s14 =	simm.s32 $0x9000;
	s15 =	simm.s32 $0x1;
	s16 =	simm.s32 $0x2780  }
0x5: {  	s17 =	simm.s32 $0x4F00;
	s18 =	simm.s32 $0x4F80;
	s21 =	simm.s32 $0x0  }
0x6: {  	s4 =	sand.u32 $0x1, s0;
	[smem:$0x7FF] =	sst s2;
	s9 =	smul.u32 $0xA000, s19  }
0x7: {  	s3 =	sadd.s32 $0x21C00, s5;
	s12 =	smul.u32 $0x28000, s19;
	p0 =	sne.s32 s19, $0x0  }
0x8: {  	s0 =	sshll.u32 s4, $0x4;
	s8 =	smul.u32 $0xA0000, s4;
	s30 =	ssub.s32 $0x2, s4  }
0x9: {  	s4 =	sadd.s32 $0xDC00, s5;
	s0 =	sor.u32 s19, s0;
	s11 =	sshrl.u32 s30, $0x1  }
0xa: {  	s31 =	sshrl.u32 s12, $0x2;
	s12 =	simm.s32 $0x7D;
	s19 =	sshll.u32 s19, $0x6  }
0xb: {  	s7 =	smul.u32 $0x500, s0;
	s0 =	rddreg [dreg:$0x3];
	_ =	strace $0x8000004D  }
0xc: {  	s8 =	sadd.s32 s9, s8;
	s9 =	ssub.s32 s30, s11;
	s20 =	sadd.s32 s31, s1  }
0xd: {  	s11 =	sshrl.u32 @!p0 s1, $0x3;
	s19 =	sor.u32 $0x1C02, s19;
	s8 =	sshrl.u32 s8, $0x3  }
0xe: {  	s20 =	sshrl.u32 s20, $0x3;
	s10 =	sadd.s32 s7, s5;
	s8 =	sadd.s32 s8, s5  }
0xf: {  	s5 =	sadd.s32 s6, s7;
	s6 =	sadd.s32 $0x3C00, s10;
	s7 =	sadd.s32 $0x71C00, s8  }
0x10: {  	s8 =	smax.u32 s9, $0x1;
	s9 =	simm.s32 $0x2;
	s10 =	simm.s32 $0x2800  }
.LBB2_1:
0x11: {  	[tilespmem:s2], [sflag:$0x2] =	stream.linear.gather [hbm4b:s5+s2], $0x2800, $0x38;
	[tilespmem:$0x17000] =	vst v63  }
0x12: {  	_ =	swait.ge [sflag:s9], $0x2800  }
0x13: {  	[sflag:s9] =	ssyncset.done $0x0  }
0x14: {  	[sflag:s9] =	ssyncadd.s32 $0xFFFFD800  }
0x15: {  	[tilespmem:s10], [sflag:$0x2] =	stream.linear.gather [hbm4b:s6+s2], $0x2800, $0x38;
	[tilespmem:$0x17000] =	vst v63  }
0x16: {  	_ =	swait.ge [sflag:s9], $0x2800  }
0x17: {  	[sflag:s9] =	ssyncset.done $0x0  }
0x18: {  	s22 =	simm.s32 @!p0 $0x1C02;
	[sflag:s9] =	ssyncadd.s32 $0xFFFFD800  }
0x19: {  	[spmem:s11], [sflag:s22] =	dma.local @!p0 [hbm:s4], $0x14000  }
0x1a: {  	s22 =	simm.s32 @!p0 $0x2  }
0x1b: {  	_ =	swait.ge @!p0 [sflag:s22], $0x14000  }
0x1c: {  	[sflag:s22] =	ssyncset.done @!p0 $0x0  }
0x1d: {  	[sflag:s22] =	ssyncadd.s32 @!p0 $0xFFFEC000  }
0x1e: {  	[bflag:$0x0] =	sbarrier.arrive $0xFFFF  }
0x1f: {  	[tilespmem:s13], [sflag:$0x1] =	stream.indirect.gather [hbm4b:s3+s12], $0x80, s2, s12, $0xb8;
	[tilespmem:$0x17000] =	vst v63  }
0x20: {  	s28 =	simm.s32 $0x80  }
0x21: {  	[tilespmem:s14], [sflag:$0x1] =	stream.indirect.gather [hbm4b:s3+s12], $0x80, s28, s12, $0xb8;
	[tilespmem:$0x17000] =	vst v63  }
0x22: {  	_ =	swait.ge [sflag:s15], $0x3E80  }
0x23: {  	[sflag:s15] =	ssyncset.done $0x0  }
0x24: {  	s29 =	simm.s32 $0x2800;
	[sflag:s15] =	ssyncadd.s32 $0xFFFFC180  }
0x25: {  	[spmem:s1] =	stream.indirect.scatter.add.f32 [tilespmem:s13], [sflag:$0x2], $0x80, s29, s12, $0xb8;
	[tilespmem:$0x17000] =	vst v63  }
0x26: {  	_ =	swait.ge [sflag:s9], $0x3E80  }
0x27: {  	[sflag:s9] =	ssyncset.done $0x0  }
0x28: {  	s30 =	simm.s32 $0x100;
	[sflag:s9] =	ssyncadd.s32 $0xFFFFC180  }
0x29: {  	[tilespmem:s13], [sflag:$0x1] =	stream.indirect.gather [hbm4b:s3+s12], $0x80, s30, s12, $0xb8;
	[tilespmem:$0x17000] =	vst v63  }
0x2a: {  	_ =	swait.ge [sflag:s15], $0x3E80  }
0x2b: {  	[sflag:s15] =	ssyncset.done $0x0  }
0x2c: {  	s31 =	simm.s32 $0x2880;
	[sflag:s15] =	ssyncadd.s32 $0xFFFFC180  }
0x2d: {  	[spmem:s1] =	stream.indirect.scatter.add.f32 [tilespmem:s14], [sflag:$0x2], $0x80, s31, s12, $0xb8;
	[tilespmem:$0x17000] =	vst v63  }
0x2e: {  	_ =	swait.ge [sflag:s9], $0x3E80  }
0x2f: {  	s23 =	simm.s32 $0xC00;
	s22 =	simm.s32 $0x200;
	[sflag:s9] =	ssyncset.done $0x0  }
.LBB2_2:
0x30: {  	s24 =	sadd.s32 $0xFFFFFF80, s22  }
0x31: {  	[sflag:s9] =	ssyncadd.s32 $0xFFFFC180;
	s25 =	smov.u32 s23;
	s26 =	sadd.s32 $0x400, s23  }
0x32: {  	[tilespmem:s14], [sflag:$0x1] =	stream.indirect.gather [hbm4b:s3+s12], $0x80, s24, s12, $0xb8;
	[tilespmem:$0x17000] =	vst v63  }
0x33: {  	p1 =	sne.s32 s23, $0x9C00;
	_ =	swait.ge [sflag:s15], $0x3E80  }
0x34: {  	[sflag:s15] =	ssyncset.done $0x0  }
0x35: {  	s23 =	sadd.s32 $0x2700, s22;
	[sflag:s15] =	ssyncadd.s32 $0xFFFFC180  }
0x36: {  	[spmem:s1] =	stream.indirect.scatter.add.f32 [tilespmem:s13], [sflag:$0x2], $0x80, s23, s12, $0xb8;
	[tilespmem:$0x17000] =	vst v63  }
0x37: {  	_ =	swait.ge [sflag:s9], $0x3E80  }
0x38: {  	[sflag:s9] =	ssyncset.done $0x0  }
0x39: {  	[sflag:s9] =	ssyncadd.s32 $0xFFFFC180  }
0x3a: {  	[tilespmem:s13], [sflag:$0x1] =	stream.indirect.gather [hbm4b:s3+s12], $0x80, s22, s12, $0xb8;
	[tilespmem:$0x17000] =	vst v63  }
0x3b: {  	_ =	swait.ge [sflag:s15], $0x3E80  }
.Ltmp0:
0x3c: {  	[sflag:s15] =	ssyncset.done $0x0;
	(pc) =	sbr.rel @p1 .LBB2_2-.Ltmp0, $4  }
0x3d: {  	s22 =	sadd.s32 $0x2780, s22;
	[sflag:s15] =	ssyncadd.s32 $0xFFFFC180  }
0x3e: {  	[spmem:s1] =	stream.indirect.scatter.add.f32 [tilespmem:s14], [sflag:$0x2], $0x80, s22, s12, $0xb8;
	[tilespmem:$0x17000] =	vst v63  }
0x3f: {  	_ =	swait.ge [sflag:s9], $0x3E80  }
0x40: {  	s23 =	smov.u32 s26;
	s22 =	sshra.s32 s25, $0x2;
	[sflag:s9] =	ssyncset.done $0x0  }
0x41: {  	s23 =	sadd.s32 $0xFFFFFF80, s22;
	[sflag:s9] =	ssyncadd.s32 $0xFFFFC180  }
0x42: {  	[tilespmem:s14], [sflag:$0x1] =	stream.indirect.gather [hbm4b:s3+s12], $0x80, s23, s12, $0xb8;
	[tilespmem:$0x17000] =	vst v63  }
0x43: {  	_ =	swait.ge [sflag:s15], $0x3E80  }
0x44: {  	[sflag:s15] =	ssyncset.done $0x0  }
0x45: {  	s30 =	sadd.s32 $0x2700, s22;
	[sflag:s15] =	ssyncadd.s32 $0xFFFFC180  }
0x46: {  	[spmem:s1] =	stream.indirect.scatter.add.f32 [tilespmem:s13], [sflag:$0x2], $0x80, s30, s12, $0xb8;
	[tilespmem:$0x17000] =	vst v63  }
0x47: {  	_ =	swait.ge [sflag:s9], $0x3E80  }
0x48: {  	[sflag:s9] =	ssyncset.done $0x0  }
0x49: {  	[sflag:s9] =	ssyncadd.s32 $0xFFFFC180  }
0x4a: {  	[tilespmem:s13], [sflag:$0x1] =	stream.indirect.gather [hbm4b:s3+s12], $0x80, s22, s12, $0xb8;
	[tilespmem:$0x17000] =	vst v63  }
0x4b: {  	_ =	swait.ge [sflag:s15], $0x3E80  }
0x4c: {  	[sflag:s15] =	ssyncset.done $0x0  }
0x4d: {  	s31 =	sadd.s32 $0x2780, s22;
	[sflag:s15] =	ssyncadd.s32 $0xFFFFC180  }
0x4e: {  	[spmem:s1] =	stream.indirect.scatter.add.f32 [tilespmem:s14], [sflag:$0x2], $0x80, s31, s12, $0xb8;
	[tilespmem:$0x17000] =	vst v63  }
0x4f: {  	_ =	swait.ge [sflag:s9], $0x3E80  }
0x50: {  	[sflag:s9] =	ssyncset.done $0x0  }
0x51: {  	[sflag:s9] =	ssyncadd.s32 $0xFFFFC180  }
0x52: {  	[tilespmem:s14], [sflag:$0x1] =	stream.indirect.gather [hbm4b:s3+s12], $0x80, s16, s12, $0xb8;
	[tilespmem:$0x17000] =	vst v63  }
0x53: {  	_ =	swait.ge [sflag:s15], $0x3E80  }
0x54: {  	[sflag:s15] =	ssyncset.done $0x0  }
0x55: {  	[sflag:s15] =	ssyncadd.s32 $0xFFFFC180  }
0x56: {  	[spmem:s1] =	stream.indirect.scatter.add.f32 [tilespmem:s13], [sflag:$0x2], $0x80, s17, s12, $0xb8;
	[tilespmem:$0x17000] =	vst v63  }
0x57: {  	_ =	swait.ge [sflag:s9], $0x3E80  }
0x58: {  	[sflag:s9] =	ssyncset.done $0x0  }
0x59: {  	[sflag:s9] =	ssyncadd.s32 $0xFFFFC180  }
0x5a: {  	_ =	swait.ge [sflag:s15], $0x3E80  }
0x5b: {  	[sflag:s15] =	ssyncset.done $0x0  }
0x5c: {  	[sflag:s15] =	ssyncadd.s32 $0xFFFFC180  }
0x5d: {  	[spmem:s1] =	stream.indirect.scatter.add.f32 [tilespmem:s14], [sflag:$0x2], $0x80, s18, s12, $0xb8;
	[tilespmem:$0x17000] =	vst v63  }
0x5e: {  	_ =	swait.ge [sflag:s9], $0x3E80  }
0x5f: {  	s21 =	sadd.s32 $0x1, s21;
	[sflag:s9] =	ssyncset.done $0x0  }
0x60: {  	p1 =	sne.s32 s21, s8;
	[sflag:s9] =	ssyncadd.s32 $0xFFFFC180  }
.Ltmp1:
0x61: {  	[bflag:$0x0] =	sbarrier.arrive $0xFFFF;
	(pc) =	sbr.rel @p1 .LBB2_1-.Ltmp1, $4  }
0x62: {  	[hbm:s7], [sflag:s19] =	dma.local [spmem:s20], $0x1400  }
0x63: {  	_ =	swait.ge [sflag:s9], $0x1400  }
0x64: {  	[sflag:s9] =	ssyncset.done $0x0  }
0x65: {  	[sflag:s9] =	ssyncadd.s32 $0xFFFFEC00  }
0x66: {  	_ =	sfence.sel $0x180000  }
0x67: {  	[bflag:$0x0] =	sbarrier.arrive $0xFFFF  }
0x68: {  	_ =	strace $0x9000004D  }
0x69: {  	s0 =	sadd.s32 @!p0 $0x100000, s0;
	[bflag:$0x2] =	sbarrier.arrive $0xFFFF  }
0x6a: {  	[sflag:s0] =	ssyncadd.tile.s32 @!p0 $0x1;
	_ =	shalt  }
.Lfunc_end2:
_tile_overlayer_lowered:
.L_overlay_start_2:
0x6b: {  	(tag) =	ssettag $0x2  }
0x6c: {  	s0 =	rddreg [dreg:$0x0];
	s2 =	stileid.u32  }
0x6d: {  	s1 =	rddreg [dreg:$0x1];
	p0 =	sne.s32 s2, $0x0  }
0x6e: {  	s3 =	rddreg [dreg:$0x2];
	[bflag:$0x3] =	sbarrier.arrive $0xFFFF;
	s2 =	simm.s32 @!p0 $0x1C02  }
0x6f: {  	[timem:s3], [sflag:s2] =	dma.local @!p0 [hbm:s0], s1  }
0x70: {  	s0 =	simm.s32 @!p0 $0x2  }
0x71: {  	_ =	swait.ge @!p0 [sflag:s0], s1  }
0x72: {  	s1 =	ssub.s32 @!p0 $0x0, s1;
	[sflag:s0] =	ssyncset.done @!p0 $0x0  }
0x73: {  	[sflag:s0] =	ssyncadd.s32 @!p0 s1  }
0x74: {  	[bflag:$0x3] =	sbarrier.arrive $0xFFFF  }
0x75: {  	_ =	shalt  }

// kernel: kernel.22.cloned.1.call-start
scs
__scs_entry_jumppad:
0x0: {  	(pc) =	sbr.rel $0x88, $3  }
0x1: {  	(tag) =	ssettag $0x0;
	lr =	simm.s32 $0x1  }
0x2: {  	[smem:$0x3F9A] =	sst lr;
	_ =	strace $0xD0000000  }
0x3: {  	_ = 	snop  }
0x4: {  	_ = 	snop  }
0x5: {  	_ = 	snop  }
0x6: {  	_ = 	snop  }
0x7: {  	_ = 	snop  }
__scs_overlays_trampoline_lowered:
0x8: {  	[smem:$0x3FA9] =	sst s0  }
0x9: {  	[smem:$0x3FAA] =	sst s1  }
0xa: {  	[smem:$0x3FAB] =	sst s2  }
0xb: {  	[smem:$0x3FAC] =	sst s3  }
0xc: {  	[smem:$0x3FAD] =	sst s4  }
0xd: {  	[smem:$0x3FAE] =	sst s5  }
0xe: {  	[smem:$0x3FAF] =	sst s6  }
0xf: {  	[smem:$0x3FB0] =	sst s7  }
0x10: {  	[smem:$0x3FB1] =	sst s8  }
0x11: {  	[smem:$0x3FB2] =	sst s9;
	s0 =	simm.s32 @!p0 $0x0  }
0x12: {  	s1 =	sld [smem:$0x3F98];
	s0 =	simm.s32 @p0 $0x1  }
0x13: {  	[smem:$0x3FB3] =	sst s0;
	s0 =	simm.s32 @!p1 $0x0  }
0x14: {  	s2 =	sld [smem:$0x3F97];
	s0 =	simm.s32 @p1 $0x1  }
0x15: {  	[smem:$0x3FB4] =	sst s0;
	s0 =	simm.s32 @!p2 $0x0  }
0x16: {  	s3 =	sld [smem:$0x3FDB];
	s0 =	simm.s32 @p2 $0x1  }
0x17: {  	s4 =	simm.s32 $0x1BF5;
	[smem:$0x3FB6] =	sst s0  }
0x18: {  	s0 =	sld [smem:$0x3F99];
	_ =	swait.ge [sflag:s4], $0x0  }
0x19: {  	s7 =	sld [smem:$0x3F9A]  }
0x1a: {  	s8 =	sadd.s32 $0xFFFFE003, lr  }
0x1b: {  	s9 =	sadd.s32 $0xFFFFFEF7, lr;
	s5 =	simm.s32 $0xFFFFFFFF;
	p2 =	slt.u32 s8, $0xFFFFF086  }
0x1c: {  	p1 =	slt.u32 s9, $0xF7A;
	s5 =	simm.s32 @!p2 $0x0  }
0x1d: {  	s5 =	simm.s32 @p1 $0x1;
	p0 =	seq.s32 s7, s2  }
0x1e: {  	s7 =	smul.u32 @!p0 $0xF7A, s2;
	p2 =	seq.s32 @!p0 s5, $0x0  }
0x1f: {  	s9 =	smul.u32 $0xF7A, s1;
	s8 =	simm.s32 @!p0 $0x1BF5;
	p2 =	por !p2, p0  }
0x20: {  	[sflag:s8] =	ssyncset.s32 @!p0 $0xFFFFF086;
	s6 =	sadd.s32 @!p0 s3, s7;
	s7 =	simm.s32 @!p0 $0x108  }
0x21: {  	s3 =	sadd.s32 s3, s9;
	s6 =	sadd.s32 @!p0 $0x88, s6;
	s7 =	simm.s32 @p2 $0x1082  }
0x22: {  	[simem:s7], [sflag:s8] =	dma.local @!p0 [hbm:s6], $0xF7A  }
0x23: {  	s9 =	sor.u32 $0xD0000000, s2;
	s6 =	simm.s32 $0x108;
	_ =	swait.ge @!p0 [sflag:s8], $0x0  }
0x24: {  	s3 =	sadd.s32 $0x88, s3;
	s6 =	simm.s32 @!p1 $0x1082;
	[sflag:s4] =	ssyncset.s32 $0xFFFFF086  }
0x25: {  	[simem:s6], [sflag:s4] =	dma.local [hbm:s3], $0xF7A  }
0x26: {  	[smem:$0x3F9A] =	sst s1;
	(tag) =	ssettag s2;
	_ =	strace s9  }
0x27: {  	s1 =	sld [smem:$0x3FAA]  }
0x28: {  	s2 =	sld [smem:$0x3FAB]  }
0x29: {  	s4 =	sld [smem:$0x3FAD]  }
0x2a: {  	p0 =	seq.s32 s5, $0x0;
	s5 =	sld [smem:$0x3FAE]  }
0x2b: {  	s6 =	sld [smem:$0x3FAF]  }
0x2c: {  	s7 =	sld [smem:$0x3FB0]  }
0x2d: {  	s3 =	simm.s32 $0x108;
	s8 =	sld [smem:$0x3FB1]  }
0x2e: {  	s3 =	simm.s32 @!p0 $0x1082;
	s9 =	sld [smem:$0x3FB2]  }
0x2f: {  	lr =	sadd.s32 s0, s3;
	s0 =	sld [smem:$0x3FA9]  }
0x30: {  	s3 =	sld [smem:$0x3FAC]  }
0x31: {  	[smem:$0x3FB5] =	sst s10  }
0x32: {  	s10 =	sld [smem:$0x3FB3];
	_ =	sdelay $0x3  }
0x33: {  	p0 =	seq.s32 s10, $0x1;
	s10 =	sld [smem:$0x3FB5];
	_ =	sdelay $0x3  }
0x34: {  	[smem:$0x3FB5] =	sst s10  }
0x35: {  	s10 =	sld [smem:$0x3FB4];
	_ =	sdelay $0x3  }
0x36: {  	p1 =	seq.s32 s10, $0x1;
	s10 =	sld [smem:$0x3FB5];
	_ =	sdelay $0x3  }
0x37: {  	[smem:$0x3FB5] =	sst s10  }
0x38: {  	s10 =	sld [smem:$0x3FB6]  }
0x39: {  	_ = 	snop;
	(pc) =	sbr.ind lr, $3  }
0x3a: {  	_ = 	snop  }
0x3b: {  	_ = 	snop  }
0x3c: {  	p2 =	seq.s32 s10, $0x1;
	s10 =	sld [smem:$0x3FB5]  }
0x3d: {  	_ =	shalt  }
0x3e: {  	_ =	shalt  }
0x3f: {  	_ =	shalt  }
0x40: {  	_ =	shalt  }
0x41: {  	_ =	shalt  }
0x42: {  	_ =	shalt  }
0x43: {  	_ =	shalt  }
0x44: {  	_ =	shalt  }
0x45: {  	_ =	shalt  }
0x46: {  	_ =	shalt  }
0x47: {  	_ =	shalt  }
0x48: {  	_ =	shalt  }
0x49: {  	_ =	shalt  }
0x4a: {  	_ =	shalt  }
0x4b: {  	_ =	shalt  }
0x4c: {  	_ =	shalt  }
0x4d: {  	_ =	shalt  }
0x4e: {  	_ =	shalt  }
0x4f: {  	_ =	shalt  }
0x50: {  	_ =	shalt  }
0x51: {  	_ =	shalt  }
0x52: {  	_ =	shalt  }
0x53: {  	_ =	shalt  }
0x54: {  	_ =	shalt  }
0x55: {  	_ =	shalt  }
0x56: {  	_ =	shalt  }
0x57: {  	_ =	shalt  }
0x58: {  	_ =	shalt  }
0x59: {  	_ =	shalt  }
0x5a: {  	_ =	shalt  }
0x5b: {  	_ =	shalt  }
0x5c: {  	_ =	shalt  }
0x5d: {  	_ =	shalt  }
0x5e: {  	_ =	shalt  }
0x5f: {  	_ =	shalt  }
0x60: {  	_ =	shalt  }
0x61: {  	_ =	shalt  }
0x62: {  	_ =	shalt  }
0x63: {  	_ =	shalt  }
0x64: {  	_ =	shalt  }
0x65: {  	_ =	shalt  }
0x66: {  	_ =	shalt  }
0x67: {  	_ =	shalt  }
0x68: {  	_ =	shalt  }
0x69: {  	_ =	shalt  }
0x6a: {  	_ =	shalt  }
0x6b: {  	_ =	shalt  }
0x6c: {  	_ =	shalt  }
0x6d: {  	_ =	shalt  }
0x6e: {  	_ =	shalt  }
0x6f: {  	_ =	shalt  }
0x70: {  	_ =	shalt  }
0x71: {  	_ =	shalt  }
0x72: {  	_ =	shalt  }
0x73: {  	_ =	shalt  }
0x74: {  	_ =	shalt  }
0x75: {  	_ =	shalt  }
0x76: {  	_ =	shalt  }
0x77: {  	_ =	shalt  }
0x78: {  	_ =	shalt  }
0x79: {  	_ =	shalt  }
0x7a: {  	_ =	shalt  }
0x7b: {  	_ =	shalt  }
0x7c: {  	_ =	shalt  }
0x7d: {  	_ =	shalt  }
0x7e: {  	_ =	shalt  }
0x7f: {  	_ =	shalt  }
0x80: {  	_ =	shalt  }
0x81: {  	_ =	shalt  }
0x82: {  	_ =	shalt  }
0x83: {  	_ =	shalt  }
0x84: {  	_ =	shalt  }
0x85: {  	_ =	shalt  }
0x86: {  	_ =	shalt  }
0x87: {  	_ =	shalt  }
.Lfunc_end0:
.L_simem_size_0:
called_computation.3_lowered:
.L_overlay_start_0:
0x88: {  	s2 =	sld [smem:$0x3FD9]  }
0x89: {  	s3 =	sld [smem:$0x3FFE];
	_ =	sdelay $0x1  }
0x8a: {  	s1 =	srdreg.scid  }
0x8b: {  	s0 =	sand.u32 $0x1, s1  }
0x8c: {  	s17 =	sshll.u32 s0, $0xA;
	s2 =	sadd.s32 s3, s2  }
0x8d: {  	s2 =	sadd.s32 s2, s17  }
0x8e: {  	[smem:$0x3FC1] =	sst s2  }
0x8f: {  	_ = 	snop  }
0x90: {  	s2 =	sld [smem:$0x3FD0];
	(tm) =	ssettm $0x1  }
0x91: {  	s18 =	sld [smem:$0x3FFB];
	_ =	sdelay $0x3  }
0x92: {  	_ =	strace s18  }
0x93: {  	s3 =	sld [smem:$0x3FFC];
	_ =	sdelay $0x3  }
0x94: {  	_ =	strace s3  }
0x95: {  	s3 =	sld [smem:$0x3FFD];
	_ =	sdelay $0x3  }
0x96: {  	_ =	strace s3  }
0x97: {  	_ =	strace $0x8FFFFFFF  }
0x98: {  	s19 =	sld [smem:$0x3FDB];
	_ =	sdelay $0x1  }
0x99: {  	s4 =	simm.s32 $_scs_section_size  }
0x9a: {  	s5 =	simm.s32 $_size__tile_overlayer_lowered;
	s6 =	simm.s32 $_tile_overlayer_lowered  }
0x9b: {  	s22 =	simm.s32 $0x1BFF;
	s21 =	sshll.u32 s6, $0x1;
	s3 =	sadd.s32 s4, s19  }
0x9c: {  	s7 =	simm.s32 $0x0;
	s20 =	sshll.u32 s5, $0x1;
	s5 =	sadd.s32 s21, s3  }
0x9d: {  	[timem:s7], [sflag:s22] =	dma.local [hbm:s5], s20  }
0x9e: {  	_ =	swait.ge [sflag:s22], s20  }
0x9f: {  	s4 =	ssub.s32 $0x0, s20;
	[sflag:s22] =	ssyncset.done $0x0  }
0xa0: {  	[sflag:s22] =	ssyncadd.s32 s4;
	_ =	sdelay $0x1  }
0xa1: {  	s23 =	simm.s32 $0x1B8B  }
0xa2: {  	_ =	swait.ge [sflag:s23], $0x1  }
0xa3: {  	[sflag:s23] =	ssyncset.done $0x0  }
0xa4: {  	s25 =	simm.s32 $0x1B8E;
	s24 =	sld [smem:$0x3FFE];
	[sflag:s23] =	ssyncadd.s32 $0xFFFFFFFF  }
0xa5: {  	s26 =	simm.s32 $execute0_lowered;
	[smem:$0x3FD2] =	sst s25  }
0xa6: {  	s5 =	sshll.u32 s26, $0x1;
	_ =	strace $0x8000004F;
	[dreg:$0x1] =	wrdreg $0xFFFFFFFF  }
0xa7: {  	s28 =	simm.s32 $_size_execute0_lowered;
	s3 =	sadd.s32 s3, s5;
	[dreg:$0x0] =	wrdreg $0x0  }
0xa8: {  	s5 =	sshll.u32 s28, $0x1;
	[dreg:$0x2] =	wrdreg s3  }
0xa9: {  	[dreg:$0x3] =	wrdreg s5  }
0xaa: {  	[dreg:$0x4] =	wrdreg $0xC0  }
0xab: {  	_ =	task [dreg:s7], $0x5FFFF  }
0xac: {  	[dreg:$0x1] =	wrdreg $0xFFFFFFFF  }
0xad: {  	[dreg:$0x0] =	wrdreg $0x60  }
0xae: {  	[dreg:$0x2] =	wrdreg s24  }
0xaf: {  	[dreg:$0x3] =	wrdreg s2  }
0xb0: {  	[dreg:$0x4] =	wrdreg $0x90000  }
0xb1: {  	[dreg:$0x5] =	wrdreg $0x9  }
0xb2: {  	_ =	task.clear_ibuf [dreg:s7], $0x6FFFF;
	_ =	strace $0x9000004F  }
0xb3: {  	s29 =	simm.s32 $0x9;
	_ =	strace $0x80000051  }
0xb4: {  	_ =	swait.ge [sflag:s29], $0x1  }
0xb5: {  	[sflag:s29] =	ssyncadd.s32 $0xFFFFFFFF  }
0xb6: {  	_ =	strace $0x90000051  }
0xb7: {  	_ =	sfence  }
0xb8: {  	s30 =	sld [smem:$0x0];
	_ =	sdelay $0x2  }
0xb9: {  	s31 =	sshll.u32 s1, $0xD;
	s1 =	sshrl.u32 s1, $0x2  }
0xba: {  	s3 =	sand.u32 $0x4000, s31;
	s1 =	sadd.s32 s1, s30  }
0xbb: {  	s0 =	sor.u32 s3, s0;
	s1 =	sshll.u32 s1, $0x11  }
0xbc: {  	s0 =	sor.u32 s1, s0  }
0xbd: {  	s0 =	sadd.s32 $0x8F2B, s0  }
0xbe: {  	[sflag:s0] =	ssyncadd.remote.s32 $0x1  }
0xbf: {  	_ =	sfence.sel $0xFFFF  }
0xc0: {  	[dreg:$0x0] =	wrdreg $0xFFFFFFFF;
	(pc) =	sbr.abs _section_cstart, $3  }
0xc1: {  	[dreg:$0x1] =	wrdreg $0xFFFFFFFF  }
0xc2: {  	_ =	task.clear_ibuf [dreg:s7], $0x2FFFF;
	_ =	strace $0x9FFFFFFF  }
0xc3: {  	(tm) =	ssettm $0x7FFFFFFF  }
tec
execute0_lowered:
.L_overlay_start_1:
0x0: {  	(tag) =	ssettag $0x1  }
0x1: {  	s5 =	rddreg [dreg:$0x0]  }
0x2: {  	s0 =	srdreg.scid;
	s6 =	rddreg [dreg:$0x1]  }
0x3: {  	s15 =	stileid.u32;
	s1 =	rddreg [dreg:$0x2];
	s2 =	simm.s32 $0x0  }
0x4: {  	s12 =	simm.s32 $0x7D;
	s13 =	simm.s32 $0x5000;
	s14 =	simm.s32 $0x1  }
0x5: {  	s17 =	simm.s32 $0x0;
	s4 =	sand.u32 $0x1, s0;
	s9 =	smul.u32 $0x13C00, s15  }
0x6: {  	[smem:$0x7FF] =	sst s2;
	s3 =	sadd.s32 $0x21C00, s5;
	s11 =	smul.u32 $0x4F000, s15  }
0x7: {  	p0 =	sne.s32 s15, $0x0;
	s0 =	sshll.u32 s4, $0x4;
	s8 =	smul.u32 $0x13C000, s4  }
0x8: {  	s29 =	ssub.s32 $0x2, s4;
	s4 =	sadd.s32 $0x4A400, s5;
	s0 =	sor.u32 s15, s0  }
0x9: {  	s30 =	sshrl.u32 s29, $0x1;
	s31 =	sshrl.u32 s11, $0x2;
	s11 =	sshrl.u32 @!p0 s1, $0x3  }
0xa: {  	s15 =	sshll.u32 s15, $0x6;
	s7 =	smul.u32 $0x500, s0;
	s0 =	rddreg [dreg:$0x3]  }
0xb: {  	_ =	strace $0x80000050;
	s8 =	sadd.s32 s9, s8;
	s9 =	ssub.s32 s29, s30  }
0xc: {  	s16 =	sadd.s32 s31, s1;
	s15 =	sor.u32 $0x1C02, s15;
	s8 =	sshrl.u32 s8, $0x3  }
0xd: {  	s16 =	sshrl.u32 s16, $0x3;
	s10 =	sadd.s32 s7, s5;
	s8 =	sadd.s32 s8, s5  }
0xe: {  	s6 =	sadd.s32 s6, s7;
	s5 =	sadd.s32 $0x3C00, s10;
	s7 =	sadd.s32 $0x71C00, s8  }
0xf: {  	s8 =	smax.u32 s9, $0x1;
	s9 =	simm.s32 $0x2;
	s10 =	simm.s32 $0x2800  }
.LBB2_1:
0x10: {  	[tilespmem:s2], [sflag:$0x2] =	stream.linear.gather [hbm4b:s5+s2], $0x2800, $0x38;
	[tilespmem:$0x1CC00] =	vst v63  }
0x11: {  	_ =	swait.ge [sflag:s9], $0x2800  }
0x12: {  	[sflag:s9] =	ssyncset.done $0x0  }
0x13: {  	[sflag:s9] =	ssyncadd.s32 $0xFFFFD800  }
0x14: {  	[tilespmem:s10], [sflag:$0x2] =	stream.linear.gather [hbm4b:s6+s2], $0x2800, $0x38;
	[tilespmem:$0x1CC00] =	vst v63  }
0x15: {  	_ =	swait.ge [sflag:s9], $0x2800  }
0x16: {  	[sflag:s9] =	ssyncset.done $0x0  }
0x17: {  	s18 =	simm.s32 @!p0 $0x1C02;
	[sflag:s9] =	ssyncadd.s32 $0xFFFFD800  }
0x18: {  	[spmem:s11], [sflag:s18] =	dma.local @!p0 [hbm:s4], $0x27800  }
0x19: {  	s18 =	simm.s32 @!p0 $0x2  }
0x1a: {  	_ =	swait.ge @!p0 [sflag:s18], $0x27800  }
0x1b: {  	[sflag:s18] =	ssyncset.done @!p0 $0x0  }
0x1c: {  	[sflag:s18] =	ssyncadd.s32 @!p0 $0xFFFD8800  }
0x1d: {  	s30 =	simm.s32 $0x0;
	[bflag:$0x0] =	sbarrier.arrive $0xFFFF  }
0x1e: {  	[tilespmem:s13], [sflag:$0x1] =	stream.indirect.gather [hbm4b:s3+s12], $0x80, s30, s12, $0xb8;
	[tilespmem:$0x1CC00] =	vst v63  }
0x1f: {  	_ =	swait.ge [sflag:s14], $0x3E80  }
0x20: {  	[sflag:s14] =	ssyncset.done $0x0  }
0x21: {  	s31 =	simm.s32 $0x2800;
	[sflag:s14] =	ssyncadd.s32 $0xFFFFC180  }
0x22: {  	[spmem:s1] =	stream.indirect.scatter.add.f32 [tilespmem:s13], [sflag:$0x2], $0x80, s31, s12, $0xb8;
	[tilespmem:$0x1CC00] =	vst v63  }
0x23: {  	_ =	swait.ge [sflag:s9], $0x3E80  }
0x24: {  	s19 =	simm.s32 $0x400;
	s18 =	simm.s32 $0x200;
	[sflag:s9] =	ssyncset.done $0x0  }
.LBB2_2:
0x25: {  	s20 =	sshra.s32 s18, $0x2  }
0x26: {  	[sflag:s9] =	ssyncadd.s32 $0xFFFFC180;
	s18 =	smov.u32 s19;
	s21 =	sadd.s32 $0x200, s19  }
0x27: {  	[tilespmem:s13], [sflag:$0x1] =	stream.indirect.gather [hbm4b:s3+s12], $0x80, s20, s12, $0xb8;
	[tilespmem:$0x1CC00] =	vst v63  }
0x28: {  	p1 =	sne.s32 s19, $0x9E00;
	_ =	swait.ge [sflag:s14], $0x3E80  }
.Ltmp0:
0x29: {  	[sflag:s14] =	ssyncset.done $0x0;
	(pc) =	sbr.rel @p1 .LBB2_2-.Ltmp0, $4  }
0x2a: {  	s19 =	sadd.s32 $0x2800, s20;
	[sflag:s14] =	ssyncadd.s32 $0xFFFFC180  }
0x2b: {  	[spmem:s1] =	stream.indirect.scatter.add.f32 [tilespmem:s13], [sflag:$0x2], $0x80, s19, s12, $0xb8;
	[tilespmem:$0x1CC00] =	vst v63  }
0x2c: {  	_ =	swait.ge [sflag:s9], $0x3E80  }
0x2d: {  	s19 =	smov.u32 s21;
	[sflag:s9] =	ssyncset.done $0x0  }
0x2e: {  	s18 =	sshra.s32 s18, $0x2;
	[sflag:s9] =	ssyncadd.s32 $0xFFFFC180  }
0x2f: {  	[tilespmem:s13], [sflag:$0x1] =	stream.indirect.gather [hbm4b:s3+s12], $0x80, s18, s12, $0xb8;
	[tilespmem:$0x1CC00] =	vst v63  }
0x30: {  	_ =	swait.ge [sflag:s14], $0x3E80  }
0x31: {  	[sflag:s14] =	ssyncset.done $0x0  }
0x32: {  	s18 =	sadd.s32 $0x2800, s18;
	[sflag:s14] =	ssyncadd.s32 $0xFFFFC180  }
0x33: {  	[spmem:s1] =	stream.indirect.scatter.add.f32 [tilespmem:s13], [sflag:$0x2], $0x80, s18, s12, $0xb8;
	[tilespmem:$0x1CC00] =	vst v63  }
0x34: {  	_ =	swait.ge [sflag:s9], $0x3E80  }
0x35: {  	s17 =	sadd.s32 $0x1, s17;
	[sflag:s9] =	ssyncset.done $0x0  }
0x36: {  	p1 =	sne.s32 s17, s8;
	[sflag:s9] =	ssyncadd.s32 $0xFFFFC180  }
.Ltmp1:
0x37: {  	[bflag:$0x0] =	sbarrier.arrive $0xFFFF;
	(pc) =	sbr.rel @p1 .LBB2_1-.Ltmp1, $4  }
0x38: {  	[hbm:s7], [sflag:s15] =	dma.local [spmem:s16], $0x2780  }
0x39: {  	_ =	swait.ge [sflag:s9], $0x2780  }
0x3a: {  	[sflag:s9] =	ssyncset.done $0x0  }
0x3b: {  	[sflag:s9] =	ssyncadd.s32 $0xFFFFD880  }
0x3c: {  	_ =	sfence.sel $0x180000  }
0x3d: {  	[bflag:$0x0] =	sbarrier.arrive $0xFFFF  }
0x3e: {  	_ =	strace $0x90000050  }
0x3f: {  	s0 =	sadd.s32 @!p0 $0x100000, s0;
	[bflag:$0x2] =	sbarrier.arrive $0xFFFF  }
0x40: {  	[sflag:s0] =	ssyncadd.tile.s32 @!p0 $0x1;
	_ =	shalt  }
.Lfunc_end2:
_tile_overlayer_lowered:
.L_overlay_start_2:
0x41: {  	(tag) =	ssettag $0x2  }
0x42: {  	s0 =	rddreg [dreg:$0x0];
	s2 =	stileid.u32  }
0x43: {  	s1 =	rddreg [dreg:$0x1];
	p0 =	sne.s32 s2, $0x0  }
0x44: {  	s3 =	rddreg [dreg:$0x2];
	[bflag:$0x3] =	sbarrier.arrive $0xFFFF;
	s2 =	simm.s32 @!p0 $0x1C02  }
0x45: {  	[timem:s3], [sflag:s2] =	dma.local @!p0 [hbm:s0], s1  }
0x46: {  	s0 =	simm.s32 @!p0 $0x2  }
0x47: {  	_ =	swait.ge @!p0 [sflag:s0], s1  }
0x48: {  	s1 =	ssub.s32 @!p0 $0x0, s1;
	[sflag:s0] =	ssyncset.done @!p0 $0x0  }
0x49: {  	[sflag:s0] =	ssyncadd.s32 @!p0 s1  }
0x4a: {  	[bflag:$0x3] =	sbarrier.arrive $0xFFFF  }
0x4b: {  	_ =	shalt  }

// kernel: kernel.25.cloned.1.call-start
scs
__scs_entry_jumppad:
0x0: {  	(pc) =	sbr.rel $0x88, $3  }
0x1: {  	(tag) =	ssettag $0x0;
	lr =	simm.s32 $0x1  }
0x2: {  	[smem:$0x3F9A] =	sst lr;
	_ =	strace $0xD0000000  }
0x3: {  	_ = 	snop  }
0x4: {  	_ = 	snop  }
0x5: {  	_ = 	snop  }
0x6: {  	_ = 	snop  }
0x7: {  	_ = 	snop  }
__scs_overlays_trampoline_lowered:
0x8: {  	[smem:$0x3FA9] =	sst s0  }
0x9: {  	[smem:$0x3FAA] =	sst s1  }
0xa: {  	[smem:$0x3FAB] =	sst s2  }
0xb: {  	[smem:$0x3FAC] =	sst s3  }
0xc: {  	[smem:$0x3FAD] =	sst s4  }
0xd: {  	[smem:$0x3FAE] =	sst s5  }
0xe: {  	[smem:$0x3FAF] =	sst s6  }
0xf: {  	[smem:$0x3FB0] =	sst s7  }
0x10: {  	[smem:$0x3FB1] =	sst s8  }
0x11: {  	[smem:$0x3FB2] =	sst s9;
	s0 =	simm.s32 @!p0 $0x0  }
0x12: {  	s1 =	sld [smem:$0x3F98];
	s0 =	simm.s32 @p0 $0x1  }
0x13: {  	[smem:$0x3FB3] =	sst s0;
	s0 =	simm.s32 @!p1 $0x0  }
0x14: {  	s2 =	sld [smem:$0x3F97];
	s0 =	simm.s32 @p1 $0x1  }
0x15: {  	[smem:$0x3FB4] =	sst s0;
	s0 =	simm.s32 @!p2 $0x0  }
0x16: {  	s3 =	sld [smem:$0x3FDB];
	s0 =	simm.s32 @p2 $0x1  }
0x17: {  	s4 =	simm.s32 $0x1BF5;
	[smem:$0x3FB6] =	sst s0  }
0x18: {  	s0 =	sld [smem:$0x3F99];
	_ =	swait.ge [sflag:s4], $0x0  }
0x19: {  	s7 =	sld [smem:$0x3F9A]  }
0x1a: {  	s8 =	sadd.s32 $0xFFFFE003, lr  }
0x1b: {  	s9 =	sadd.s32 $0xFFFFFEF7, lr;
	s5 =	simm.s32 $0xFFFFFFFF;
	p2 =	slt.u32 s8, $0xFFFFF086  }
0x1c: {  	p1 =	slt.u32 s9, $0xF7A;
	s5 =	simm.s32 @!p2 $0x0  }
0x1d: {  	s5 =	simm.s32 @p1 $0x1;
	p0 =	seq.s32 s7, s2  }
0x1e: {  	s7 =	smul.u32 @!p0 $0xF7A, s2;
	p2 =	seq.s32 @!p0 s5, $0x0  }
0x1f: {  	s9 =	smul.u32 $0xF7A, s1;
	s8 =	simm.s32 @!p0 $0x1BF5;
	p2 =	por !p2, p0  }
0x20: {  	[sflag:s8] =	ssyncset.s32 @!p0 $0xFFFFF086;
	s6 =	sadd.s32 @!p0 s3, s7;
	s7 =	simm.s32 @!p0 $0x108  }
0x21: {  	s3 =	sadd.s32 s3, s9;
	s6 =	sadd.s32 @!p0 $0x88, s6;
	s7 =	simm.s32 @p2 $0x1082  }
0x22: {  	[simem:s7], [sflag:s8] =	dma.local @!p0 [hbm:s6], $0xF7A  }
0x23: {  	s9 =	sor.u32 $0xD0000000, s2;
	s6 =	simm.s32 $0x108;
	_ =	swait.ge @!p0 [sflag:s8], $0x0  }
0x24: {  	s3 =	sadd.s32 $0x88, s3;
	s6 =	simm.s32 @!p1 $0x1082;
	[sflag:s4] =	ssyncset.s32 $0xFFFFF086  }
0x25: {  	[simem:s6], [sflag:s4] =	dma.local [hbm:s3], $0xF7A  }
0x26: {  	[smem:$0x3F9A] =	sst s1;
	(tag) =	ssettag s2;
	_ =	strace s9  }
0x27: {  	s1 =	sld [smem:$0x3FAA]  }
0x28: {  	s2 =	sld [smem:$0x3FAB]  }
0x29: {  	s4 =	sld [smem:$0x3FAD]  }
0x2a: {  	p0 =	seq.s32 s5, $0x0;
	s5 =	sld [smem:$0x3FAE]  }
0x2b: {  	s6 =	sld [smem:$0x3FAF]  }
0x2c: {  	s7 =	sld [smem:$0x3FB0]  }
0x2d: {  	s3 =	simm.s32 $0x108;
	s8 =	sld [smem:$0x3FB1]  }
0x2e: {  	s3 =	simm.s32 @!p0 $0x1082;
	s9 =	sld [smem:$0x3FB2]  }
0x2f: {  	lr =	sadd.s32 s0, s3;
	s0 =	sld [smem:$0x3FA9]  }
0x30: {  	s3 =	sld [smem:$0x3FAC]  }
0x31: {  	[smem:$0x3FB5] =	sst s10  }
0x32: {  	s10 =	sld [smem:$0x3FB3];
	_ =	sdelay $0x3  }
0x33: {  	p0 =	seq.s32 s10, $0x1;
	s10 =	sld [smem:$0x3FB5];
	_ =	sdelay $0x3  }
0x34: {  	[smem:$0x3FB5] =	sst s10  }
0x35: {  	s10 =	sld [smem:$0x3FB4];
	_ =	sdelay $0x3  }
0x36: {  	p1 =	seq.s32 s10, $0x1;
	s10 =	sld [smem:$0x3FB5];
	_ =	sdelay $0x3  }
0x37: {  	[smem:$0x3FB5] =	sst s10  }
0x38: {  	s10 =	sld [smem:$0x3FB6]  }
0x39: {  	_ = 	snop;
	(pc) =	sbr.ind lr, $3  }
0x3a: {  	_ = 	snop  }
0x3b: {  	_ = 	snop  }
0x3c: {  	p2 =	seq.s32 s10, $0x1;
	s10 =	sld [smem:$0x3FB5]  }
0x3d: {  	_ =	shalt  }
0x3e: {  	_ =	shalt  }
0x3f: {  	_ =	shalt  }
0x40: {  	_ =	shalt  }
0x41: {  	_ =	shalt  }
0x42: {  	_ =	shalt  }
0x43: {  	_ =	shalt  }
0x44: {  	_ =	shalt  }
0x45: {  	_ =	shalt  }
0x46: {  	_ =	shalt  }
0x47: {  	_ =	shalt  }
0x48: {  	_ =	shalt  }
0x49: {  	_ =	shalt  }
0x4a: {  	_ =	shalt  }
0x4b: {  	_ =	shalt  }
0x4c: {  	_ =	shalt  }
0x4d: {  	_ =	shalt  }
0x4e: {  	_ =	shalt  }
0x4f: {  	_ =	shalt  }
0x50: {  	_ =	shalt  }
0x51: {  	_ =	shalt  }
0x52: {  	_ =	shalt  }
0x53: {  	_ =	shalt  }
0x54: {  	_ =	shalt  }
0x55: {  	_ =	shalt  }
0x56: {  	_ =	shalt  }
0x57: {  	_ =	shalt  }
0x58: {  	_ =	shalt  }
0x59: {  	_ =	shalt  }
0x5a: {  	_ =	shalt  }
0x5b: {  	_ =	shalt  }
0x5c: {  	_ =	shalt  }
0x5d: {  	_ =	shalt  }
0x5e: {  	_ =	shalt  }
0x5f: {  	_ =	shalt  }
0x60: {  	_ =	shalt  }
0x61: {  	_ =	shalt  }
0x62: {  	_ =	shalt  }
0x63: {  	_ =	shalt  }
0x64: {  	_ =	shalt  }
0x65: {  	_ =	shalt  }
0x66: {  	_ =	shalt  }
0x67: {  	_ =	shalt  }
0x68: {  	_ =	shalt  }
0x69: {  	_ =	shalt  }
0x6a: {  	_ =	shalt  }
0x6b: {  	_ =	shalt  }
0x6c: {  	_ =	shalt  }
0x6d: {  	_ =	shalt  }
0x6e: {  	_ =	shalt  }
0x6f: {  	_ =	shalt  }
0x70: {  	_ =	shalt  }
0x71: {  	_ =	shalt  }
0x72: {  	_ =	shalt  }
0x73: {  	_ =	shalt  }
0x74: {  	_ =	shalt  }
0x75: {  	_ =	shalt  }
0x76: {  	_ =	shalt  }
0x77: {  	_ =	shalt  }
0x78: {  	_ =	shalt  }
0x79: {  	_ =	shalt  }
0x7a: {  	_ =	shalt  }
0x7b: {  	_ =	shalt  }
0x7c: {  	_ =	shalt  }
0x7d: {  	_ =	shalt  }
0x7e: {  	_ =	shalt  }
0x7f: {  	_ =	shalt  }
0x80: {  	_ =	shalt  }
0x81: {  	_ =	shalt  }
0x82: {  	_ =	shalt  }
0x83: {  	_ =	shalt  }
0x84: {  	_ =	shalt  }
0x85: {  	_ =	shalt  }
0x86: {  	_ =	shalt  }
0x87: {  	_ =	shalt  }
.Lfunc_end0:
.L_simem_size_0:
called_computation.4_lowered:
.L_overlay_start_0:
0x88: {  	s2 =	sld [smem:$0x3FD9]  }
0x89: {  	s3 =	sld [smem:$0x3FFE];
	_ =	sdelay $0x1  }
0x8a: {  	s1 =	srdreg.scid  }
0x8b: {  	s0 =	sand.u32 $0x1, s1  }
0x8c: {  	s17 =	sshll.u32 s0, $0xA;
	s2 =	sadd.s32 s3, s2  }
0x8d: {  	s2 =	sadd.s32 s2, s17  }
0x8e: {  	[smem:$0x3FC1] =	sst s2  }
0x8f: {  	_ = 	snop  }
0x90: {  	s2 =	sld [smem:$0x3FD0];
	(tm) =	ssettm $0x1  }
0x91: {  	s18 =	sld [smem:$0x3FFB];
	_ =	sdelay $0x3  }
0x92: {  	_ =	strace s18  }
0x93: {  	s3 =	sld [smem:$0x3FFC];
	_ =	sdelay $0x3  }
0x94: {  	_ =	strace s3  }
0x95: {  	s3 =	sld [smem:$0x3FFD];
	_ =	sdelay $0x3  }
0x96: {  	_ =	strace s3  }
0x97: {  	_ =	strace $0x8FFFFFFF  }
0x98: {  	s19 =	sld [smem:$0x3FDB];
	_ =	sdelay $0x1  }
0x99: {  	s4 =	simm.s32 $_scs_section_size  }
0x9a: {  	s5 =	simm.s32 $_size__tile_overlayer_lowered;
	s6 =	simm.s32 $_tile_overlayer_lowered  }
0x9b: {  	s22 =	simm.s32 $0x1BFF;
	s21 =	sshll.u32 s6, $0x1;
	s3 =	sadd.s32 s4, s19  }
0x9c: {  	s7 =	simm.s32 $0x0;
	s20 =	sshll.u32 s5, $0x1;
	s5 =	sadd.s32 s21, s3  }
0x9d: {  	[timem:s7], [sflag:s22] =	dma.local [hbm:s5], s20  }
0x9e: {  	_ =	swait.ge [sflag:s22], s20  }
0x9f: {  	s4 =	ssub.s32 $0x0, s20;
	[sflag:s22] =	ssyncset.done $0x0  }
0xa0: {  	[sflag:s22] =	ssyncadd.s32 s4;
	_ =	sdelay $0x1  }
0xa1: {  	s23 =	simm.s32 $0x1B8B  }
0xa2: {  	_ =	swait.ge [sflag:s23], $0x1  }
0xa3: {  	[sflag:s23] =	ssyncset.done $0x0  }
0xa4: {  	s25 =	simm.s32 $0x1B8E;
	s24 =	sld [smem:$0x3FFE];
	[sflag:s23] =	ssyncadd.s32 $0xFFFFFFFF  }
0xa5: {  	s26 =	simm.s32 $execute0_lowered;
	[smem:$0x3FD2] =	sst s25  }
0xa6: {  	s5 =	sshll.u32 s26, $0x1;
	_ =	strace $0x80000052;
	[dreg:$0x1] =	wrdreg $0xFFFFFFFF  }
0xa7: {  	s28 =	simm.s32 $_size_execute0_lowered;
	s3 =	sadd.s32 s3, s5;
	[dreg:$0x0] =	wrdreg $0x0  }
0xa8: {  	s5 =	sshll.u32 s28, $0x1;
	[dreg:$0x2] =	wrdreg s3  }
0xa9: {  	[dreg:$0x3] =	wrdreg s5  }
0xaa: {  	[dreg:$0x4] =	wrdreg $0xC0  }
0xab: {  	_ =	task [dreg:s7], $0x5FFFF  }
0xac: {  	[dreg:$0x1] =	wrdreg $0xFFFFFFFF  }
0xad: {  	[dreg:$0x0] =	wrdreg $0x60  }
0xae: {  	[dreg:$0x2] =	wrdreg s24  }
0xaf: {  	[dreg:$0x3] =	wrdreg s2  }
0xb0: {  	[dreg:$0x4] =	wrdreg $0xD0000  }
0xb1: {  	[dreg:$0x5] =	wrdreg $0x9  }
0xb2: {  	_ =	task.clear_ibuf [dreg:s7], $0x6FFFF;
	_ =	strace $0x90000052  }
0xb3: {  	s29 =	simm.s32 $0x9;
	_ =	strace $0x80000054  }
0xb4: {  	_ =	swait.ge [sflag:s29], $0x1  }
0xb5: {  	[sflag:s29] =	ssyncadd.s32 $0xFFFFFFFF  }
0xb6: {  	_ =	strace $0x90000054  }
0xb7: {  	_ =	sfence  }
0xb8: {  	s30 =	sld [smem:$0x0];
	_ =	sdelay $0x2  }
0xb9: {  	s31 =	sshll.u32 s1, $0xD;
	s1 =	sshrl.u32 s1, $0x2  }
0xba: {  	s3 =	sand.u32 $0x4000, s31;
	s1 =	sadd.s32 s1, s30  }
0xbb: {  	s0 =	sor.u32 s3, s0;
	s1 =	sshll.u32 s1, $0x11  }
0xbc: {  	s0 =	sor.u32 s1, s0  }
0xbd: {  	s0 =	sadd.s32 $0x8F2B, s0  }
0xbe: {  	[sflag:s0] =	ssyncadd.remote.s32 $0x1  }
0xbf: {  	_ =	sfence.sel $0xFFFF  }
0xc0: {  	[dreg:$0x0] =	wrdreg $0xFFFFFFFF;
	(pc) =	sbr.abs _section_cstart, $3  }
0xc1: {  	[dreg:$0x1] =	wrdreg $0xFFFFFFFF  }
0xc2: {  	_ =	task.clear_ibuf [dreg:s7], $0x2FFFF;
	_ =	strace $0x9FFFFFFF  }
0xc3: {  	(tm) =	ssettm $0x7FFFFFFF  }
tec
execute0_lowered:
.L_overlay_start_1:
0x0: {  	(tag) =	ssettag $0x1  }
0x1: {  	s0 =	srdreg.scid;
	s5 =	rddreg [dreg:$0x0]  }
0x2: {  	s19 =	stileid.u32;
	s6 =	rddreg [dreg:$0x1]  }
0x3: {  	s1 =	rddreg [dreg:$0x2];
	s2 =	simm.s32 $0x0;
	s13 =	simm.s32 $0x5000  }
0x4: {  	s14 =	simm.s32 $0x9000;
	s15 =	simm.s32 $0x1;
	s16 =	simm.s32 $0x2780  }
0x5: {  	s17 =	simm.s32 $0x4F00;
	s18 =	simm.s32 $0x4F80;
	s21 =	simm.s32 $0x0  }
0x6: {  	s4 =	sand.u32 $0x1, s0;
	[smem:$0x7FF] =	sst s2;
	s9 =	smul.u32 $0xA000, s19  }
0x7: {  	s3 =	sadd.s32 $0x21C00, s5;
	s12 =	smul.u32 $0x28000, s19;
	p0 =	sne.s32 s19, $0x0  }
0x8: {  	s0 =	sshll.u32 s4, $0x4;
	s8 =	smul.u32 $0xA0000, s4;
	s30 =	ssub.s32 $0x2, s4  }
0x9: {  	s4 =	sadd.s32 $0xDC00, s5;
	s0 =	sor.u32 s19, s0;
	s11 =	sshrl.u32 s30, $0x1  }
0xa: {  	s31 =	sshrl.u32 s12, $0x2;
	s12 =	simm.s32 $0x7D;
	s19 =	sshll.u32 s19, $0x6  }
0xb: {  	s7 =	smul.u32 $0x500, s0;
	s0 =	rddreg [dreg:$0x3];
	_ =	strace $0x80000053  }
0xc: {  	s8 =	sadd.s32 s9, s8;
	s9 =	ssub.s32 s30, s11;
	s20 =	sadd.s32 s31, s1  }
0xd: {  	s11 =	sshrl.u32 @!p0 s1, $0x3;
	s19 =	sor.u32 $0x1C02, s19;
	s8 =	sshrl.u32 s8, $0x3  }
0xe: {  	s20 =	sshrl.u32 s20, $0x3;
	s10 =	sadd.s32 s7, s5;
	s8 =	sadd.s32 s8, s5  }
0xf: {  	s5 =	sadd.s32 s6, s7;
	s6 =	sadd.s32 $0x3C00, s10;
	s7 =	sadd.s32 $0x48E00, s8  }
0x10: {  	s8 =	smax.u32 s9, $0x1;
	s9 =	simm.s32 $0x2;
	s10 =	simm.s32 $0x2800  }
.LBB2_1:
0x11: {  	[tilespmem:s2], [sflag:$0x2] =	stream.linear.gather [hbm4b:s5+s2], $0x2800, $0x38;
	[tilespmem:$0x17000] =	vst v63  }
0x12: {  	_ =	swait.ge [sflag:s9], $0x2800  }
0x13: {  	[sflag:s9] =	ssyncset.done $0x0  }
0x14: {  	[sflag:s9] =	ssyncadd.s32 $0xFFFFD800  }
0x15: {  	[tilespmem:s10], [sflag:$0x2] =	stream.linear.gather [hbm4b:s6+s2], $0x2800, $0x38;
	[tilespmem:$0x17000] =	vst v63  }
0x16: {  	_ =	swait.ge [sflag:s9], $0x2800  }
0x17: {  	[sflag:s9] =	ssyncset.done $0x0  }
0x18: {  	s22 =	simm.s32 @!p0 $0x1C02;
	[sflag:s9] =	ssyncadd.s32 $0xFFFFD800  }
0x19: {  	[spmem:s11], [sflag:s22] =	dma.local @!p0 [hbm:s4], $0x14000  }
0x1a: {  	s22 =	simm.s32 @!p0 $0x2  }
0x1b: {  	_ =	swait.ge @!p0 [sflag:s22], $0x14000  }
0x1c: {  	[sflag:s22] =	ssyncset.done @!p0 $0x0  }
0x1d: {  	[sflag:s22] =	ssyncadd.s32 @!p0 $0xFFFEC000  }
0x1e: {  	[bflag:$0x0] =	sbarrier.arrive $0xFFFF  }
0x1f: {  	[tilespmem:s13], [sflag:$0x1] =	stream.indirect.gather [hbm4b:s3+s12], $0x80, s2, s12, $0xb8;
	[tilespmem:$0x17000] =	vst v63  }
0x20: {  	s28 =	simm.s32 $0x80  }
0x21: {  	[tilespmem:s14], [sflag:$0x1] =	stream.indirect.gather [hbm4b:s3+s12], $0x80, s28, s12, $0xb8;
	[tilespmem:$0x17000] =	vst v63  }
0x22: {  	_ =	swait.ge [sflag:s15], $0x3E80  }
0x23: {  	[sflag:s15] =	ssyncset.done $0x0  }
0x24: {  	s29 =	simm.s32 $0x2800;
	[sflag:s15] =	ssyncadd.s32 $0xFFFFC180  }
0x25: {  	[spmem:s1] =	stream.indirect.scatter.add.f32 [tilespmem:s13], [sflag:$0x2], $0x80, s29, s12, $0xb8;
	[tilespmem:$0x17000] =	vst v63  }
0x26: {  	_ =	swait.ge [sflag:s9], $0x3E80  }
0x27: {  	[sflag:s9] =	ssyncset.done $0x0  }
0x28: {  	s30 =	simm.s32 $0x100;
	[sflag:s9] =	ssyncadd.s32 $0xFFFFC180  }
0x29: {  	[tilespmem:s13], [sflag:$0x1] =	stream.indirect.gather [hbm4b:s3+s12], $0x80, s30, s12, $0xb8;
	[tilespmem:$0x17000] =	vst v63  }
0x2a: {  	_ =	swait.ge [sflag:s15], $0x3E80  }
0x2b: {  	[sflag:s15] =	ssyncset.done $0x0  }
0x2c: {  	s31 =	simm.s32 $0x2880;
	[sflag:s15] =	ssyncadd.s32 $0xFFFFC180  }
0x2d: {  	[spmem:s1] =	stream.indirect.scatter.add.f32 [tilespmem:s14], [sflag:$0x2], $0x80, s31, s12, $0xb8;
	[tilespmem:$0x17000] =	vst v63  }
0x2e: {  	_ =	swait.ge [sflag:s9], $0x3E80  }
0x2f: {  	s23 =	simm.s32 $0xC00;
	s22 =	simm.s32 $0x200;
	[sflag:s9] =	ssyncset.done $0x0  }
.LBB2_2:
0x30: {  	s24 =	sadd.s32 $0xFFFFFF80, s22  }
0x31: {  	[sflag:s9] =	ssyncadd.s32 $0xFFFFC180;
	s25 =	smov.u32 s23;
	s26 =	sadd.s32 $0x400, s23  }
0x32: {  	[tilespmem:s14], [sflag:$0x1] =	stream.indirect.gather [hbm4b:s3+s12], $0x80, s24, s12, $0xb8;
	[tilespmem:$0x17000] =	vst v63  }
0x33: {  	p1 =	sne.s32 s23, $0x9C00;
	_ =	swait.ge [sflag:s15], $0x3E80  }
0x34: {  	[sflag:s15] =	ssyncset.done $0x0  }
0x35: {  	s23 =	sadd.s32 $0x2700, s22;
	[sflag:s15] =	ssyncadd.s32 $0xFFFFC180  }
0x36: {  	[spmem:s1] =	stream.indirect.scatter.add.f32 [tilespmem:s13], [sflag:$0x2], $0x80, s23, s12, $0xb8;
	[tilespmem:$0x17000] =	vst v63  }
0x37: {  	_ =	swait.ge [sflag:s9], $0x3E80  }
0x38: {  	[sflag:s9] =	ssyncset.done $0x0  }
0x39: {  	[sflag:s9] =	ssyncadd.s32 $0xFFFFC180  }
0x3a: {  	[tilespmem:s13], [sflag:$0x1] =	stream.indirect.gather [hbm4b:s3+s12], $0x80, s22, s12, $0xb8;
	[tilespmem:$0x17000] =	vst v63  }
0x3b: {  	_ =	swait.ge [sflag:s15], $0x3E80  }
.Ltmp0:
0x3c: {  	[sflag:s15] =	ssyncset.done $0x0;
	(pc) =	sbr.rel @p1 .LBB2_2-.Ltmp0, $4  }
0x3d: {  	s22 =	sadd.s32 $0x2780, s22;
	[sflag:s15] =	ssyncadd.s32 $0xFFFFC180  }
0x3e: {  	[spmem:s1] =	stream.indirect.scatter.add.f32 [tilespmem:s14], [sflag:$0x2], $0x80, s22, s12, $0xb8;
	[tilespmem:$0x17000] =	vst v63  }
0x3f: {  	_ =	swait.ge [sflag:s9], $0x3E80  }
0x40: {  	s23 =	smov.u32 s26;
	s22 =	sshra.s32 s25, $0x2;
	[sflag:s9] =	ssyncset.done $0x0  }
0x41: {  	s23 =	sadd.s32 $0xFFFFFF80, s22;
	[sflag:s9] =	ssyncadd.s32 $0xFFFFC180  }
0x42: {  	[tilespmem:s14], [sflag:$0x1] =	stream.indirect.gather [hbm4b:s3+s12], $0x80, s23, s12, $0xb8;
	[tilespmem:$0x17000] =	vst v63  }
0x43: {  	_ =	swait.ge [sflag:s15], $0x3E80  }
0x44: {  	[sflag:s15] =	ssyncset.done $0x0  }
0x45: {  	s30 =	sadd.s32 $0x2700, s22;
	[sflag:s15] =	ssyncadd.s32 $0xFFFFC180  }
0x46: {  	[spmem:s1] =	stream.indirect.scatter.add.f32 [tilespmem:s13], [sflag:$0x2], $0x80, s30, s12, $0xb8;
	[tilespmem:$0x17000] =	vst v63  }
0x47: {  	_ =	swait.ge [sflag:s9], $0x3E80  }
0x48: {  	[sflag:s9] =	ssyncset.done $0x0  }
0x49: {  	[sflag:s9] =	ssyncadd.s32 $0xFFFFC180  }
0x4a: {  	[tilespmem:s13], [sflag:$0x1] =	stream.indirect.gather [hbm4b:s3+s12], $0x80, s22, s12, $0xb8;
	[tilespmem:$0x17000] =	vst v63  }
0x4b: {  	_ =	swait.ge [sflag:s15], $0x3E80  }
0x4c: {  	[sflag:s15] =	ssyncset.done $0x0  }
0x4d: {  	s31 =	sadd.s32 $0x2780, s22;
	[sflag:s15] =	ssyncadd.s32 $0xFFFFC180  }
0x4e: {  	[spmem:s1] =	stream.indirect.scatter.add.f32 [tilespmem:s14], [sflag:$0x2], $0x80, s31, s12, $0xb8;
	[tilespmem:$0x17000] =	vst v63  }
0x4f: {  	_ =	swait.ge [sflag:s9], $0x3E80  }
0x50: {  	[sflag:s9] =	ssyncset.done $0x0  }
0x51: {  	[sflag:s9] =	ssyncadd.s32 $0xFFFFC180  }
0x52: {  	[tilespmem:s14], [sflag:$0x1] =	stream.indirect.gather [hbm4b:s3+s12], $0x80, s16, s12, $0xb8;
	[tilespmem:$0x17000] =	vst v63  }
0x53: {  	_ =	swait.ge [sflag:s15], $0x3E80  }
0x54: {  	[sflag:s15] =	ssyncset.done $0x0  }
0x55: {  	[sflag:s15] =	ssyncadd.s32 $0xFFFFC180  }
0x56: {  	[spmem:s1] =	stream.indirect.scatter.add.f32 [tilespmem:s13], [sflag:$0x2], $0x80, s17, s12, $0xb8;
	[tilespmem:$0x17000] =	vst v63  }
0x57: {  	_ =	swait.ge [sflag:s9], $0x3E80  }
0x58: {  	[sflag:s9] =	ssyncset.done $0x0  }
0x59: {  	[sflag:s9] =	ssyncadd.s32 $0xFFFFC180  }
0x5a: {  	_ =	swait.ge [sflag:s15], $0x3E80  }
0x5b: {  	[sflag:s15] =	ssyncset.done $0x0  }
0x5c: {  	[sflag:s15] =	ssyncadd.s32 $0xFFFFC180  }
0x5d: {  	[spmem:s1] =	stream.indirect.scatter.add.f32 [tilespmem:s14], [sflag:$0x2], $0x80, s18, s12, $0xb8;
	[tilespmem:$0x17000] =	vst v63  }
0x5e: {  	_ =	swait.ge [sflag:s9], $0x3E80  }
0x5f: {  	s21 =	sadd.s32 $0x1, s21;
	[sflag:s9] =	ssyncset.done $0x0  }
0x60: {  	p1 =	sne.s32 s21, s8;
	[sflag:s9] =	ssyncadd.s32 $0xFFFFC180  }
.Ltmp1:
0x61: {  	[bflag:$0x0] =	sbarrier.arrive $0xFFFF;
	(pc) =	sbr.rel @p1 .LBB2_1-.Ltmp1, $4  }
0x62: {  	[hbm:s7], [sflag:s19] =	dma.local [spmem:s20], $0x1400  }
0x63: {  	_ =	swait.ge [sflag:s9], $0x1400  }
0x64: {  	[sflag:s9] =	ssyncset.done $0x0  }
0x65: {  	[sflag:s9] =	ssyncadd.s32 $0xFFFFEC00  }
0x66: {  	_ =	sfence.sel $0x180000  }
0x67: {  	[bflag:$0x0] =	sbarrier.arrive $0xFFFF  }
0x68: {  	_ =	strace $0x90000053  }
0x69: {  	s0 =	sadd.s32 @!p0 $0x100000, s0;
	[bflag:$0x2] =	sbarrier.arrive $0xFFFF  }
0x6a: {  	[sflag:s0] =	ssyncadd.tile.s32 @!p0 $0x1;
	_ =	shalt  }
.Lfunc_end2:
_tile_overlayer_lowered:
.L_overlay_start_2:
0x6b: {  	(tag) =	ssettag $0x2  }
0x6c: {  	s0 =	rddreg [dreg:$0x0];
	s2 =	stileid.u32  }
0x6d: {  	s1 =	rddreg [dreg:$0x1];
	p0 =	sne.s32 s2, $0x0  }
0x6e: {  	s3 =	rddreg [dreg:$0x2];
	[bflag:$0x3] =	sbarrier.arrive $0xFFFF;
	s2 =	simm.s32 @!p0 $0x1C02  }
0x6f: {  	[timem:s3], [sflag:s2] =	dma.local @!p0 [hbm:s0], s1  }
0x70: {  	s0 =	simm.s32 @!p0 $0x2  }
0x71: {  	_ =	swait.ge @!p0 [sflag:s0], s1  }
0x72: {  	s1 =	ssub.s32 @!p0 $0x0, s1;
	[sflag:s0] =	ssyncset.done @!p0 $0x0  }
0x73: {  	[sflag:s0] =	ssyncadd.s32 @!p0 s1  }
0x74: {  	[bflag:$0x3] =	sbarrier.arrive $0xFFFF  }
0x75: {  	_ =	shalt  }

// kernel: kernel.28.cloned.1.call-start
scs
__scs_entry_jumppad:
0x0: {  	(pc) =	sbr.rel $0x88, $3  }
0x1: {  	(tag) =	ssettag $0x0;
	lr =	simm.s32 $0x1  }
0x2: {  	[smem:$0x3F9A] =	sst lr;
	_ =	strace $0xD0000000  }
0x3: {  	_ = 	snop  }
0x4: {  	_ = 	snop  }
0x5: {  	_ = 	snop  }
0x6: {  	_ = 	snop  }
0x7: {  	_ = 	snop  }
__scs_overlays_trampoline_lowered:
0x8: {  	[smem:$0x3FA9] =	sst s0  }
0x9: {  	[smem:$0x3FAA] =	sst s1  }
0xa: {  	[smem:$0x3FAB] =	sst s2  }
0xb: {  	[smem:$0x3FAC] =	sst s3  }
0xc: {  	[smem:$0x3FAD] =	sst s4  }
0xd: {  	[smem:$0x3FAE] =	sst s5  }
0xe: {  	[smem:$0x3FAF] =	sst s6  }
0xf: {  	[smem:$0x3FB0] =	sst s7  }
0x10: {  	[smem:$0x3FB1] =	sst s8  }
0x11: {  	[smem:$0x3FB2] =	sst s9;
	s0 =	simm.s32 @!p0 $0x0  }
0x12: {  	s1 =	sld [smem:$0x3F98];
	s0 =	simm.s32 @p0 $0x1  }
0x13: {  	[smem:$0x3FB3] =	sst s0;
	s0 =	simm.s32 @!p1 $0x0  }
0x14: {  	s2 =	sld [smem:$0x3F97];
	s0 =	simm.s32 @p1 $0x1  }
0x15: {  	[smem:$0x3FB4] =	sst s0;
	s0 =	simm.s32 @!p2 $0x0  }
0x16: {  	s3 =	sld [smem:$0x3FDB];
	s0 =	simm.s32 @p2 $0x1  }
0x17: {  	s4 =	simm.s32 $0x1BF5;
	[smem:$0x3FB6] =	sst s0  }
0x18: {  	s0 =	sld [smem:$0x3F99];
	_ =	swait.ge [sflag:s4], $0x0  }
0x19: {  	s7 =	sld [smem:$0x3F9A]  }
0x1a: {  	s8 =	sadd.s32 $0xFFFFE003, lr  }
0x1b: {  	s9 =	sadd.s32 $0xFFFFFEF7, lr;
	s5 =	simm.s32 $0xFFFFFFFF;
	p2 =	slt.u32 s8, $0xFFFFF086  }
0x1c: {  	p1 =	slt.u32 s9, $0xF7A;
	s5 =	simm.s32 @!p2 $0x0  }
0x1d: {  	s5 =	simm.s32 @p1 $0x1;
	p0 =	seq.s32 s7, s2  }
0x1e: {  	s7 =	smul.u32 @!p0 $0xF7A, s2;
	p2 =	seq.s32 @!p0 s5, $0x0  }
0x1f: {  	s9 =	smul.u32 $0xF7A, s1;
	s8 =	simm.s32 @!p0 $0x1BF5;
	p2 =	por !p2, p0  }
0x20: {  	[sflag:s8] =	ssyncset.s32 @!p0 $0xFFFFF086;
	s6 =	sadd.s32 @!p0 s3, s7;
	s7 =	simm.s32 @!p0 $0x108  }
0x21: {  	s3 =	sadd.s32 s3, s9;
	s6 =	sadd.s32 @!p0 $0x88, s6;
	s7 =	simm.s32 @p2 $0x1082  }
0x22: {  	[simem:s7], [sflag:s8] =	dma.local @!p0 [hbm:s6], $0xF7A  }
0x23: {  	s9 =	sor.u32 $0xD0000000, s2;
	s6 =	simm.s32 $0x108;
	_ =	swait.ge @!p0 [sflag:s8], $0x0  }
0x24: {  	s3 =	sadd.s32 $0x88, s3;
	s6 =	simm.s32 @!p1 $0x1082;
	[sflag:s4] =	ssyncset.s32 $0xFFFFF086  }
0x25: {  	[simem:s6], [sflag:s4] =	dma.local [hbm:s3], $0xF7A  }
0x26: {  	[smem:$0x3F9A] =	sst s1;
	(tag) =	ssettag s2;
	_ =	strace s9  }
0x27: {  	s1 =	sld [smem:$0x3FAA]  }
0x28: {  	s2 =	sld [smem:$0x3FAB]  }
0x29: {  	s4 =	sld [smem:$0x3FAD]  }
0x2a: {  	p0 =	seq.s32 s5, $0x0;
	s5 =	sld [smem:$0x3FAE]  }
0x2b: {  	s6 =	sld [smem:$0x3FAF]  }
0x2c: {  	s7 =	sld [smem:$0x3FB0]  }
0x2d: {  	s3 =	simm.s32 $0x108;
	s8 =	sld [smem:$0x3FB1]  }
0x2e: {  	s3 =	simm.s32 @!p0 $0x1082;
	s9 =	sld [smem:$0x3FB2]  }
0x2f: {  	lr =	sadd.s32 s0, s3;
	s0 =	sld [smem:$0x3FA9]  }
0x30: {  	s3 =	sld [smem:$0x3FAC]  }
0x31: {  	[smem:$0x3FB5] =	sst s10  }
0x32: {  	s10 =	sld [smem:$0x3FB3];
	_ =	sdelay $0x3  }
0x33: {  	p0 =	seq.s32 s10, $0x1;
	s10 =	sld [smem:$0x3FB5];
	_ =	sdelay $0x3  }
0x34: {  	[smem:$0x3FB5] =	sst s10  }
0x35: {  	s10 =	sld [smem:$0x3FB4];
	_ =	sdelay $0x3  }
0x36: {  	p1 =	seq.s32 s10, $0x1;
	s10 =	sld [smem:$0x3FB5];
	_ =	sdelay $0x3  }
0x37: {  	[smem:$0x3FB5] =	sst s10  }
0x38: {  	s10 =	sld [smem:$0x3FB6]  }
0x39: {  	_ = 	snop;
	(pc) =	sbr.ind lr, $3  }
0x3a: {  	_ = 	snop  }
0x3b: {  	_ = 	snop  }
0x3c: {  	p2 =	seq.s32 s10, $0x1;
	s10 =	sld [smem:$0x3FB5]  }
0x3d: {  	_ =	shalt  }
0x3e: {  	_ =	shalt  }
0x3f: {  	_ =	shalt  }
0x40: {  	_ =	shalt  }
0x41: {  	_ =	shalt  }
0x42: {  	_ =	shalt  }
0x43: {  	_ =	shalt  }
0x44: {  	_ =	shalt  }
0x45: {  	_ =	shalt  }
0x46: {  	_ =	shalt  }
0x47: {  	_ =	shalt  }
0x48: {  	_ =	shalt  }
0x49: {  	_ =	shalt  }
0x4a: {  	_ =	shalt  }
0x4b: {  	_ =	shalt  }
0x4c: {  	_ =	shalt  }
0x4d: {  	_ =	shalt  }
0x4e: {  	_ =	shalt  }
0x4f: {  	_ =	shalt  }
0x50: {  	_ =	shalt  }
0x51: {  	_ =	shalt  }
0x52: {  	_ =	shalt  }
0x53: {  	_ =	shalt  }
0x54: {  	_ =	shalt  }
0x55: {  	_ =	shalt  }
0x56: {  	_ =	shalt  }
0x57: {  	_ =	shalt  }
0x58: {  	_ =	shalt  }
0x59: {  	_ =	shalt  }
0x5a: {  	_ =	shalt  }
0x5b: {  	_ =	shalt  }
0x5c: {  	_ =	shalt  }
0x5d: {  	_ =	shalt  }
0x5e: {  	_ =	shalt  }
0x5f: {  	_ =	shalt  }
0x60: {  	_ =	shalt  }
0x61: {  	_ =	shalt  }
0x62: {  	_ =	shalt  }
0x63: {  	_ =	shalt  }
0x64: {  	_ =	shalt  }
0x65: {  	_ =	shalt  }
0x66: {  	_ =	shalt  }
0x67: {  	_ =	shalt  }
0x68: {  	_ =	shalt  }
0x69: {  	_ =	shalt  }
0x6a: {  	_ =	shalt  }
0x6b: {  	_ =	shalt  }
0x6c: {  	_ =	shalt  }
0x6d: {  	_ =	shalt  }
0x6e: {  	_ =	shalt  }
0x6f: {  	_ =	shalt  }
0x70: {  	_ =	shalt  }
0x71: {  	_ =	shalt  }
0x72: {  	_ =	shalt  }
0x73: {  	_ =	shalt  }
0x74: {  	_ =	shalt  }
0x75: {  	_ =	shalt  }
0x76: {  	_ =	shalt  }
0x77: {  	_ =	shalt  }
0x78: {  	_ =	shalt  }
0x79: {  	_ =	shalt  }
0x7a: {  	_ =	shalt  }
0x7b: {  	_ =	shalt  }
0x7c: {  	_ =	shalt  }
0x7d: {  	_ =	shalt  }
0x7e: {  	_ =	shalt  }
0x7f: {  	_ =	shalt  }
0x80: {  	_ =	shalt  }
0x81: {  	_ =	shalt  }
0x82: {  	_ =	shalt  }
0x83: {  	_ =	shalt  }
0x84: {  	_ =	shalt  }
0x85: {  	_ =	shalt  }
0x86: {  	_ =	shalt  }
0x87: {  	_ =	shalt  }
.Lfunc_end0:
.L_simem_size_0:
called_computation.5_lowered:
.L_overlay_start_0:
0x88: {  	s2 =	sld [smem:$0x3FD9]  }
0x89: {  	s3 =	sld [smem:$0x3FFE];
	_ =	sdelay $0x1  }
0x8a: {  	s1 =	srdreg.scid  }
0x8b: {  	s0 =	sand.u32 $0x1, s1  }
0x8c: {  	s16 =	sshll.u32 s0, $0xA;
	s2 =	sadd.s32 s3, s2  }
0x8d: {  	s2 =	sadd.s32 s2, s16  }
0x8e: {  	[smem:$0x3FC1] =	sst s2  }
0x8f: {  	_ = 	snop  }
0x90: {  	(tm) =	ssettm $0x1  }
0x91: {  	s17 =	sld [smem:$0x3FFB];
	_ =	sdelay $0x3  }
0x92: {  	_ =	strace s17  }
0x93: {  	s2 =	sld [smem:$0x3FFC];
	_ =	sdelay $0x3  }
0x94: {  	_ =	strace s2  }
0x95: {  	s2 =	sld [smem:$0x3FFD];
	_ =	sdelay $0x3  }
0x96: {  	_ =	strace s2  }
0x97: {  	_ =	strace $0x8FFFFFFF  }
0x98: {  	s18 =	sld [smem:$0x3FDB];
	_ =	sdelay $0x1  }
0x99: {  	s19 =	simm.s32 $_scs_section_size  }
0x9a: {  	s4 =	simm.s32 $_size__tile_overlayer_lowered;
	s5 =	simm.s32 $_tile_overlayer_lowered  }
0x9b: {  	s22 =	simm.s32 $0x1BFF;
	s21 =	sshll.u32 s5, $0x1;
	s2 =	sadd.s32 s19, s18  }
0x9c: {  	s6 =	simm.s32 $0x0;
	s20 =	sshll.u32 s4, $0x1;
	s4 =	sadd.s32 s21, s2  }
0x9d: {  	[timem:s6], [sflag:s22] =	dma.local [hbm:s4], s20  }
0x9e: {  	_ =	swait.ge [sflag:s22], s20  }
0x9f: {  	s3 =	ssub.s32 $0x0, s20;
	[sflag:s22] =	ssyncset.done $0x0  }
0xa0: {  	[sflag:s22] =	ssyncadd.s32 s3;
	_ =	sdelay $0x1  }
0xa1: {  	s23 =	simm.s32 $0x1B8B  }
0xa2: {  	_ =	swait.ge [sflag:s23], $0x1  }
0xa3: {  	[sflag:s23] =	ssyncset.done $0x0  }
0xa4: {  	s25 =	simm.s32 $0x1B8E;
	s24 =	sld [smem:$0x3FFE];
	[sflag:s23] =	ssyncadd.s32 $0xFFFFFFFF  }
0xa5: {  	s26 =	simm.s32 $execute0_lowered;
	[smem:$0x3FD2] =	sst s25  }
0xa6: {  	s4 =	sshll.u32 s26, $0x1;
	_ =	strace $0x80000055;
	[dreg:$0x1] =	wrdreg $0xFFFFFFFF  }
0xa7: {  	s28 =	simm.s32 $_size_execute0_lowered;
	s2 =	sadd.s32 s2, s4;
	[dreg:$0x0] =	wrdreg $0x0  }
0xa8: {  	s4 =	sshll.u32 s28, $0x1;
	[dreg:$0x2] =	wrdreg s2  }
0xa9: {  	[dreg:$0x3] =	wrdreg s4  }
0xaa: {  	[dreg:$0x4] =	wrdreg $0xC0  }
0xab: {  	_ =	task [dreg:s6], $0x5FFFF  }
0xac: {  	[dreg:$0x1] =	wrdreg $0xFFFFFFFF  }
0xad: {  	[dreg:$0x0] =	wrdreg $0x60  }
0xae: {  	[dreg:$0x2] =	wrdreg s24  }
0xaf: {  	[dreg:$0x3] =	wrdreg $0xD0000  }
0xb0: {  	[dreg:$0x4] =	wrdreg $0x9  }
0xb1: {  	_ =	task.clear_ibuf [dreg:s6], $0x5FFFF;
	_ =	strace $0x90000055  }
0xb2: {  	s29 =	simm.s32 $0x9;
	_ =	strace $0x80000057  }
0xb3: {  	_ =	swait.ge [sflag:s29], $0x1  }
0xb4: {  	[sflag:s29] =	ssyncadd.s32 $0xFFFFFFFF  }
0xb5: {  	_ =	strace $0x90000057  }
0xb6: {  	_ =	sfence  }
0xb7: {  	s30 =	sld [smem:$0x0];
	_ =	sdelay $0x2  }
0xb8: {  	s31 =	sshll.u32 s1, $0xD;
	s1 =	sshrl.u32 s1, $0x2  }
0xb9: {  	s3 =	sand.u32 $0x4000, s31;
	s1 =	sadd.s32 s1, s30  }
0xba: {  	s0 =	sor.u32 s3, s0;
	s1 =	sshll.u32 s1, $0x11  }
0xbb: {  	s0 =	sor.u32 s1, s0  }
0xbc: {  	s0 =	sadd.s32 $0x8F2B, s0  }
0xbd: {  	[sflag:s0] =	ssyncadd.remote.s32 $0x1  }
0xbe: {  	_ =	sfence.sel $0xFFFF  }
0xbf: {  	[dreg:$0x0] =	wrdreg $0xFFFFFFFF;
	(pc) =	sbr.abs _section_cstart, $3  }
0xc0: {  	[dreg:$0x1] =	wrdreg $0xFFFFFFFF  }
0xc1: {  	_ =	task.clear_ibuf [dreg:s6], $0x2FFFF;
	_ =	strace $0x9FFFFFFF  }
0xc2: {  	(tm) =	ssettm $0x7FFFFFFF  }
0xc3: {  	_ =	shalt  }
tec
execute0_lowered:
.L_overlay_start_1:
0x0: {  	(tag) =	ssettag $0x1  }
0x1: {  	s0 =	srdreg.scid  }
0x2: {  	s19 =	stileid.u32;
	s5 =	rddreg [dreg:$0x0]  }
0x3: {  	s1 =	rddreg [dreg:$0x1];
	s2 =	simm.s32 $0x0;
	s12 =	simm.s32 $0x7D  }
0x4: {  	s13 =	simm.s32 $0x5000;
	s14 =	simm.s32 $0x9000;
	s15 =	simm.s32 $0x1  }
0x5: {  	s16 =	simm.s32 $0x2780;
	s17 =	simm.s32 $0x4F00;
	s18 =	simm.s32 $0x4F80  }
0x6: {  	s21 =	simm.s32 $0x0;
	s4 =	sand.u32 $0x1, s0;
	s8 =	smul.u32 $0xA000, s19  }
0x7: {  	[smem:$0x7FF] =	sst s2;
	s3 =	sadd.s32 $0x21C00, s5;
	s10 =	smul.u32 $0x28000, s19  }
0x8: {  	p0 =	sne.s32 s19, $0x0;
	s0 =	sshll.u32 s4, $0x4;
	s7 =	smul.u32 $0xA0000, s4  }
0x9: {  	s30 =	ssub.s32 $0x2, s4;
	s4 =	sadd.s32 $0xDC00, s5;
	s11 =	sshrl.u32 @!p0 s1, $0x3  }
0xa: {  	s0 =	sor.u32 s19, s0;
	s9 =	sshrl.u32 s30, $0x1;
	s31 =	sshrl.u32 s10, $0x2  }
0xb: {  	s10 =	simm.s32 $0x2800;
	s19 =	sshll.u32 s19, $0x6;
	s6 =	smul.u32 $0x500, s0  }
0xc: {  	s0 =	rddreg [dreg:$0x2];
	_ =	strace $0x80000056;
	s7 =	sadd.s32 s8, s7  }
0xd: {  	s8 =	ssub.s32 s30, s9;
	s20 =	sadd.s32 s31, s1;
	s9 =	simm.s32 $0x2  }
0xe: {  	s19 =	sor.u32 $0x1C02, s19;
	s7 =	sshrl.u32 s7, $0x3;
	s8 =	smax.u32 s8, $0x1  }
0xf: {  	s20 =	sshrl.u32 s20, $0x3;
	s6 =	sadd.s32 s6, s5;
	s7 =	sadd.s32 s7, s5  }
0x10: {  	s5 =	sadd.s32 $0x70E00, s6;
	s6 =	sadd.s32 $0x7AE00, s6;
	s7 =	sadd.s32 $0x84E00, s7  }
.LBB2_1:
0x11: {  	[tilespmem:s2], [sflag:$0x2] =	stream.linear.gather [hbm4b:s5+s2], $0x2800, $0x38;
	[tilespmem:$0x17000] =	vst v63  }
0x12: {  	_ =	swait.ge [sflag:s9], $0x2800  }
0x13: {  	[sflag:s9] =	ssyncset.done $0x0  }
0x14: {  	[sflag:s9] =	ssyncadd.s32 $0xFFFFD800  }
0x15: {  	[tilespmem:s10], [sflag:$0x2] =	stream.linear.gather [hbm4b:s6+s2], $0x2800, $0x38;
	[tilespmem:$0x17000] =	vst v63  }
0x16: {  	_ =	swait.ge [sflag:s9], $0x2800  }
0x17: {  	[sflag:s9] =	ssyncset.done $0x0  }
0x18: {  	s22 =	simm.s32 @!p0 $0x1C02;
	[sflag:s9] =	ssyncadd.s32 $0xFFFFD800  }
0x19: {  	[spmem:s11], [sflag:s22] =	dma.local @!p0 [hbm:s4], $0x14000  }
0x1a: {  	s22 =	simm.s32 @!p0 $0x2  }
0x1b: {  	_ =	swait.ge @!p0 [sflag:s22], $0x14000  }
0x1c: {  	[sflag:s22] =	ssyncset.done @!p0 $0x0  }
0x1d: {  	[sflag:s22] =	ssyncadd.s32 @!p0 $0xFFFEC000  }
0x1e: {  	[bflag:$0x0] =	sbarrier.arrive $0xFFFF  }
0x1f: {  	[tilespmem:s13], [sflag:$0x1] =	stream.indirect.gather [hbm4b:s3+s12], $0x80, s2, s12, $0xb8;
	[tilespmem:$0x17000] =	vst v63  }
0x20: {  	s28 =	simm.s32 $0x80  }
0x21: {  	[tilespmem:s14], [sflag:$0x1] =	stream.indirect.gather [hbm4b:s3+s12], $0x80, s28, s12, $0xb8;
	[tilespmem:$0x17000] =	vst v63  }
0x22: {  	_ =	swait.ge [sflag:s15], $0x3E80  }
0x23: {  	[sflag:s15] =	ssyncset.done $0x0  }
0x24: {  	s29 =	simm.s32 $0x2800;
	[sflag:s15] =	ssyncadd.s32 $0xFFFFC180  }
0x25: {  	[spmem:s1] =	stream.indirect.scatter.add.f32 [tilespmem:s13], [sflag:$0x2], $0x80, s29, s12, $0xb8;
	[tilespmem:$0x17000] =	vst v63  }
0x26: {  	_ =	swait.ge [sflag:s9], $0x3E80  }
0x27: {  	[sflag:s9] =	ssyncset.done $0x0  }
0x28: {  	s30 =	simm.s32 $0x100;
	[sflag:s9] =	ssyncadd.s32 $0xFFFFC180  }
0x29: {  	[tilespmem:s13], [sflag:$0x1] =	stream.indirect.gather [hbm4b:s3+s12], $0x80, s30, s12, $0xb8;
	[tilespmem:$0x17000] =	vst v63  }
0x2a: {  	_ =	swait.ge [sflag:s15], $0x3E80  }
0x2b: {  	[sflag:s15] =	ssyncset.done $0x0  }
0x2c: {  	s31 =	simm.s32 $0x2880;
	[sflag:s15] =	ssyncadd.s32 $0xFFFFC180  }
0x2d: {  	[spmem:s1] =	stream.indirect.scatter.add.f32 [tilespmem:s14], [sflag:$0x2], $0x80, s31, s12, $0xb8;
	[tilespmem:$0x17000] =	vst v63  }
0x2e: {  	_ =	swait.ge [sflag:s9], $0x3E80  }
0x2f: {  	s23 =	simm.s32 $0xC00;
	s22 =	simm.s32 $0x200;
	[sflag:s9] =	ssyncset.done $0x0  }
.LBB2_2:
0x30: {  	s24 =	sadd.s32 $0xFFFFFF80, s22  }
0x31: {  	[sflag:s9] =	ssyncadd.s32 $0xFFFFC180;
	s25 =	smov.u32 s23;
	s26 =	sadd.s32 $0x400, s23  }
0x32: {  	[tilespmem:s14], [sflag:$0x1] =	stream.indirect.gather [hbm4b:s3+s12], $0x80, s24, s12, $0xb8;
	[tilespmem:$0x17000] =	vst v63  }
0x33: {  	p1 =	sne.s32 s23, $0x9C00;
	_ =	swait.ge [sflag:s15], $0x3E80  }
0x34: {  	[sflag:s15] =	ssyncset.done $0x0  }
0x35: {  	s23 =	sadd.s32 $0x2700, s22;
	[sflag:s15] =	ssyncadd.s32 $0xFFFFC180  }
0x36: {  	[spmem:s1] =	stream.indirect.scatter.add.f32 [tilespmem:s13], [sflag:$0x2], $0x80, s23, s12, $0xb8;
	[tilespmem:$0x17000] =	vst v63  }
0x37: {  	_ =	swait.ge [sflag:s9], $0x3E80  }
0x38: {  	[sflag:s9] =	ssyncset.done $0x0  }
0x39: {  	[sflag:s9] =	ssyncadd.s32 $0xFFFFC180  }
0x3a: {  	[tilespmem:s13], [sflag:$0x1] =	stream.indirect.gather [hbm4b:s3+s12], $0x80, s22, s12, $0xb8;
	[tilespmem:$0x17000] =	vst v63  }
0x3b: {  	_ =	swait.ge [sflag:s15], $0x3E80  }
.Ltmp0:
0x3c: {  	[sflag:s15] =	ssyncset.done $0x0;
	(pc) =	sbr.rel @p1 .LBB2_2-.Ltmp0, $4  }
0x3d: {  	s22 =	sadd.s32 $0x2780, s22;
	[sflag:s15] =	ssyncadd.s32 $0xFFFFC180  }
0x3e: {  	[spmem:s1] =	stream.indirect.scatter.add.f32 [tilespmem:s14], [sflag:$0x2], $0x80, s22, s12, $0xb8;
	[tilespmem:$0x17000] =	vst v63  }
0x3f: {  	_ =	swait.ge [sflag:s9], $0x3E80  }
0x40: {  	s23 =	smov.u32 s26;
	s22 =	sshra.s32 s25, $0x2;
	[sflag:s9] =	ssyncset.done $0x0  }
0x41: {  	s23 =	sadd.s32 $0xFFFFFF80, s22;
	[sflag:s9] =	ssyncadd.s32 $0xFFFFC180  }
0x42: {  	[tilespmem:s14], [sflag:$0x1] =	stream.indirect.gather [hbm4b:s3+s12], $0x80, s23, s12, $0xb8;
	[tilespmem:$0x17000] =	vst v63  }
0x43: {  	_ =	swait.ge [sflag:s15], $0x3E80  }
0x44: {  	[sflag:s15] =	ssyncset.done $0x0  }
0x45: {  	s30 =	sadd.s32 $0x2700, s22;
	[sflag:s15] =	ssyncadd.s32 $0xFFFFC180  }
0x46: {  	[spmem:s1] =	stream.indirect.scatter.add.f32 [tilespmem:s13], [sflag:$0x2], $0x80, s30, s12, $0xb8;
	[tilespmem:$0x17000] =	vst v63  }
0x47: {  	_ =	swait.ge [sflag:s9], $0x3E80  }
0x48: {  	[sflag:s9] =	ssyncset.done $0x0  }
0x49: {  	[sflag:s9] =	ssyncadd.s32 $0xFFFFC180  }
0x4a: {  	[tilespmem:s13], [sflag:$0x1] =	stream.indirect.gather [hbm4b:s3+s12], $0x80, s22, s12, $0xb8;
	[tilespmem:$0x17000] =	vst v63  }
0x4b: {  	_ =	swait.ge [sflag:s15], $0x3E80  }
0x4c: {  	[sflag:s15] =	ssyncset.done $0x0  }
0x4d: {  	s31 =	sadd.s32 $0x2780, s22;
	[sflag:s15] =	ssyncadd.s32 $0xFFFFC180  }
0x4e: {  	[spmem:s1] =	stream.indirect.scatter.add.f32 [tilespmem:s14], [sflag:$0x2], $0x80, s31, s12, $0xb8;
	[tilespmem:$0x17000] =	vst v63  }
0x4f: {  	_ =	swait.ge [sflag:s9], $0x3E80  }
0x50: {  	[sflag:s9] =	ssyncset.done $0x0  }
0x51: {  	[sflag:s9] =	ssyncadd.s32 $0xFFFFC180  }
0x52: {  	[tilespmem:s14], [sflag:$0x1] =	stream.indirect.gather [hbm4b:s3+s12], $0x80, s16, s12, $0xb8;
	[tilespmem:$0x17000] =	vst v63  }
0x53: {  	_ =	swait.ge [sflag:s15], $0x3E80  }
0x54: {  	[sflag:s15] =	ssyncset.done $0x0  }
0x55: {  	[sflag:s15] =	ssyncadd.s32 $0xFFFFC180  }
0x56: {  	[spmem:s1] =	stream.indirect.scatter.add.f32 [tilespmem:s13], [sflag:$0x2], $0x80, s17, s12, $0xb8;
	[tilespmem:$0x17000] =	vst v63  }
0x57: {  	_ =	swait.ge [sflag:s9], $0x3E80  }
0x58: {  	[sflag:s9] =	ssyncset.done $0x0  }
0x59: {  	[sflag:s9] =	ssyncadd.s32 $0xFFFFC180  }
0x5a: {  	_ =	swait.ge [sflag:s15], $0x3E80  }
0x5b: {  	[sflag:s15] =	ssyncset.done $0x0  }
0x5c: {  	[sflag:s15] =	ssyncadd.s32 $0xFFFFC180  }
0x5d: {  	[spmem:s1] =	stream.indirect.scatter.add.f32 [tilespmem:s14], [sflag:$0x2], $0x80, s18, s12, $0xb8;
	[tilespmem:$0x17000] =	vst v63  }
0x5e: {  	_ =	swait.ge [sflag:s9], $0x3E80  }
0x5f: {  	s21 =	sadd.s32 $0x1, s21;
	[sflag:s9] =	ssyncset.done $0x0  }
0x60: {  	p1 =	sne.s32 s21, s8;
	[sflag:s9] =	ssyncadd.s32 $0xFFFFC180  }
.Ltmp1:
0x61: {  	[bflag:$0x0] =	sbarrier.arrive $0xFFFF;
	(pc) =	sbr.rel @p1 .LBB2_1-.Ltmp1, $4  }
0x62: {  	[hbm:s7], [sflag:s19] =	dma.local [spmem:s20], $0x1400  }
0x63: {  	_ =	swait.ge [sflag:s9], $0x1400  }
0x64: {  	[sflag:s9] =	ssyncset.done $0x0  }
0x65: {  	[sflag:s9] =	ssyncadd.s32 $0xFFFFEC00  }
0x66: {  	_ =	sfence.sel $0x180000  }
0x67: {  	[bflag:$0x0] =	sbarrier.arrive $0xFFFF  }
0x68: {  	_ =	strace $0x90000056  }
0x69: {  	s0 =	sadd.s32 @!p0 $0x100000, s0;
	[bflag:$0x2] =	sbarrier.arrive $0xFFFF  }
0x6a: {  	[sflag:s0] =	ssyncadd.tile.s32 @!p0 $0x1;
	_ =	shalt  }
.Lfunc_end2:
_tile_overlayer_lowered:
.L_overlay_start_2:
0x6b: {  	(tag) =	ssettag $0x2  }
0x6c: {  	s0 =	rddreg [dreg:$0x0];
	s2 =	stileid.u32  }
0x6d: {  	s1 =	rddreg [dreg:$0x1];
	p0 =	sne.s32 s2, $0x0  }
0x6e: {  	s3 =	rddreg [dreg:$0x2];
	[bflag:$0x3] =	sbarrier.arrive $0xFFFF;
	s2 =	simm.s32 @!p0 $0x1C02  }
0x6f: {  	[timem:s3], [sflag:s2] =	dma.local @!p0 [hbm:s0], s1  }
0x70: {  	s0 =	simm.s32 @!p0 $0x2  }
0x71: {  	_ =	swait.ge @!p0 [sflag:s0], s1  }
0x72: {  	s1 =	ssub.s32 @!p0 $0x0, s1;
	[sflag:s0] =	ssyncset.done @!p0 $0x0  }
0x73: {  	[sflag:s0] =	ssyncadd.s32 @!p0 s1  }
0x74: {  	[bflag:$0x3] =	sbarrier.arrive $0xFFFF  }
0x75: {  	_ =	shalt  }

</sc_bundles>
